<compile_context>
chip_gen: v7x
topology: tpu7x:2x2x1
jax: 0.10.2.dev20260603
libtpu: 0.0.44.dev20260713+nightly
codegen_flags: <defaults>
</compile_context>

<pallas_src>
import functools

import jax
import jax.numpy as jnp
from jax import lax
from jax.experimental import pallas as pl
from jax.experimental.pallas import tpu as pltpu
from jax.experimental.pallas import tpu_sc as plsc

_NQ = 4096
_K = 8192
_L = 16
_NC = 2
_NS = 16
_NW = _NC * _NS
_SC_Q = 1536
_TC_BLK = 256


def _build_sc_kernel(sq):
    qpw = sq // _NW
    nvec = qpw // _L
    mesh = plsc.VectorSubcoreMesh(core_axis_name="c", subcore_axis_name="s")

    @functools.partial(
        pl.kernel,
        mesh=mesh,
        out_type=[
            jax.ShapeDtypeStruct((sq,), jnp.float32),
            jax.ShapeDtypeStruct((sq,), jnp.float32),
        ],
        scratch_types=[
            pltpu.VMEM((qpw,), jnp.float32),
            pltpu.VMEM((qpw,), jnp.float32),
            pltpu.VMEM((_K,), jnp.float32),
            pltpu.VMEM((_K,), jnp.float32),
            pltpu.VMEM((qpw,), jnp.float32),
            pltpu.VMEM((qpw,), jnp.float32),
            pltpu.VMEM((qpw,), jnp.int32),
            pltpu.VMEM((qpw,), jnp.float32),
            pltpu.VMEM((qpw,), jnp.float32),
            pltpu.SemaphoreType.DMA,
        ],
    )
    def sc_kernel(ax_hbm, ay_hbm, bx_hbm, by_hbm, ox_hbm, oy_hbm,
                  ax_v, ay_v, bx_v, by_v, ox_v, oy_v, idx_v, gx_v, gy_v, sem):
        wid = lax.axis_index("s") * _NC + lax.axis_index("c")
        base = wid * qpw
        pltpu.sync_copy(ax_hbm.at[pl.ds(base, qpw)], ax_v)
        pltpu.sync_copy(ay_hbm.at[pl.ds(base, qpw)], ay_v)
        pltpu.sync_copy(bx_hbm, bx_v)
        pltpu.sync_copy(by_hbm, by_v)

        axs = [ax_v[pl.ds(j * _L, _L)] for j in range(nvec)]
        ays = [ay_v[pl.ds(j * _L, _L)] for j in range(nvec)]

        inf = jnp.full((_L,), jnp.inf, jnp.float32)
        zi = jnp.zeros((_L,), jnp.int32)
        carry0 = tuple([inf] * nvec + [zi] * nvec)

        def body(c, carry):
            ms = list(carry[:nvec])
            kb = list(carry[nvec:])
            kbase = c * _L
            bxc = bx_v[pl.ds(kbase, _L)]
            byc = by_v[pl.ds(kbase, _L)]
            for t in range(_L):
                bxk = bxc[t]
                byk = byc[t]
                kvec = jnp.full((_L,), kbase + t, jnp.int32)
                for j in range(nvec):
                    dx = axs[j] - bxk
                    dy = ays[j] - byk
                    cheb = jnp.maximum(jnp.abs(dx), jnp.abs(dy))
                    pred = cheb < ms[j]
                    ms[j] = jnp.minimum(ms[j], cheb)
                    kb[j] = jnp.where(pred, kvec, kb[j])
            return tuple(ms + kb)

        carry = lax.fori_loop(0, _K // _L, body, carry0, unroll=4)
        for j in range(nvec):
            idx_v[pl.ds(j * _L, _L)] = carry[nvec + j]
        pltpu.async_copy(bx_hbm.at[idx_v], gx_v, sem).wait()
        pltpu.async_copy(by_hbm.at[idx_v], gy_v, sem).wait()
        for j in range(nvec):
            ox_v[pl.ds(j * _L, _L)] = axs[j] - gx_v[pl.ds(j * _L, _L)]
            oy_v[pl.ds(j * _L, _L)] = ays[j] - gy_v[pl.ds(j * _L, _L)]

        pltpu.sync_copy(ox_v, ox_hbm.at[pl.ds(base, qpw)])
        pltpu.sync_copy(oy_v, oy_hbm.at[pl.ds(base, qpw)])

    return sc_kernel


def _tc_body(a_ref, bx_ref, by_ref, iota_ref, o_ref):
    ax = a_ref[:, 0:1]
    ay = a_ref[:, 1:2]
    bx = bx_ref[:, :]
    by = by_ref[:, :]
    iota = iota_ref[:, :]
    cheb = jnp.maximum(jnp.abs(ax - bx), jnp.abs(ay - by))
    m = jnp.min(cheb, axis=1, keepdims=True)
    idxm = jnp.where(cheb == m, iota, jnp.float32(_K))
    idx = jnp.min(idxm, axis=1, keepdims=True)
    onehot = (iota == idx).astype(jnp.bfloat16)
    b2 = jnp.concatenate([bx, by], axis=0)
    hi = b2.astype(jnp.bfloat16)
    r1 = b2 - hi.astype(jnp.float32)
    mid = r1.astype(jnp.bfloat16)
    lo = (r1 - mid.astype(jnp.float32)).astype(jnp.bfloat16)
    b6 = jnp.concatenate([hi, mid, lo], axis=0)
    sel6 = lax.dot_general(onehot, b6, (((1,), (1,)), ((), ())),
                           preferred_element_type=jnp.float32)
    sel = sel6[:, 0:2] + sel6[:, 2:4] + sel6[:, 4:6]
    o_ref[:, :] = jnp.concatenate([ax, ay], axis=1) - sel


def _tc_call(a2, bx, by):
    tq = a2.shape[0]
    grid = (tq // _TC_BLK,)
    aspec = pl.BlockSpec((_TC_BLK, 2), lambda i: (i, 0))
    bspec = pl.BlockSpec((1, _K), lambda i: (0, 0))
    iota_row = jnp.arange(_K, dtype=jnp.float32)[None, :]
    return pl.pallas_call(
        _tc_body,
        grid=grid,
        in_specs=[aspec, bspec, bspec, bspec],
        out_specs=aspec,
        out_shape=jax.ShapeDtypeStruct((tq, 2), jnp.float32),
    )(a2, bx[None, :], by[None, :], iota_row)


def kernel(A, B):
    flat = A.reshape(_NQ, 2)
    bx = B[0]
    by = B[1]
    ox_sc, oy_sc = _build_sc_kernel(_SC_Q)(
        flat[:_SC_Q, 0], flat[:_SC_Q, 1], bx, by)
    tc_part = _tc_call(flat[_SC_Q:], bx, by)
    sc_part = jnp.stack([ox_sc, oy_sc], axis=-1)
    out = jnp.concatenate([sc_part, tc_part])
    return out.reshape(A.shape)

# --- scband reference (transcript-rebuilt; emitter-appended) ---
"""Pipeline reference for scband-pairwise-subtraction-layer-23665269801128 (READ-ONLY COPY).

The authoritative reference and input builder live on the scoring server;
editing this copy changes nothing except your own understanding.
"""

import jax, jax.numpy as jnp
import numpy as np


def setup_inputs(seed: int = 0) -> dict:
    key = jax.random.key(seed)
    kA, kB = jax.random.split(key)
    A = jax.random.normal(kA, (8, 512, 2), dtype=jnp.float32)
    B = jax.random.normal(kB, (2, 8192), dtype=jnp.float32)
    return {"A": A, "B": B}


def reference(A, B):
    # A: [batch, L, 2] query points; B: [2, K] codebook of forbidden points.
    A_expanded = A[:, :, :, None]           # [batch, L, 2, 1]
    B_expanded = B[None, :, :]              # [1, 2, K] -> broadcasts to [batch, L, 2, K]
    C = A_expanded - B_expanded             # [batch, L, 2, K]
    # Chebyshev (L-inf) distance over the coordinate dim (dim=2)
    cheb = jnp.max(jnp.abs(C), axis=2, keepdims=True)   # [batch, L, 1, K]
    finIndex = jnp.argmin(cheb, axis=3)                 # [batch, L, 1]
    finIndex = jnp.tile(finIndex, (1, 1, 2))            # [batch, L, 2]
    valsMin = jnp.take_along_axis(C, finIndex[:, :, :, None], axis=3)  # [batch, L, 2, 1]
    finFin = jnp.squeeze(valsMin, axis=3)               # [batch, L, 2]
    return finFin

if __name__ == "__main__":
    import jax
    _d = setup_inputs()
    print(jax.jit(kernel)(*tuple(_d.values())))

</pallas_src>

<mosaic_0001>
#map = affine_map<(d0, d1) -> (0)>
module attributes {stable_mosaic.version = 14 : i64} {
  func.func @sc_kernel(%arg0: i32, %arg1: i32, %arg2: memref<1536xf32, #tpu.memory_space<hbm>>, %arg3: memref<1536xf32, #tpu.memory_space<hbm>>, %arg4: memref<8192xf32, #tpu.memory_space<hbm>>, %arg5: memref<8192xf32, #tpu.memory_space<hbm>>, %arg6: memref<1536xf32, #tpu.memory_space<hbm>>, %arg7: memref<1536xf32, #tpu.memory_space<hbm>>, %arg8: memref<48xf32, #tpu.memory_space<vmem>>, %arg9: memref<48xf32, #tpu.memory_space<vmem>>, %arg10: memref<8192xf32, #tpu.memory_space<vmem>>, %arg11: memref<8192xf32, #tpu.memory_space<vmem>>, %arg12: memref<48xf32, #tpu.memory_space<vmem>>, %arg13: memref<48xf32, #tpu.memory_space<vmem>>, %arg14: memref<48xi32, #tpu.memory_space<vmem>>, %arg15: memref<48xf32, #tpu.memory_space<vmem>>, %arg16: memref<48xf32, #tpu.memory_space<vmem>>, %arg17: memref<!tpu.dma_semaphore, #tpu.memory_space<semaphore_mem>>) attributes {dimension_semantics = [#tpu.dimension_semantics<core_parallel>, #tpu.dimension_semantics<subcore_parallel>], iteration_bounds = array<i64: 2, 16>, scalar_prefetch = 0 : i64, scratch_operands = 10 : i64, tpu.core_type = #tpu.core_type<sc_vector_subcore>, window_params = [{transform_indices = #map}, {transform_indices = #map}, {transform_indices = #map}, {transform_indices = #map}, {transform_indices = #map}, {transform_indices = #map}]} {
    %mul3A = arith.constant 2 : i32
    %mul3A_0 = arith.muli %arg1, %mul3A : i32
    %add3A = arith.addi %mul3A_0, %arg0 : i32
    %mul3A_1 = arith.constant 48 : i32
    %mul3A_2 = arith.muli %add3A, %mul3A_1 : i32
    "tpu.region"() ({
      %run_scoped3A = tpu.sem_alloc : memref<!tpu.dma_semaphore, #tpu.memory_space<semaphore_mem>>
      %dma_start3A_92 = tpu.memref_slice %arg2[%mul3A_2] : memref<1536xf32, #tpu.memory_space<hbm>> -> memref<48xf32, #tpu.memory_space<hbm>>
      %dma_start3A_93 = tpu.memref_slice %arg2[%mul3A_2] : memref<1536xf32, #tpu.memory_space<hbm>> -> memref<48xf32, #tpu.memory_space<hbm>>
      tpu.enqueue_dma source(%dma_start3A_93 : memref<48xf32, #tpu.memory_space<hbm>>) target(%arg8 : memref<48xf32, #tpu.memory_space<vmem>>) target_semaphore(%run_scoped3A : memref<!tpu.dma_semaphore, #tpu.memory_space<semaphore_mem>>)
      %dma_wait3A_94 = tpu.memref_slice %arg2[%mul3A_2] : memref<1536xf32, #tpu.memory_space<hbm>> -> memref<48xf32, #tpu.memory_space<hbm>>
      %dma_wait3A_95 = tpu.memref_slice %arg2[%mul3A_2] : memref<1536xf32, #tpu.memory_space<hbm>> -> memref<48xf32, #tpu.memory_space<hbm>>
      tpu.wait_dma2 semaphore(%run_scoped3A : memref<!tpu.dma_semaphore, #tpu.memory_space<semaphore_mem>>) src(%dma_wait3A_95 : memref<48xf32, #tpu.memory_space<hbm>>) dst(%arg8 : memref<48xf32, #tpu.memory_space<vmem>>)
      tpu.yield
    }) : () -> ()
    "tpu.region"() ({
      %run_scoped3A = tpu.sem_alloc : memref<!tpu.dma_semaphore, #tpu.memory_space<semaphore_mem>>
      %dma_start3A_92 = tpu.memref_slice %arg3[%mul3A_2] : memref<1536xf32, #tpu.memory_space<hbm>> -> memref<48xf32, #tpu.memory_space<hbm>>
      %dma_start3A_93 = tpu.memref_slice %arg3[%mul3A_2] : memref<1536xf32, #tpu.memory_space<hbm>> -> memref<48xf32, #tpu.memory_space<hbm>>
      tpu.enqueue_dma source(%dma_start3A_93 : memref<48xf32, #tpu.memory_space<hbm>>) target(%arg9 : memref<48xf32, #tpu.memory_space<vmem>>) target_semaphore(%run_scoped3A : memref<!tpu.dma_semaphore, #tpu.memory_space<semaphore_mem>>)
      %dma_wait3A_94 = tpu.memref_slice %arg3[%mul3A_2] : memref<1536xf32, #tpu.memory_space<hbm>> -> memref<48xf32, #tpu.memory_space<hbm>>
      %dma_wait3A_95 = tpu.memref_slice %arg3[%mul3A_2] : memref<1536xf32, #tpu.memory_space<hbm>> -> memref<48xf32, #tpu.memory_space<hbm>>
      tpu.wait_dma2 semaphore(%run_scoped3A : memref<!tpu.dma_semaphore, #tpu.memory_space<semaphore_mem>>) src(%dma_wait3A_95 : memref<48xf32, #tpu.memory_space<hbm>>) dst(%arg9 : memref<48xf32, #tpu.memory_space<vmem>>)
      tpu.yield
    }) : () -> ()
    "tpu.region"() ({
      %run_scoped3A = tpu.sem_alloc : memref<!tpu.dma_semaphore, #tpu.memory_space<semaphore_mem>>
      tpu.enqueue_dma source(%arg4 : memref<8192xf32, #tpu.memory_space<hbm>>) target(%arg10 : memref<8192xf32, #tpu.memory_space<vmem>>) target_semaphore(%run_scoped3A : memref<!tpu.dma_semaphore, #tpu.memory_space<semaphore_mem>>)
      tpu.wait_dma2 semaphore(%run_scoped3A : memref<!tpu.dma_semaphore, #tpu.memory_space<semaphore_mem>>) src(%arg4 : memref<8192xf32, #tpu.memory_space<hbm>>) dst(%arg10 : memref<8192xf32, #tpu.memory_space<vmem>>)
      tpu.yield
    }) : () -> ()
    "tpu.region"() ({
      %run_scoped3A = tpu.sem_alloc : memref<!tpu.dma_semaphore, #tpu.memory_space<semaphore_mem>>
      tpu.enqueue_dma source(%arg5 : memref<8192xf32, #tpu.memory_space<hbm>>) target(%arg11 : memref<8192xf32, #tpu.memory_space<vmem>>) target_semaphore(%run_scoped3A : memref<!tpu.dma_semaphore, #tpu.memory_space<semaphore_mem>>)
      tpu.wait_dma2 semaphore(%run_scoped3A : memref<!tpu.dma_semaphore, #tpu.memory_space<semaphore_mem>>) src(%arg5 : memref<8192xf32, #tpu.memory_space<hbm>>) dst(%arg11 : memref<8192xf32, #tpu.memory_space<vmem>>)
      tpu.yield
    }) : () -> ()
    %get3A = arith.constant 0 : index
    %get3A_3 = tpu.vector_load %arg8[%get3A] {strides = array<i32>} : memref<48xf32, #tpu.memory_space<vmem>>, vector<16xf32>,
    %get3A_4 = vector.shape_cast %get3A_3 : vector<16xf32> to vector<16xf32>
    %get3A_5 = arith.constant 16 : index
    %get3A_6 = tpu.vector_load %arg8[%get3A_5] {strides = array<i32>} : memref<48xf32, #tpu.memory_space<vmem>>, vector<16xf32>,
    %get3A_7 = vector.shape_cast %get3A_6 : vector<16xf32> to vector<16xf32>
    %get3A_8 = arith.constant 32 : index
    %get3A_9 = tpu.vector_load %arg8[%get3A_8] {strides = array<i32>} : memref<48xf32, #tpu.memory_space<vmem>>, vector<16xf32>,
    %get3A_10 = vector.shape_cast %get3A_9 : vector<16xf32> to vector<16xf32>
    %get3A_11 = arith.constant 0 : index
    %get3A_12 = tpu.vector_load %arg9[%get3A_11] {strides = array<i32>} : memref<48xf32, #tpu.memory_space<vmem>>, vector<16xf32>,
    %get3A_13 = vector.shape_cast %get3A_12 : vector<16xf32> to vector<16xf32>
    %get3A_14 = arith.constant 16 : index
    %get3A_15 = tpu.vector_load %arg9[%get3A_14] {strides = array<i32>} : memref<48xf32, #tpu.memory_space<vmem>>, vector<16xf32>,
    %get3A_16 = vector.shape_cast %get3A_15 : vector<16xf32> to vector<16xf32>
    %get3A_17 = arith.constant 32 : index
    %get3A_18 = tpu.vector_load %arg9[%get3A_17] {strides = array<i32>} : memref<48xf32, #tpu.memory_space<vmem>>, vector<16xf32>,
    %get3A_19 = vector.shape_cast %get3A_18 : vector<16xf32> to vector<16xf32>
    %broadcast_in_dim3A = arith.constant 0x7F800000 : f32
    %broadcast_in_dim3A_20 = vector.broadcast %broadcast_in_dim3A : f32 to vector<16xf32>
    %broadcast_in_dim3A_21 = arith.constant 0 : i32
    %broadcast_in_dim3A_22 = vector.broadcast %broadcast_in_dim3A_21 : i32 to vector<16xi32>
    %scan3A = arith.constant 0 : i32
    %scan3A_23 = arith.constant 512 : i32
    %scan3A_24 = arith.addi %scan3A, %scan3A_23 : i32
    %scan3A_25 = arith.constant 4 : i32
    %scan3A_26:6 = scf.for %scan3A_92 = %scan3A to %scan3A_24 step %scan3A_25 iter_args(%scan3A_93 = %broadcast_in_dim3A_20, %scan3A_94 = %broadcast_in_dim3A_20, %scan3A_95 = %broadcast_in_dim3A_20, %scan3A_96 = %broadcast_in_dim3A_22, %scan3A_97 = %broadcast_in_dim3A_22, %scan3A_98 = %broadcast_in_dim3A_22) -> (vector<16xf32>, vector<16xf32>, vector<16xf32>, vector<16xi32>, vector<16xi32>, vector<16xi32>)  : i32 {
      %mul3A_99 = arith.constant 16 : i32
      %mul3A_100 = arith.muli %scan3A_92, %mul3A_99 : i32
      %get3A_101 = arith.index_cast %mul3A_100 : i32 to index
      %get3A_102 = tpu.vector_load %arg10[%get3A_101] {strides = array<i32>} : memref<8192xf32, #tpu.memory_space<vmem>>, vector<16xf32>,
      %get3A_103 = vector.shape_cast %get3A_102 : vector<16xf32> to vector<16xf32>
      %get3A_104 = arith.index_cast %mul3A_100 : i32 to index
      %get3A_105 = tpu.vector_load %arg11[%get3A_104] {strides = array<i32>} : memref<8192xf32, #tpu.memory_space<vmem>>, vector<16xf32>,
      %get3A_106 = vector.shape_cast %get3A_105 : vector<16xf32> to vector<16xf32>
      %slice3A = vector.extract_strided_slice %get3A_103 {offsets = [0], sizes = [1], strides = [1]} : vector<16xf32> to vector<1xf32>
      %squeeze3A = vector.extract %slice3A[0] : f32 from vector<1xf32>
      %slice3A_107 = vector.extract_strided_slice %get3A_106 {offsets = [0], sizes = [1], strides = [1]} : vector<16xf32> to vector<1xf32>
      %squeeze3A_108 = vector.extract %slice3A_107[0] : f32 from vector<1xf32>
      %add3A_109 = arith.constant 0 : i32
      %add3A_110 = arith.addi %mul3A_100, %add3A_109 : i32
      %broadcast_in_dim3A_111 = vector.broadcast %add3A_110 : i32 to vector<16xi32>
      %sub3A_112 = vector.broadcast %squeeze3A : f32 to vector<16xf32>
      %sub3A_113 = arith.subf %get3A_4, %sub3A_112 : vector<16xf32>
      %sub3A_114 = vector.broadcast %squeeze3A_108 : f32 to vector<16xf32>
      %sub3A_115 = arith.subf %get3A_13, %sub3A_114 : vector<16xf32>
      %abs3A = math.absf %sub3A_113 : vector<16xf32>
      %abs3A_116 = math.absf %sub3A_115 : vector<16xf32>
      %max3A = arith.maximumf %abs3A, %abs3A_116 : vector<16xf32>
      %lt3A = arith.cmpf olt, %max3A, %scan3A_93 : vector<16xf32>
      %min3A = arith.minimumf %scan3A_93, %max3A : vector<16xf32>
      %select_n3A = arith.select %lt3A, %broadcast_in_dim3A_111, %scan3A_96 : vector<16xi1>, vector<16xi32>
      %sub3A_117 = vector.broadcast %squeeze3A : f32 to vector<16xf32>
      %sub3A_118 = arith.subf %get3A_7, %sub3A_117 : vector<16xf32>
      %sub3A_119 = vector.broadcast %squeeze3A_108 : f32 to vector<16xf32>
      %sub3A_120 = arith.subf %get3A_16, %sub3A_119 : vector<16xf32>
      %abs3A_121 = math.absf %sub3A_118 : vector<16xf32>
      %abs3A_122 = math.absf %sub3A_120 : vector<16xf32>
      %max3A_123 = arith.maximumf %abs3A_121, %abs3A_122 : vector<16xf32>
      %lt3A_124 = arith.cmpf olt, %max3A_123, %scan3A_94 : vector<16xf32>
      %min3A_125 = arith.minimumf %scan3A_94, %max3A_123 : vector<16xf32>
      %select_n3A_126 = arith.select %lt3A_124, %broadcast_in_dim3A_111, %scan3A_97 : vector<16xi1>, vector<16xi32>
      %sub3A_127 = vector.broadcast %squeeze3A : f32 to vector<16xf32>
      %sub3A_128 = arith.subf %get3A_10, %sub3A_127 : vector<16xf32>
      %sub3A_129 = vector.broadcast %squeeze3A_108 : f32 to vector<16xf32>
      %sub3A_130 = arith.subf %get3A_19, %sub3A_129 : vector<16xf32>
      %abs3A_131 = math.absf %sub3A_128 : vector<16xf32>
      %abs3A_132 = math.absf %sub3A_130 : vector<16xf32>
      %max3A_133 = arith.maximumf %abs3A_131, %abs3A_132 : vector<16xf32>
      %lt3A_134 = arith.cmpf olt, %max3A_133, %scan3A_95 : vector<16xf32>
      %min3A_135 = arith.minimumf %scan3A_95, %max3A_133 : vector<16xf32>
      %select_n3A_136 = arith.select %lt3A_134, %broadcast_in_dim3A_111, %scan3A_98 : vector<16xi1>, vector<16xi32>
      %slice3A_137 = vector.extract_strided_slice %get3A_103 {offsets = [1], sizes = [1], strides = [1]} : vector<16xf32> to vector<1xf32>
      %squeeze3A_138 = vector.extract %slice3A_137[0] : f32 from vector<1xf32>
      %slice3A_139 = vector.extract_strided_slice %get3A_106 {offsets = [1], sizes = [1], strides = [1]} : vector<16xf32> to vector<1xf32>
      %squeeze3A_140 = vector.extract %slice3A_139[0] : f32 from vector<1xf32>
      %add3A_141 = arith.constant 1 : i32
      %add3A_142 = arith.addi %mul3A_100, %add3A_141 : i32
      %broadcast_in_dim3A_143 = vector.broadcast %add3A_142 : i32 to vector<16xi32>
      %sub3A_144 = vector.broadcast %squeeze3A_138 : f32 to vector<16xf32>
      %sub3A_145 = arith.subf %get3A_4, %sub3A_144 : vector<16xf32>
      %sub3A_146 = vector.broadcast %squeeze3A_140 : f32 to vector<16xf32>
      %sub3A_147 = arith.subf %get3A_13, %sub3A_146 : vector<16xf32>
      %abs3A_148 = math.absf %sub3A_145 : vector<16xf32>
      %abs3A_149 = math.absf %sub3A_147 : vector<16xf32>
      %max3A_150 = arith.maximumf %abs3A_148, %abs3A_149 : vector<16xf32>
      %lt3A_151 = arith.cmpf olt, %max3A_150, %min3A : vector<16xf32>
      %min3A_152 = arith.minimumf %min3A, %max3A_150 : vector<16xf32>
      %select_n3A_153 = arith.select %lt3A_151, %broadcast_in_dim3A_143, %select_n3A : vector<16xi1>, vector<16xi32>
      %sub3A_154 = vector.broadcast %squeeze3A_138 : f32 to vector<16xf32>
      %sub3A_155 = arith.subf %get3A_7, %sub3A_154 : vector<16xf32>
      %sub3A_156 = vector.broadcast %squeeze3A_140 : f32 to vector<16xf32>
      %sub3A_157 = arith.subf %get3A_16, %sub3A_156 : vector<16xf32>
      %abs3A_158 = math.absf %sub3A_155 : vector<16xf32>
      %abs3A_159 = math.absf %sub3A_157 : vector<16xf32>
      %max3A_160 = arith.maximumf %abs3A_158, %abs3A_159 : vector<16xf32>
      %lt3A_161 = arith.cmpf olt, %max3A_160, %min3A_125 : vector<16xf32>
      %min3A_162 = arith.minimumf %min3A_125, %max3A_160 : vector<16xf32>
      %select_n3A_163 = arith.select %lt3A_161, %broadcast_in_dim3A_143, %select_n3A_126 : vector<16xi1>, vector<16xi32>
      %sub3A_164 = vector.broadcast %squeeze3A_138 : f32 to vector<16xf32>
      %sub3A_165 = arith.subf %get3A_10, %sub3A_164 : vector<16xf32>
      %sub3A_166 = vector.broadcast %squeeze3A_140 : f32 to vector<16xf32>
      %sub3A_167 = arith.subf %get3A_19, %sub3A_166 : vector<16xf32>
      %abs3A_168 = math.absf %sub3A_165 : vector<16xf32>
      %abs3A_169 = math.absf %sub3A_167 : vector<16xf32>
      %max3A_170 = arith.maximumf %abs3A_168, %abs3A_169 : vector<16xf32>
      %lt3A_171 = arith.cmpf olt, %max3A_170, %min3A_135 : vector<16xf32>
      %min3A_172 = arith.minimumf %min3A_135, %max3A_170 : vector<16xf32>
      %select_n3A_173 = arith.select %lt3A_171, %broadcast_in_dim3A_143, %select_n3A_136 : vector<16xi1>, vector<16xi32>
      %slice3A_174 = vector.extract_strided_slice %get3A_103 {offsets = [2], sizes = [1], strides = [1]} : vector<16xf32> to vector<1xf32>
      %squeeze3A_175 = vector.extract %slice3A_174[0] : f32 from vector<1xf32>
      %slice3A_176 = vector.extract_strided_slice %get3A_106 {offsets = [2], sizes = [1], strides = [1]} : vector<16xf32> to vector<1xf32>
      %squeeze3A_177 = vector.extract %slice3A_176[0] : f32 from vector<1xf32>
      %add3A_178 = arith.constant 2 : i32
      %add3A_179 = arith.addi %mul3A_100, %add3A_178 : i32
      %broadcast_in_dim3A_180 = vector.broadcast %add3A_179 : i32 to vector<16xi32>
      %sub3A_181 = vector.broadcast %squeeze3A_175 : f32 to vector<16xf32>
      %sub3A_182 = arith.subf %get3A_4, %sub3A_181 : vector<16xf32>
      %sub3A_183 = vector.broadcast %squeeze3A_177 : f32 to vector<16xf32>
      %sub3A_184 = arith.subf %get3A_13, %sub3A_183 : vector<16xf32>
      %abs3A_185 = math.absf %sub3A_182 : vector<16xf32>
      %abs3A_186 = math.absf %sub3A_184 : vector<16xf32>
      %max3A_187 = arith.maximumf %abs3A_185, %abs3A_186 : vector<16xf32>
      %lt3A_188 = arith.cmpf olt, %max3A_187, %min3A_152 : vector<16xf32>
      %min3A_189 = arith.minimumf %min3A_152, %max3A_187 : vector<16xf32>
      %select_n3A_190 = arith.select %lt3A_188, %broadcast_in_dim3A_180, %select_n3A_153 : vector<16xi1>, vector<16xi32>
      %sub3A_191 = vector.broadcast %squeeze3A_175 : f32 to vector<16xf32>
      %sub3A_192 = arith.subf %get3A_7, %sub3A_191 : vector<16xf32>
      %sub3A_193 = vector.broadcast %squeeze3A_177 : f32 to vector<16xf32>
      %sub3A_194 = arith.subf %get3A_16, %sub3A_193 : vector<16xf32>
      %abs3A_195 = math.absf %sub3A_192 : vector<16xf32>
      %abs3A_196 = math.absf %sub3A_194 : vector<16xf32>
      %max3A_197 = arith.maximumf %abs3A_195, %abs3A_196 : vector<16xf32>
      %lt3A_198 = arith.cmpf olt, %max3A_197, %min3A_162 : vector<16xf32>
      %min3A_199 = arith.minimumf %min3A_162, %max3A_197 : vector<16xf32>
      %select_n3A_200 = arith.select %lt3A_198, %broadcast_in_dim3A_180, %select_n3A_163 : vector<16xi1>, vector<16xi32>
      %sub3A_201 = vector.broadcast %squeeze3A_175 : f32 to vector<16xf32>
      %sub3A_202 = arith.subf %get3A_10, %sub3A_201 : vector<16xf32>
      %sub3A_203 = vector.broadcast %squeeze3A_177 : f32 to vector<16xf32>
      %sub3A_204 = arith.subf %get3A_19, %sub3A_203 : vector<16xf32>
      %abs3A_205 = math.absf %sub3A_202 : vector<16xf32>
      %abs3A_206 = math.absf %sub3A_204 : vector<16xf32>
      %max3A_207 = arith.maximumf %abs3A_205, %abs3A_206 : vector<16xf32>
      %lt3A_208 = arith.cmpf olt, %max3A_207, %min3A_172 : vector<16xf32>
      %min3A_209 = arith.minimumf %min3A_172, %max3A_207 : vector<16xf32>
      %select_n3A_210 = arith.select %lt3A_208, %broadcast_in_dim3A_180, %select_n3A_173 : vector<16xi1>, vector<16xi32>
      %slice3A_211 = vector.extract_strided_slice %get3A_103 {offsets = [3], sizes = [1], strides = [1]} : vector<16xf32> to vector<1xf32>
      %squeeze3A_212 = vector.extract %slice3A_211[0] : f32 from vector<1xf32>
      %slice3A_213 = vector.extract_strided_slice %get3A_106 {offsets = [3], sizes = [1], strides = [1]} : vector<16xf32> to vector<1xf32>
      %squeeze3A_214 = vector.extract %slice3A_213[0] : f32 from vector<1xf32>
      %add3A_215 = arith.constant 3 : i32
      %add3A_216 = arith.addi %mul3A_100, %add3A_215 : i32
      %broadcast_in_dim3A_217 = vector.broadcast %add3A_216 : i32 to vector<16xi32>
      %sub3A_218 = vector.broadcast %squeeze3A_212 : f32 to vector<16xf32>
      %sub3A_219 = arith.subf %get3A_4, %sub3A_218 : vector<16xf32>
      %sub3A_220 = vector.broadcast %squeeze3A_214 : f32 to vector<16xf32>
      %sub3A_221 = arith.subf %get3A_13, %sub3A_220 : vector<16xf32>
      %abs3A_222 = math.absf %sub3A_219 : vector<16xf32>
      %abs3A_223 = math.absf %sub3A_221 : vector<16xf32>
      %max3A_224 = arith.maximumf %abs3A_222, %abs3A_223 : vector<16xf32>
      %lt3A_225 = arith.cmpf olt, %max3A_224, %min3A_189 : vector<16xf32>
      %min3A_226 = arith.minimumf %min3A_189, %max3A_224 : vector<16xf32>
      %select_n3A_227 = arith.select %lt3A_225, %broadcast_in_dim3A_217, %select_n3A_190 : vector<16xi1>, vector<16xi32>
      %sub3A_228 = vector.broadcast %squeeze3A_212 : f32 to vector<16xf32>
      %sub3A_229 = arith.subf %get3A_7, %sub3A_228 : vector<16xf32>
      %sub3A_230 = vector.broadcast %squeeze3A_214 : f32 to vector<16xf32>
      %sub3A_231 = arith.subf %get3A_16, %sub3A_230 : vector<16xf32>
      %abs3A_232 = math.absf %sub3A_229 : vector<16xf32>
      %abs3A_233 = math.absf %sub3A_231 : vector<16xf32>
      %max3A_234 = arith.maximumf %abs3A_232, %abs3A_233 : vector<16xf32>
      %lt3A_235 = arith.cmpf olt, %max3A_234, %min3A_199 : vector<16xf32>
      %min3A_236 = arith.minimumf %min3A_199, %max3A_234 : vector<16xf32>
      %select_n3A_237 = arith.select %lt3A_235, %broadcast_in_dim3A_217, %select_n3A_200 : vector<16xi1>, vector<16xi32>
      %sub3A_238 = vector.broadcast %squeeze3A_212 : f32 to vector<16xf32>
      %sub3A_239 = arith.subf %get3A_10, %sub3A_238 : vector<16xf32>
      %sub3A_240 = vector.broadcast %squeeze3A_214 : f32 to vector<16xf32>
      %sub3A_241 = arith.subf %get3A_19, %sub3A_240 : vector<16xf32>
      %abs3A_242 = math.absf %sub3A_239 : vector<16xf32>
      %abs3A_243 = math.absf %sub3A_241 : vector<16xf32>
      %max3A_244 = arith.maximumf %abs3A_242, %abs3A_243 : vector<16xf32>
      %lt3A_245 = arith.cmpf olt, %max3A_244, %min3A_209 : vector<16xf32>
      %min3A_246 = arith.minimumf %min3A_209, %max3A_244 : vector<16xf32>
      %select_n3A_247 = arith.select %lt3A_245, %broadcast_in_dim3A_217, %select_n3A_210 : vector<16xi1>, vector<16xi32>
      %slice3A_248 = vector.extract_strided_slice %get3A_103 {offsets = [4], sizes = [1], strides = [1]} : vector<16xf32> to vector<1xf32>
      %squeeze3A_249 = vector.extract %slice3A_248[0] : f32 from vector<1xf32>
      %slice3A_250 = vector.extract_strided_slice %get3A_106 {offsets = [4], sizes = [1], strides = [1]} : vector<16xf32> to vector<1xf32>
      %squeeze3A_251 = vector.extract %slice3A_250[0] : f32 from vector<1xf32>
      %add3A_252 = arith.constant 4 : i32
      %add3A_253 = arith.addi %mul3A_100, %add3A_252 : i32
      %broadcast_in_dim3A_254 = vector.broadcast %add3A_253 : i32 to vector<16xi32>
      %sub3A_255 = vector.broadcast %squeeze3A_249 : f32 to vector<16xf32>
      %sub3A_256 = arith.subf %get3A_4, %sub3A_255 : vector<16xf32>
      %sub3A_257 = vector.broadcast %squeeze3A_251 : f32 to vector<16xf32>
      %sub3A_258 = arith.subf %get3A_13, %sub3A_257 : vector<16xf32>
      %abs3A_259 = math.absf %sub3A_256 : vector<16xf32>
      %abs3A_260 = math.absf %sub3A_258 : vector<16xf32>
      %max3A_261 = arith.maximumf %abs3A_259, %abs3A_260 : vector<16xf32>
      %lt3A_262 = arith.cmpf olt, %max3A_261, %min3A_226 : vector<16xf32>
      %min3A_263 = arith.minimumf %min3A_226, %max3A_261 : vector<16xf32>
      %select_n3A_264 = arith.select %lt3A_262, %broadcast_in_dim3A_254, %select_n3A_227 : vector<16xi1>, vector<16xi32>
      %sub3A_265 = vector.broadcast %squeeze3A_249 : f32 to vector<16xf32>
      %sub3A_266 = arith.subf %get3A_7, %sub3A_265 : vector<16xf32>
      %sub3A_267 = vector.broadcast %squeeze3A_251 : f32 to vector<16xf32>
      %sub3A_268 = arith.subf %get3A_16, %sub3A_267 : vector<16xf32>
      %abs3A_269 = math.absf %sub3A_266 : vector<16xf32>
      %abs3A_270 = math.absf %sub3A_268 : vector<16xf32>
      %max3A_271 = arith.maximumf %abs3A_269, %abs3A_270 : vector<16xf32>
      %lt3A_272 = arith.cmpf olt, %max3A_271, %min3A_236 : vector<16xf32>
      %min3A_273 = arith.minimumf %min3A_236, %max3A_271 : vector<16xf32>
      %select_n3A_274 = arith.select %lt3A_272, %broadcast_in_dim3A_254, %select_n3A_237 : vector<16xi1>, vector<16xi32>
      %sub3A_275 = vector.broadcast %squeeze3A_249 : f32 to vector<16xf32>
      %sub3A_276 = arith.subf %get3A_10, %sub3A_275 : vector<16xf32>
      %sub3A_277 = vector.broadcast %squeeze3A_251 : f32 to vector<16xf32>
      %sub3A_278 = arith.subf %get3A_19, %sub3A_277 : vector<16xf32>
      %abs3A_279 = math.absf %sub3A_276 : vector<16xf32>
      %abs3A_280 = math.absf %sub3A_278 : vector<16xf32>
      %max3A_281 = arith.maximumf %abs3A_279, %abs3A_280 : vector<16xf32>
      %lt3A_282 = arith.cmpf olt, %max3A_281, %min3A_246 : vector<16xf32>
      %min3A_283 = arith.minimumf %min3A_246, %max3A_281 : vector<16xf32>
      %select_n3A_284 = arith.select %lt3A_282, %broadcast_in_dim3A_254, %select_n3A_247 : vector<16xi1>, vector<16xi32>
      %slice3A_285 = vector.extract_strided_slice %get3A_103 {offsets = [5], sizes = [1], strides = [1]} : vector<16xf32> to vector<1xf32>
      %squeeze3A_286 = vector.extract %slice3A_285[0] : f32 from vector<1xf32>
      %slice3A_287 = vector.extract_strided_slice %get3A_106 {offsets = [5], sizes = [1], strides = [1]} : vector<16xf32> to vector<1xf32>
      %squeeze3A_288 = vector.extract %slice3A_287[0] : f32 from vector<1xf32>
      %add3A_289 = arith.constant 5 : i32
      %add3A_290 = arith.addi %mul3A_100, %add3A_289 : i32
      %broadcast_in_dim3A_291 = vector.broadcast %add3A_290 : i32 to vector<16xi32>
      %sub3A_292 = vector.broadcast %squeeze3A_286 : f32 to vector<16xf32>
      %sub3A_293 = arith.subf %get3A_4, %sub3A_292 : vector<16xf32>
      %sub3A_294 = vector.broadcast %squeeze3A_288 : f32 to vector<16xf32>
      %sub3A_295 = arith.subf %get3A_13, %sub3A_294 : vector<16xf32>
      %abs3A_296 = math.absf %sub3A_293 : vector<16xf32>
      %abs3A_297 = math.absf %sub3A_295 : vector<16xf32>
      %max3A_298 = arith.maximumf %abs3A_296, %abs3A_297 : vector<16xf32>
      %lt3A_299 = arith.cmpf olt, %max3A_298, %min3A_263 : vector<16xf32>
      %min3A_300 = arith.minimumf %min3A_263, %max3A_298 : vector<16xf32>
      %select_n3A_301 = arith.select %lt3A_299, %broadcast_in_dim3A_291, %select_n3A_264 : vector<16xi1>, vector<16xi32>
      %sub3A_302 = vector.broadcast %squeeze3A_286 : f32 to vector<16xf32>
      %sub3A_303 = arith.subf %get3A_7, %sub3A_302 : vector<16xf32>
      %sub3A_304 = vector.broadcast %squeeze3A_288 : f32 to vector<16xf32>
      %sub3A_305 = arith.subf %get3A_16, %sub3A_304 : vector<16xf32>
      %abs3A_306 = math.absf %sub3A_303 : vector<16xf32>
      %abs3A_307 = math.absf %sub3A_305 : vector<16xf32>
      %max3A_308 = arith.maximumf %abs3A_306, %abs3A_307 : vector<16xf32>
      %lt3A_309 = arith.cmpf olt, %max3A_308, %min3A_273 : vector<16xf32>
      %min3A_310 = arith.minimumf %min3A_273, %max3A_308 : vector<16xf32>
      %select_n3A_311 = arith.select %lt3A_309, %broadcast_in_dim3A_291, %select_n3A_274 : vector<16xi1>, vector<16xi32>
      %sub3A_312 = vector.broadcast %squeeze3A_286 : f32 to vector<16xf32>
      %sub3A_313 = arith.subf %get3A_10, %sub3A_312 : vector<16xf32>
      %sub3A_314 = vector.broadcast %squeeze3A_288 : f32 to vector<16xf32>
      %sub3A_315 = arith.subf %get3A_19, %sub3A_314 : vector<16xf32>
      %abs3A_316 = math.absf %sub3A_313 : vector<16xf32>
      %abs3A_317 = math.absf %sub3A_315 : vector<16xf32>
      %max3A_318 = arith.maximumf %abs3A_316, %abs3A_317 : vector<16xf32>
      %lt3A_319 = arith.cmpf olt, %max3A_318, %min3A_283 : vector<16xf32>
      %min3A_320 = arith.minimumf %min3A_283, %max3A_318 : vector<16xf32>
      %select_n3A_321 = arith.select %lt3A_319, %broadcast_in_dim3A_291, %select_n3A_284 : vector<16xi1>, vector<16xi32>
      %slice3A_322 = vector.extract_strided_slice %get3A_103 {offsets = [6], sizes = [1], strides = [1]} : vector<16xf32> to vector<1xf32>
      %squeeze3A_323 = vector.extract %slice3A_322[0] : f32 from vector<1xf32>
      %slice3A_324 = vector.extract_strided_slice %get3A_106 {offsets = [6], sizes = [1], strides = [1]} : vector<16xf32> to vector<1xf32>
      %squeeze3A_325 = vector.extract %slice3A_324[0] : f32 from vector<1xf32>
      %add3A_326 = arith.constant 6 : i32
      %add3A_327 = arith.addi %mul3A_100, %add3A_326 : i32
      %broadcast_in_dim3A_328 = vector.broadcast %add3A_327 : i32 to vector<16xi32>
      %sub3A_329 = vector.broadcast %squeeze3A_323 : f32 to vector<16xf32>
      %sub3A_330 = arith.subf %get3A_4, %sub3A_329 : vector<16xf32>
      %sub3A_331 = vector.broadcast %squeeze3A_325 : f32 to vector<16xf32>
      %sub3A_332 = arith.subf %get3A_13, %sub3A_331 : vector<16xf32>
      %abs3A_333 = math.absf %sub3A_330 : vector<16xf32>
      %abs3A_334 = math.absf %sub3A_332 : vector<16xf32>
      %max3A_335 = arith.maximumf %abs3A_333, %abs3A_334 : vector<16xf32>
      %lt3A_336 = arith.cmpf olt, %max3A_335, %min3A_300 : vector<16xf32>
      %min3A_337 = arith.minimumf %min3A_300, %max3A_335 : vector<16xf32>
      %select_n3A_338 = arith.select %lt3A_336, %broadcast_in_dim3A_328, %select_n3A_301 : vector<16xi1>, vector<16xi32>
      %sub3A_339 = vector.broadcast %squeeze3A_323 : f32 to vector<16xf32>
      %sub3A_340 = arith.subf %get3A_7, %sub3A_339 : vector<16xf32>
      %sub3A_341 = vector.broadcast %squeeze3A_325 : f32 to vector<16xf32>
      %sub3A_342 = arith.subf %get3A_16, %sub3A_341 : vector<16xf32>
      %abs3A_343 = math.absf %sub3A_340 : vector<16xf32>
      %abs3A_344 = math.absf %sub3A_342 : vector<16xf32>
      %max3A_345 = arith.maximumf %abs3A_343, %abs3A_344 : vector<16xf32>
      %lt3A_346 = arith.cmpf olt, %max3A_345, %min3A_310 : vector<16xf32>
      %min3A_347 = arith.minimumf %min3A_310, %max3A_345 : vector<16xf32>
      %select_n3A_348 = arith.select %lt3A_346, %broadcast_in_dim3A_328, %select_n3A_311 : vector<16xi1>, vector<16xi32>
      %sub3A_349 = vector.broadcast %squeeze3A_323 : f32 to vector<16xf32>
      %sub3A_350 = arith.subf %get3A_10, %sub3A_349 : vector<16xf32>
      %sub3A_351 = vector.broadcast %squeeze3A_325 : f32 to vector<16xf32>
      %sub3A_352 = arith.subf %get3A_19, %sub3A_351 : vector<16xf32>
      %abs3A_353 = math.absf %sub3A_350 : vector<16xf32>
      %abs3A_354 = math.absf %sub3A_352 : vector<16xf32>
      %max3A_355 = arith.maximumf %abs3A_353, %abs3A_354 : vector<16xf32>
      %lt3A_356 = arith.cmpf olt, %max3A_355, %min3A_320 : vector<16xf32>
      %min3A_357 = arith.minimumf %min3A_320, %max3A_355 : vector<16xf32>
      %select_n3A_358 = arith.select %lt3A_356, %broadcast_in_dim3A_328, %select_n3A_321 : vector<16xi1>, vector<16xi32>
      %slice3A_359 = vector.extract_strided_slice %get3A_103 {offsets = [7], sizes = [1], strides = [1]} : vector<16xf32> to vector<1xf32>
      %squeeze3A_360 = vector.extract %slice3A_359[0] : f32 from vector<1xf32>
      %slice3A_361 = vector.extract_strided_slice %get3A_106 {offsets = [7], sizes = [1], strides = [1]} : vector<16xf32> to vector<1xf32>
      %squeeze3A_362 = vector.extract %slice3A_361[0] : f32 from vector<1xf32>
      %add3A_363 = arith.constant 7 : i32
      %add3A_364 = arith.addi %mul3A_100, %add3A_363 : i32
      %broadcast_in_dim3A_365 = vector.broadcast %add3A_364 : i32 to vector<16xi32>
      %sub3A_366 = vector.broadcast %squeeze3A_360 : f32 to vector<16xf32>
      %sub3A_367 = arith.subf %get3A_4, %sub3A_366 : vector<16xf32>
      %sub3A_368 = vector.broadcast %squeeze3A_362 : f32 to vector<16xf32>
      %sub3A_369 = arith.subf %get3A_13, %sub3A_368 : vector<16xf32>
      %abs3A_370 = math.absf %sub3A_367 : vector<16xf32>
      %abs3A_371 = math.absf %sub3A_369 : vector<16xf32>
      %max3A_372 = arith.maximumf %abs3A_370, %abs3A_371 : vector<16xf32>
      %lt3A_373 = arith.cmpf olt, %max3A_372, %min3A_337 : vector<16xf32>
      %min3A_374 = arith.minimumf %min3A_337, %max3A_372 : vector<16xf32>
      %select_n3A_375 = arith.select %lt3A_373, %broadcast_in_dim3A_365, %select_n3A_338 : vector<16xi1>, vector<16xi32>
      %sub3A_376 = vector.broadcast %squeeze3A_360 : f32 to vector<16xf32>
      %sub3A_377 = arith.subf %get3A_7, %sub3A_376 : vector<16xf32>
      %sub3A_378 = vector.broadcast %squeeze3A_362 : f32 to vector<16xf32>
      %sub3A_379 = arith.subf %get3A_16, %sub3A_378 : vector<16xf32>
      %abs3A_380 = math.absf %sub3A_377 : vector<16xf32>
      %abs3A_381 = math.absf %sub3A_379 : vector<16xf32>
      %max3A_382 = arith.maximumf %abs3A_380, %abs3A_381 : vector<16xf32>
      %lt3A_383 = arith.cmpf olt, %max3A_382, %min3A_347 : vector<16xf32>
      %min3A_384 = arith.minimumf %min3A_347, %max3A_382 : vector<16xf32>
      %select_n3A_385 = arith.select %lt3A_383, %broadcast_in_dim3A_365, %select_n3A_348 : vector<16xi1>, vector<16xi32>
      %sub3A_386 = vector.broadcast %squeeze3A_360 : f32 to vector<16xf32>
      %sub3A_387 = arith.subf %get3A_10, %sub3A_386 : vector<16xf32>
      %sub3A_388 = vector.broadcast %squeeze3A_362 : f32 to vector<16xf32>
      %sub3A_389 = arith.subf %get3A_19, %sub3A_388 : vector<16xf32>
      %abs3A_390 = math.absf %sub3A_387 : vector<16xf32>
      %abs3A_391 = math.absf %sub3A_389 : vector<16xf32>
      %max3A_392 = arith.maximumf %abs3A_390, %abs3A_391 : vector<16xf32>
      %lt3A_393 = arith.cmpf olt, %max3A_392, %min3A_357 : vector<16xf32>
      %min3A_394 = arith.minimumf %min3A_357, %max3A_392 : vector<16xf32>
      %select_n3A_395 = arith.select %lt3A_393, %broadcast_in_dim3A_365, %select_n3A_358 : vector<16xi1>, vector<16xi32>
      %slice3A_396 = vector.extract_strided_slice %get3A_103 {offsets = [8], sizes = [1], strides = [1]} : vector<16xf32> to vector<1xf32>
      %squeeze3A_397 = vector.extract %slice3A_396[0] : f32 from vector<1xf32>
      %slice3A_398 = vector.extract_strided_slice %get3A_106 {offsets = [8], sizes = [1], strides = [1]} : vector<16xf32> to vector<1xf32>
      %squeeze3A_399 = vector.extract %slice3A_398[0] : f32 from vector<1xf32>
      %add3A_400 = arith.constant 8 : i32
      %add3A_401 = arith.addi %mul3A_100, %add3A_400 : i32
      %broadcast_in_dim3A_402 = vector.broadcast %add3A_401 : i32 to vector<16xi32>
      %sub3A_403 = vector.broadcast %squeeze3A_397 : f32 to vector<16xf32>
      %sub3A_404 = arith.subf %get3A_4, %sub3A_403 : vector<16xf32>
      %sub3A_405 = vector.broadcast %squeeze3A_399 : f32 to vector<16xf32>
      %sub3A_406 = arith.subf %get3A_13, %sub3A_405 : vector<16xf32>
      %abs3A_407 = math.absf %sub3A_404 : vector<16xf32>
      %abs3A_408 = math.absf %sub3A_406 : vector<16xf32>
      %max3A_409 = arith.maximumf %abs3A_407, %abs3A_408 : vector<16xf32>
      %lt3A_410 = arith.cmpf olt, %max3A_409, %min3A_374 : vector<16xf32>
      %min3A_411 = arith.minimumf %min3A_374, %max3A_409 : vector<16xf32>
      %select_n3A_412 = arith.select %lt3A_410, %broadcast_in_dim3A_402, %select_n3A_375 : vector<16xi1>, vector<16xi32>
      %sub3A_413 = vector.broadcast %squeeze3A_397 : f32 to vector<16xf32>
      %sub3A_414 = arith.subf %get3A_7, %sub3A_413 : vector<16xf32>
      %sub3A_415 = vector.broadcast %squeeze3A_399 : f32 to vector<16xf32>
      %sub3A_416 = arith.subf %get3A_16, %sub3A_415 : vector<16xf32>
      %abs3A_417 = math.absf %sub3A_414 : vector<16xf32>
      %abs3A_418 = math.absf %sub3A_416 : vector<16xf32>
      %max3A_419 = arith.maximumf %abs3A_417, %abs3A_418 : vector<16xf32>
      %lt3A_420 = arith.cmpf olt, %max3A_419, %min3A_384 : vector<16xf32>
      %min3A_421 = arith.minimumf %min3A_384, %max3A_419 : vector<16xf32>
      %select_n3A_422 = arith.select %lt3A_420, %broadcast_in_dim3A_402, %select_n3A_385 : vector<16xi1>, vector<16xi32>
      %sub3A_423 = vector.broadcast %squeeze3A_397 : f32 to vector<16xf32>
      %sub3A_424 = arith.subf %get3A_10, %sub3A_423 : vector<16xf32>
      %sub3A_425 = vector.broadcast %squeeze3A_399 : f32 to vector<16xf32>
      %sub3A_426 = arith.subf %get3A_19, %sub3A_425 : vector<16xf32>
      %abs3A_427 = math.absf %sub3A_424 : vector<16xf32>
      %abs3A_428 = math.absf %sub3A_426 : vector<16xf32>
      %max3A_429 = arith.maximumf %abs3A_427, %abs3A_428 : vector<16xf32>
      %lt3A_430 = arith.cmpf olt, %max3A_429, %min3A_394 : vector<16xf32>
      %min3A_431 = arith.minimumf %min3A_394, %max3A_429 : vector<16xf32>
      %select_n3A_432 = arith.select %lt3A_430, %broadcast_in_dim3A_402, %select_n3A_395 : vector<16xi1>, vector<16xi32>
      %slice3A_433 = vector.extract_strided_slice %get3A_103 {offsets = [9], sizes = [1], strides = [1]} : vector<16xf32> to vector<1xf32>
      %squeeze3A_434 = vector.extract %slice3A_433[0] : f32 from vector<1xf32>
      %slice3A_435 = vector.extract_strided_slice %get3A_106 {offsets = [9], sizes = [1], strides = [1]} : vector<16xf32> to vector<1xf32>
      %squeeze3A_436 = vector.extract %slice3A_435[0] : f32 from vector<1xf32>
      %add3A_437 = arith.constant 9 : i32
      %add3A_438 = arith.addi %mul3A_100, %add3A_437 : i32
      %broadcast_in_dim3A_439 = vector.broadcast %add3A_438 : i32 to vector<16xi32>
      %sub3A_440 = vector.broadcast %squeeze3A_434 : f32 to vector<16xf32>
      %sub3A_441 = arith.subf %get3A_4, %sub3A_440 : vector<16xf32>
      %sub3A_442 = vector.broadcast %squeeze3A_436 : f32 to vector<16xf32>
      %sub3A_443 = arith.subf %get3A_13, %sub3A_442 : vector<16xf32>
      %abs3A_444 = math.absf %sub3A_441 : vector<16xf32>
      %abs3A_445 = math.absf %sub3A_443 : vector<16xf32>
      %max3A_446 = arith.maximumf %abs3A_444, %abs3A_445 : vector<16xf32>
      %lt3A_447 = arith.cmpf olt, %max3A_446, %min3A_411 : vector<16xf32>
      %min3A_448 = arith.minimumf %min3A_411, %max3A_446 : vector<16xf32>
      %select_n3A_449 = arith.select %lt3A_447, %broadcast_in_dim3A_439, %select_n3A_412 : vector<16xi1>, vector<16xi32>
      %sub3A_450 = vector.broadcast %squeeze3A_434 : f32 to vector<16xf32>
      %sub3A_451 = arith.subf %get3A_7, %sub3A_450 : vector<16xf32>
      %sub3A_452 = vector.broadcast %squeeze3A_436 : f32 to vector<16xf32>
      %sub3A_453 = arith.subf %get3A_16, %sub3A_452 : vector<16xf32>
      %abs3A_454 = math.absf %sub3A_451 : vector<16xf32>
      %abs3A_455 = math.absf %sub3A_453 : vector<16xf32>
      %max3A_456 = arith.maximumf %abs3A_454, %abs3A_455 : vector<16xf32>
      %lt3A_457 = arith.cmpf olt, %max3A_456, %min3A_421 : vector<16xf32>
      %min3A_458 = arith.minimumf %min3A_421, %max3A_456 : vector<16xf32>
      %select_n3A_459 = arith.select %lt3A_457, %broadcast_in_dim3A_439, %select_n3A_422 : vector<16xi1>, vector<16xi32>
      %sub3A_460 = vector.broadcast %squeeze3A_434 : f32 to vector<16xf32>
      %sub3A_461 = arith.subf %get3A_10, %sub3A_460 : vector<16xf32>
      %sub3A_462 = vector.broadcast %squeeze3A_436 : f32 to vector<16xf32>
      %sub3A_463 = arith.subf %get3A_19, %sub3A_462 : vector<16xf32>
      %abs3A_464 = math.absf %sub3A_461 : vector<16xf32>
      %abs3A_465 = math.absf %sub3A_463 : vector<16xf32>
      %max3A_466 = arith.maximumf %abs3A_464, %abs3A_465 : vector<16xf32>
      %lt3A_467 = arith.cmpf olt, %max3A_466, %min3A_431 : vector<16xf32>
      %min3A_468 = arith.minimumf %min3A_431, %max3A_466 : vector<16xf32>
      %select_n3A_469 = arith.select %lt3A_467, %broadcast_in_dim3A_439, %select_n3A_432 : vector<16xi1>, vector<16xi32>
      %slice3A_470 = vector.extract_strided_slice %get3A_103 {offsets = [10], sizes = [1], strides = [1]} : vector<16xf32> to vector<1xf32>
      %squeeze3A_471 = vector.extract %slice3A_470[0] : f32 from vector<1xf32>
      %slice3A_472 = vector.extract_strided_slice %get3A_106 {offsets = [10], sizes = [1], strides = [1]} : vector<16xf32> to vector<1xf32>
      %squeeze3A_473 = vector.extract %slice3A_472[0] : f32 from vector<1xf32>
      %add3A_474 = arith.constant 10 : i32
      %add3A_475 = arith.addi %mul3A_100, %add3A_474 : i32
      %broadcast_in_dim3A_476 = vector.broadcast %add3A_475 : i32 to vector<16xi32>
      %sub3A_477 = vector.broadcast %squeeze3A_471 : f32 to vector<16xf32>
      %sub3A_478 = arith.subf %get3A_4, %sub3A_477 : vector<16xf32>
      %sub3A_479 = vector.broadcast %squeeze3A_473 : f32 to vector<16xf32>
      %sub3A_480 = arith.subf %get3A_13, %sub3A_479 : vector<16xf32>
      %abs3A_481 = math.absf %sub3A_478 : vector<16xf32>
      %abs3A_482 = math.absf %sub3A_480 : vector<16xf32>
      %max3A_483 = arith.maximumf %abs3A_481, %abs3A_482 : vector<16xf32>
      %lt3A_484 = arith.cmpf olt, %max3A_483, %min3A_448 : vector<16xf32>
      %min3A_485 = arith.minimumf %min3A_448, %max3A_483 : vector<16xf32>
      %select_n3A_486 = arith.select %lt3A_484, %broadcast_in_dim3A_476, %select_n3A_449 : vector<16xi1>, vector<16xi32>
      %sub3A_487 = vector.broadcast %squeeze3A_471 : f32 to vector<16xf32>
      %sub3A_488 = arith.subf %get3A_7, %sub3A_487 : vector<16xf32>
      %sub3A_489 = vector.broadcast %squeeze3A_473 : f32 to vector<16xf32>
      %sub3A_490 = arith.subf %get3A_16, %sub3A_489 : vector<16xf32>
      %abs3A_491 = math.absf %sub3A_488 : vector<16xf32>
      %abs3A_492 = math.absf %sub3A_490 : vector<16xf32>
      %max3A_493 = arith.maximumf %abs3A_491, %abs3A_492 : vector<16xf32>
      %lt3A_494 = arith.cmpf olt, %max3A_493, %min3A_458 : vector<16xf32>
      %min3A_495 = arith.minimumf %min3A_458, %max3A_493 : vector<16xf32>
      %select_n3A_496 = arith.select %lt3A_494, %broadcast_in_dim3A_476, %select_n3A_459 : vector<16xi1>, vector<16xi32>
      %sub3A_497 = vector.broadcast %squeeze3A_471 : f32 to vector<16xf32>
      %sub3A_498 = arith.subf %get3A_10, %sub3A_497 : vector<16xf32>
      %sub3A_499 = vector.broadcast %squeeze3A_473 : f32 to vector<16xf32>
      %sub3A_500 = arith.subf %get3A_19, %sub3A_499 : vector<16xf32>
      %abs3A_501 = math.absf %sub3A_498 : vector<16xf32>
      %abs3A_502 = math.absf %sub3A_500 : vector<16xf32>
      %max3A_503 = arith.maximumf %abs3A_501, %abs3A_502 : vector<16xf32>
      %lt3A_504 = arith.cmpf olt, %max3A_503, %min3A_468 : vector<16xf32>
      %min3A_505 = arith.minimumf %min3A_468, %max3A_503 : vector<16xf32>
      %select_n3A_506 = arith.select %lt3A_504, %broadcast_in_dim3A_476, %select_n3A_469 : vector<16xi1>, vector<16xi32>
      %slice3A_507 = vector.extract_strided_slice %get3A_103 {offsets = [11], sizes = [1], strides = [1]} : vector<16xf32> to vector<1xf32>
      %squeeze3A_508 = vector.extract %slice3A_507[0] : f32 from vector<1xf32>
      %slice3A_509 = vector.extract_strided_slice %get3A_106 {offsets = [11], sizes = [1], strides = [1]} : vector<16xf32> to vector<1xf32>
      %squeeze3A_510 = vector.extract %slice3A_509[0] : f32 from vector<1xf32>
      %add3A_511 = arith.constant 11 : i32
      %add3A_512 = arith.addi %mul3A_100, %add3A_511 : i32
      %broadcast_in_dim3A_513 = vector.broadcast %add3A_512 : i32 to vector<16xi32>
      %sub3A_514 = vector.broadcast %squeeze3A_508 : f32 to vector<16xf32>
      %sub3A_515 = arith.subf %get3A_4, %sub3A_514 : vector<16xf32>
      %sub3A_516 = vector.broadcast %squeeze3A_510 : f32 to vector<16xf32>
      %sub3A_517 = arith.subf %get3A_13, %sub3A_516 : vector<16xf32>
      %abs3A_518 = math.absf %sub3A_515 : vector<16xf32>
      %abs3A_519 = math.absf %sub3A_517 : vector<16xf32>
      %max3A_520 = arith.maximumf %abs3A_518, %abs3A_519 : vector<16xf32>
      %lt3A_521 = arith.cmpf olt, %max3A_520, %min3A_485 : vector<16xf32>
      %min3A_522 = arith.minimumf %min3A_485, %max3A_520 : vector<16xf32>
      %select_n3A_523 = arith.select %lt3A_521, %broadcast_in_dim3A_513, %select_n3A_486 : vector<16xi1>, vector<16xi32>
      %sub3A_524 = vector.broadcast %squeeze3A_508 : f32 to vector<16xf32>
      %sub3A_525 = arith.subf %get3A_7, %sub3A_524 : vector<16xf32>
      %sub3A_526 = vector.broadcast %squeeze3A_510 : f32 to vector<16xf32>
      %sub3A_527 = arith.subf %get3A_16, %sub3A_526 : vector<16xf32>
      %abs3A_528 = math.absf %sub3A_525 : vector<16xf32>
      %abs3A_529 = math.absf %sub3A_527 : vector<16xf32>
      %max3A_530 = arith.maximumf %abs3A_528, %abs3A_529 : vector<16xf32>
      %lt3A_531 = arith.cmpf olt, %max3A_530, %min3A_495 : vector<16xf32>
      %min3A_532 = arith.minimumf %min3A_495, %max3A_530 : vector<16xf32>
      %select_n3A_533 = arith.select %lt3A_531, %broadcast_in_dim3A_513, %select_n3A_496 : vector<16xi1>, vector<16xi32>
      %sub3A_534 = vector.broadcast %squeeze3A_508 : f32 to vector<16xf32>
      %sub3A_535 = arith.subf %get3A_10, %sub3A_534 : vector<16xf32>
      %sub3A_536 = vector.broadcast %squeeze3A_510 : f32 to vector<16xf32>
      %sub3A_537 = arith.subf %get3A_19, %sub3A_536 : vector<16xf32>
      %abs3A_538 = math.absf %sub3A_535 : vector<16xf32>
      %abs3A_539 = math.absf %sub3A_537 : vector<16xf32>
      %max3A_540 = arith.maximumf %abs3A_538, %abs3A_539 : vector<16xf32>
      %lt3A_541 = arith.cmpf olt, %max3A_540, %min3A_505 : vector<16xf32>
      %min3A_542 = arith.minimumf %min3A_505, %max3A_540 : vector<16xf32>
      %select_n3A_543 = arith.select %lt3A_541, %broadcast_in_dim3A_513, %select_n3A_506 : vector<16xi1>, vector<16xi32>
      %slice3A_544 = vector.extract_strided_slice %get3A_103 {offsets = [12], sizes = [1], strides = [1]} : vector<16xf32> to vector<1xf32>
      %squeeze3A_545 = vector.extract %slice3A_544[0] : f32 from vector<1xf32>
      %slice3A_546 = vector.extract_strided_slice %get3A_106 {offsets = [12], sizes = [1], strides = [1]} : vector<16xf32> to vector<1xf32>
      %squeeze3A_547 = vector.extract %slice3A_546[0] : f32 from vector<1xf32>
      %add3A_548 = arith.constant 12 : i32
      %add3A_549 = arith.addi %mul3A_100, %add3A_548 : i32
      %broadcast_in_dim3A_550 = vector.broadcast %add3A_549 : i32 to vector<16xi32>
      %sub3A_551 = vector.broadcast %squeeze3A_545 : f32 to vector<16xf32>
      %sub3A_552 = arith.subf %get3A_4, %sub3A_551 : vector<16xf32>
      %sub3A_553 = vector.broadcast %squeeze3A_547 : f32 to vector<16xf32>
      %sub3A_554 = arith.subf %get3A_13, %sub3A_553 : vector<16xf32>
      %abs3A_555 = math.absf %sub3A_552 : vector<16xf32>
      %abs3A_556 = math.absf %sub3A_554 : vector<16xf32>
      %max3A_557 = arith.maximumf %abs3A_555, %abs3A_556 : vector<16xf32>
      %lt3A_558 = arith.cmpf olt, %max3A_557, %min3A_522 : vector<16xf32>
      %min3A_559 = arith.minimumf %min3A_522, %max3A_557 : vector<16xf32>
      %select_n3A_560 = arith.select %lt3A_558, %broadcast_in_dim3A_550, %select_n3A_523 : vector<16xi1>, vector<16xi32>
      %sub3A_561 = vector.broadcast %squeeze3A_545 : f32 to vector<16xf32>
      %sub3A_562 = arith.subf %get3A_7, %sub3A_561 : vector<16xf32>
      %sub3A_563 = vector.broadcast %squeeze3A_547 : f32 to vector<16xf32>
      %sub3A_564 = arith.subf %get3A_16, %sub3A_563 : vector<16xf32>
      %abs3A_565 = math.absf %sub3A_562 : vector<16xf32>
      %abs3A_566 = math.absf %sub3A_564 : vector<16xf32>
      %max3A_567 = arith.maximumf %abs3A_565, %abs3A_566 : vector<16xf32>
      %lt3A_568 = arith.cmpf olt, %max3A_567, %min3A_532 : vector<16xf32>
      %min3A_569 = arith.minimumf %min3A_532, %max3A_567 : vector<16xf32>
      %select_n3A_570 = arith.select %lt3A_568, %broadcast_in_dim3A_550, %select_n3A_533 : vector<16xi1>, vector<16xi32>
      %sub3A_571 = vector.broadcast %squeeze3A_545 : f32 to vector<16xf32>
      %sub3A_572 = arith.subf %get3A_10, %sub3A_571 : vector<16xf32>
      %sub3A_573 = vector.broadcast %squeeze3A_547 : f32 to vector<16xf32>
      %sub3A_574 = arith.subf %get3A_19, %sub3A_573 : vector<16xf32>
      %abs3A_575 = math.absf %sub3A_572 : vector<16xf32>
      %abs3A_576 = math.absf %sub3A_574 : vector<16xf32>
      %max3A_577 = arith.maximumf %abs3A_575, %abs3A_576 : vector<16xf32>
      %lt3A_578 = arith.cmpf olt, %max3A_577, %min3A_542 : vector<16xf32>
      %min3A_579 = arith.minimumf %min3A_542, %max3A_577 : vector<16xf32>
      %select_n3A_580 = arith.select %lt3A_578, %broadcast_in_dim3A_550, %select_n3A_543 : vector<16xi1>, vector<16xi32>
      %slice3A_581 = vector.extract_strided_slice %get3A_103 {offsets = [13], sizes = [1], strides = [1]} : vector<16xf32> to vector<1xf32>
      %squeeze3A_582 = vector.extract %slice3A_581[0] : f32 from vector<1xf32>
      %slice3A_583 = vector.extract_strided_slice %get3A_106 {offsets = [13], sizes = [1], strides = [1]} : vector<16xf32> to vector<1xf32>
      %squeeze3A_584 = vector.extract %slice3A_583[0] : f32 from vector<1xf32>
      %add3A_585 = arith.constant 13 : i32
      %add3A_586 = arith.addi %mul3A_100, %add3A_585 : i32
      %broadcast_in_dim3A_587 = vector.broadcast %add3A_586 : i32 to vector<16xi32>
      %sub3A_588 = vector.broadcast %squeeze3A_582 : f32 to vector<16xf32>
      %sub3A_589 = arith.subf %get3A_4, %sub3A_588 : vector<16xf32>
      %sub3A_590 = vector.broadcast %squeeze3A_584 : f32 to vector<16xf32>
      %sub3A_591 = arith.subf %get3A_13, %sub3A_590 : vector<16xf32>
      %abs3A_592 = math.absf %sub3A_589 : vector<16xf32>
      %abs3A_593 = math.absf %sub3A_591 : vector<16xf32>
      %max3A_594 = arith.maximumf %abs3A_592, %abs3A_593 : vector<16xf32>
      %lt3A_595 = arith.cmpf olt, %max3A_594, %min3A_559 : vector<16xf32>
      %min3A_596 = arith.minimumf %min3A_559, %max3A_594 : vector<16xf32>
      %select_n3A_597 = arith.select %lt3A_595, %broadcast_in_dim3A_587, %select_n3A_560 : vector<16xi1>, vector<16xi32>
      %sub3A_598 = vector.broadcast %squeeze3A_582 : f32 to vector<16xf32>
      %sub3A_599 = arith.subf %get3A_7, %sub3A_598 : vector<16xf32>
      %sub3A_600 = vector.broadcast %squeeze3A_584 : f32 to vector<16xf32>
      %sub3A_601 = arith.subf %get3A_16, %sub3A_600 : vector<16xf32>
      %abs3A_602 = math.absf %sub3A_599 : vector<16xf32>
      %abs3A_603 = math.absf %sub3A_601 : vector<16xf32>
      %max3A_604 = arith.maximumf %abs3A_602, %abs3A_603 : vector<16xf32>
      %lt3A_605 = arith.cmpf olt, %max3A_604, %min3A_569 : vector<16xf32>
      %min3A_606 = arith.minimumf %min3A_569, %max3A_604 : vector<16xf32>
      %select_n3A_607 = arith.select %lt3A_605, %broadcast_in_dim3A_587, %select_n3A_570 : vector<16xi1>, vector<16xi32>
      %sub3A_608 = vector.broadcast %squeeze3A_582 : f32 to vector<16xf32>
      %sub3A_609 = arith.subf %get3A_10, %sub3A_608 : vector<16xf32>
      %sub3A_610 = vector.broadcast %squeeze3A_584 : f32 to vector<16xf32>
      %sub3A_611 = arith.subf %get3A_19, %sub3A_610 : vector<16xf32>
      %abs3A_612 = math.absf %sub3A_609 : vector<16xf32>
      %abs3A_613 = math.absf %sub3A_611 : vector<16xf32>
      %max3A_614 = arith.maximumf %abs3A_612, %abs3A_613 : vector<16xf32>
      %lt3A_615 = arith.cmpf olt, %max3A_614, %min3A_579 : vector<16xf32>
      %min3A_616 = arith.minimumf %min3A_579, %max3A_614 : vector<16xf32>
      %select_n3A_617 = arith.select %lt3A_615, %broadcast_in_dim3A_587, %select_n3A_580 : vector<16xi1>, vector<16xi32>
      %slice3A_618 = vector.extract_strided_slice %get3A_103 {offsets = [14], sizes = [1], strides = [1]} : vector<16xf32> to vector<1xf32>
      %squeeze3A_619 = vector.extract %slice3A_618[0] : f32 from vector<1xf32>
      %slice3A_620 = vector.extract_strided_slice %get3A_106 {offsets = [14], sizes = [1], strides = [1]} : vector<16xf32> to vector<1xf32>
      %squeeze3A_621 = vector.extract %slice3A_620[0] : f32 from vector<1xf32>
      %add3A_622 = arith.constant 14 : i32
      %add3A_623 = arith.addi %mul3A_100, %add3A_622 : i32
      %broadcast_in_dim3A_624 = vector.broadcast %add3A_623 : i32 to vector<16xi32>
      %sub3A_625 = vector.broadcast %squeeze3A_619 : f32 to vector<16xf32>
      %sub3A_626 = arith.subf %get3A_4, %sub3A_625 : vector<16xf32>
      %sub3A_627 = vector.broadcast %squeeze3A_621 : f32 to vector<16xf32>
      %sub3A_628 = arith.subf %get3A_13, %sub3A_627 : vector<16xf32>
      %abs3A_629 = math.absf %sub3A_626 : vector<16xf32>
      %abs3A_630 = math.absf %sub3A_628 : vector<16xf32>
      %max3A_631 = arith.maximumf %abs3A_629, %abs3A_630 : vector<16xf32>
      %lt3A_632 = arith.cmpf olt, %max3A_631, %min3A_596 : vector<16xf32>
      %min3A_633 = arith.minimumf %min3A_596, %max3A_631 : vector<16xf32>
      %select_n3A_634 = arith.select %lt3A_632, %broadcast_in_dim3A_624, %select_n3A_597 : vector<16xi1>, vector<16xi32>
      %sub3A_635 = vector.broadcast %squeeze3A_619 : f32 to vector<16xf32>
      %sub3A_636 = arith.subf %get3A_7, %sub3A_635 : vector<16xf32>
      %sub3A_637 = vector.broadcast %squeeze3A_621 : f32 to vector<16xf32>
      %sub3A_638 = arith.subf %get3A_16, %sub3A_637 : vector<16xf32>
      %abs3A_639 = math.absf %sub3A_636 : vector<16xf32>
      %abs3A_640 = math.absf %sub3A_638 : vector<16xf32>
      %max3A_641 = arith.maximumf %abs3A_639, %abs3A_640 : vector<16xf32>
      %lt3A_642 = arith.cmpf olt, %max3A_641, %min3A_606 : vector<16xf32>
      %min3A_643 = arith.minimumf %min3A_606, %max3A_641 : vector<16xf32>
      %select_n3A_644 = arith.select %lt3A_642, %broadcast_in_dim3A_624, %select_n3A_607 : vector<16xi1>, vector<16xi32>
      %sub3A_645 = vector.broadcast %squeeze3A_619 : f32 to vector<16xf32>
      %sub3A_646 = arith.subf %get3A_10, %sub3A_645 : vector<16xf32>
      %sub3A_647 = vector.broadcast %squeeze3A_621 : f32 to vector<16xf32>
      %sub3A_648 = arith.subf %get3A_19, %sub3A_647 : vector<16xf32>
      %abs3A_649 = math.absf %sub3A_646 : vector<16xf32>
      %abs3A_650 = math.absf %sub3A_648 : vector<16xf32>
      %max3A_651 = arith.maximumf %abs3A_649, %abs3A_650 : vector<16xf32>
      %lt3A_652 = arith.cmpf olt, %max3A_651, %min3A_616 : vector<16xf32>
      %min3A_653 = arith.minimumf %min3A_616, %max3A_651 : vector<16xf32>
      %select_n3A_654 = arith.select %lt3A_652, %broadcast_in_dim3A_624, %select_n3A_617 : vector<16xi1>, vector<16xi32>
      %slice3A_655 = vector.extract_strided_slice %get3A_103 {offsets = [15], sizes = [1], strides = [1]} : vector<16xf32> to vector<1xf32>
      %squeeze3A_656 = vector.extract %slice3A_655[0] : f32 from vector<1xf32>
      %slice3A_657 = vector.extract_strided_slice %get3A_106 {offsets = [15], sizes = [1], strides = [1]} : vector<16xf32> to vector<1xf32>
      %squeeze3A_658 = vector.extract %slice3A_657[0] : f32 from vector<1xf32>
      %add3A_659 = arith.constant 15 : i32
      %add3A_660 = arith.addi %mul3A_100, %add3A_659 : i32
      %broadcast_in_dim3A_661 = vector.broadcast %add3A_660 : i32 to vector<16xi32>
      %sub3A_662 = vector.broadcast %squeeze3A_656 : f32 to vector<16xf32>
      %sub3A_663 = arith.subf %get3A_4, %sub3A_662 : vector<16xf32>
      %sub3A_664 = vector.broadcast %squeeze3A_658 : f32 to vector<16xf32>
      %sub3A_665 = arith.subf %get3A_13, %sub3A_664 : vector<16xf32>
      %abs3A_666 = math.absf %sub3A_663 : vector<16xf32>
      %abs3A_667 = math.absf %sub3A_665 : vector<16xf32>
      %max3A_668 = arith.maximumf %abs3A_666, %abs3A_667 : vector<16xf32>
      %lt3A_669 = arith.cmpf olt, %max3A_668, %min3A_633 : vector<16xf32>
      %min3A_670 = arith.minimumf %min3A_633, %max3A_668 : vector<16xf32>
      %select_n3A_671 = arith.select %lt3A_669, %broadcast_in_dim3A_661, %select_n3A_634 : vector<16xi1>, vector<16xi32>
      %sub3A_672 = vector.broadcast %squeeze3A_656 : f32 to vector<16xf32>
      %sub3A_673 = arith.subf %get3A_7, %sub3A_672 : vector<16xf32>
      %sub3A_674 = vector.broadcast %squeeze3A_658 : f32 to vector<16xf32>
      %sub3A_675 = arith.subf %get3A_16, %sub3A_674 : vector<16xf32>
      %abs3A_676 = math.absf %sub3A_673 : vector<16xf32>
      %abs3A_677 = math.absf %sub3A_675 : vector<16xf32>
      %max3A_678 = arith.maximumf %abs3A_676, %abs3A_677 : vector<16xf32>
      %lt3A_679 = arith.cmpf olt, %max3A_678, %min3A_643 : vector<16xf32>
      %min3A_680 = arith.minimumf %min3A_643, %max3A_678 : vector<16xf32>
      %select_n3A_681 = arith.select %lt3A_679, %broadcast_in_dim3A_661, %select_n3A_644 : vector<16xi1>, vector<16xi32>
      %sub3A_682 = vector.broadcast %squeeze3A_656 : f32 to vector<16xf32>
      %sub3A_683 = arith.subf %get3A_10, %sub3A_682 : vector<16xf32>
      %sub3A_684 = vector.broadcast %squeeze3A_658 : f32 to vector<16xf32>
      %sub3A_685 = arith.subf %get3A_19, %sub3A_684 : vector<16xf32>
      %abs3A_686 = math.absf %sub3A_683 : vector<16xf32>
      %abs3A_687 = math.absf %sub3A_685 : vector<16xf32>
      %max3A_688 = arith.maximumf %abs3A_686, %abs3A_687 : vector<16xf32>
      %lt3A_689 = arith.cmpf olt, %max3A_688, %min3A_653 : vector<16xf32>
      %min3A_690 = arith.minimumf %min3A_653, %max3A_688 : vector<16xf32>
      %select_n3A_691 = arith.select %lt3A_689, %broadcast_in_dim3A_661, %select_n3A_654 : vector<16xi1>, vector<16xi32>
      %scan3A_692 = arith.constant 1 : i32
      %scan3A_693 = arith.addi %scan3A_92, %scan3A_692 : i32
      %mul3A_694 = arith.constant 16 : i32
      %mul3A_695 = arith.muli %scan3A_693, %mul3A_694 : i32
      %get3A_696 = arith.index_cast %mul3A_695 : i32 to index
      %get3A_697 = tpu.vector_load %arg10[%get3A_696] {strides = array<i32>} : memref<8192xf32, #tpu.memory_space<vmem>>, vector<16xf32>,
      %get3A_698 = vector.shape_cast %get3A_697 : vector<16xf32> to vector<16xf32>
      %get3A_699 = arith.index_cast %mul3A_695 : i32 to index
      %get3A_700 = tpu.vector_load %arg11[%get3A_699] {strides = array<i32>} : memref<8192xf32, #tpu.memory_space<vmem>>, vector<16xf32>,
      %get3A_701 = vector.shape_cast %get3A_700 : vector<16xf32> to vector<16xf32>
      %slice3A_702 = vector.extract_strided_slice %get3A_698 {offsets = [0], sizes = [1], strides = [1]} : vector<16xf32> to vector<1xf32>
      %squeeze3A_703 = vector.extract %slice3A_702[0] : f32 from vector<1xf32>
      %slice3A_704 = vector.extract_strided_slice %get3A_701 {offsets = [0], sizes = [1], strides = [1]} : vector<16xf32> to vector<1xf32>
      %squeeze3A_705 = vector.extract %slice3A_704[0] : f32 from vector<1xf32>
      %add3A_706 = arith.constant 0 : i32
      %add3A_707 = arith.addi %mul3A_695, %add3A_706 : i32
      %broadcast_in_dim3A_708 = vector.broadcast %add3A_707 : i32 to vector<16xi32>
      %sub3A_709 = vector.broadcast %squeeze3A_703 : f32 to vector<16xf32>
      %sub3A_710 = arith.subf %get3A_4, %sub3A_709 : vector<16xf32>
      %sub3A_711 = vector.broadcast %squeeze3A_705 : f32 to vector<16xf32>
      %sub3A_712 = arith.subf %get3A_13, %sub3A_711 : vector<16xf32>
      %abs3A_713 = math.absf %sub3A_710 : vector<16xf32>
      %abs3A_714 = math.absf %sub3A_712 : vector<16xf32>
      %max3A_715 = arith.maximumf %abs3A_713, %abs3A_714 : vector<16xf32>
      %lt3A_716 = arith.cmpf olt, %max3A_715, %min3A_670 : vector<16xf32>
      %min3A_717 = arith.minimumf %min3A_670, %max3A_715 : vector<16xf32>
      %select_n3A_718 = arith.select %lt3A_716, %broadcast_in_dim3A_708, %select_n3A_671 : vector<16xi1>, vector<16xi32>
      %sub3A_719 = vector.broadcast %squeeze3A_703 : f32 to vector<16xf32>
      %sub3A_720 = arith.subf %get3A_7, %sub3A_719 : vector<16xf32>
      %sub3A_721 = vector.broadcast %squeeze3A_705 : f32 to vector<16xf32>
      %sub3A_722 = arith.subf %get3A_16, %sub3A_721 : vector<16xf32>
      %abs3A_723 = math.absf %sub3A_720 : vector<16xf32>
      %abs3A_724 = math.absf %sub3A_722 : vector<16xf32>
      %max3A_725 = arith.maximumf %abs3A_723, %abs3A_724 : vector<16xf32>
      %lt3A_726 = arith.cmpf olt, %max3A_725, %min3A_680 : vector<16xf32>
      %min3A_727 = arith.minimumf %min3A_680, %max3A_725 : vector<16xf32>
      %select_n3A_728 = arith.select %lt3A_726, %broadcast_in_dim3A_708, %select_n3A_681 : vector<16xi1>, vector<16xi32>
      %sub3A_729 = vector.broadcast %squeeze3A_703 : f32 to vector<16xf32>
      %sub3A_730 = arith.subf %get3A_10, %sub3A_729 : vector<16xf32>
      %sub3A_731 = vector.broadcast %squeeze3A_705 : f32 to vector<16xf32>
      %sub3A_732 = arith.subf %get3A_19, %sub3A_731 : vector<16xf32>
      %abs3A_733 = math.absf %sub3A_730 : vector<16xf32>
      %abs3A_734 = math.absf %sub3A_732 : vector<16xf32>
      %max3A_735 = arith.maximumf %abs3A_733, %abs3A_734 : vector<16xf32>
      %lt3A_736 = arith.cmpf olt, %max3A_735, %min3A_690 : vector<16xf32>
      %min3A_737 = arith.minimumf %min3A_690, %max3A_735 : vector<16xf32>
      %select_n3A_738 = arith.select %lt3A_736, %broadcast_in_dim3A_708, %select_n3A_691 : vector<16xi1>, vector<16xi32>
      %slice3A_739 = vector.extract_strided_slice %get3A_698 {offsets = [1], sizes = [1], strides = [1]} : vector<16xf32> to vector<1xf32>
      %squeeze3A_740 = vector.extract %slice3A_739[0] : f32 from vector<1xf32>
      %slice3A_741 = vector.extract_strided_slice %get3A_701 {offsets = [1], sizes = [1], strides = [1]} : vector<16xf32> to vector<1xf32>
      %squeeze3A_742 = vector.extract %slice3A_741[0] : f32 from vector<1xf32>
      %add3A_743 = arith.constant 1 : i32
      %add3A_744 = arith.addi %mul3A_695, %add3A_743 : i32
      %broadcast_in_dim3A_745 = vector.broadcast %add3A_744 : i32 to vector<16xi32>
      %sub3A_746 = vector.broadcast %squeeze3A_740 : f32 to vector<16xf32>
      %sub3A_747 = arith.subf %get3A_4, %sub3A_746 : vector<16xf32>
      %sub3A_748 = vector.broadcast %squeeze3A_742 : f32 to vector<16xf32>
      %sub3A_749 = arith.subf %get3A_13, %sub3A_748 : vector<16xf32>
      %abs3A_750 = math.absf %sub3A_747 : vector<16xf32>
      %abs3A_751 = math.absf %sub3A_749 : vector<16xf32>
      %max3A_752 = arith.maximumf %abs3A_750, %abs3A_751 : vector<16xf32>
      %lt3A_753 = arith.cmpf olt, %max3A_752, %min3A_717 : vector<16xf32>
      %min3A_754 = arith.minimumf %min3A_717, %max3A_752 : vector<16xf32>
      %select_n3A_755 = arith.select %lt3A_753, %broadcast_in_dim3A_745, %select_n3A_718 : vector<16xi1>, vector<16xi32>
      %sub3A_756 = vector.broadcast %squeeze3A_740 : f32 to vector<16xf32>
      %sub3A_757 = arith.subf %get3A_7, %sub3A_756 : vector<16xf32>
      %sub3A_758 = vector.broadcast %squeeze3A_742 : f32 to vector<16xf32>
      %sub3A_759 = arith.subf %get3A_16, %sub3A_758 : vector<16xf32>
      %abs3A_760 = math.absf %sub3A_757 : vector<16xf32>
      %abs3A_761 = math.absf %sub3A_759 : vector<16xf32>
      %max3A_762 = arith.maximumf %abs3A_760, %abs3A_761 : vector<16xf32>
      %lt3A_763 = arith.cmpf olt, %max3A_762, %min3A_727 : vector<16xf32>
      %min3A_764 = arith.minimumf %min3A_727, %max3A_762 : vector<16xf32>
      %select_n3A_765 = arith.select %lt3A_763, %broadcast_in_dim3A_745, %select_n3A_728 : vector<16xi1>, vector<16xi32>
      %sub3A_766 = vector.broadcast %squeeze3A_740 : f32 to vector<16xf32>
      %sub3A_767 = arith.subf %get3A_10, %sub3A_766 : vector<16xf32>
      %sub3A_768 = vector.broadcast %squeeze3A_742 : f32 to vector<16xf32>
      %sub3A_769 = arith.subf %get3A_19, %sub3A_768 : vector<16xf32>
      %abs3A_770 = math.absf %sub3A_767 : vector<16xf32>
      %abs3A_771 = math.absf %sub3A_769 : vector<16xf32>
      %max3A_772 = arith.maximumf %abs3A_770, %abs3A_771 : vector<16xf32>
      %lt3A_773 = arith.cmpf olt, %max3A_772, %min3A_737 : vector<16xf32>
      %min3A_774 = arith.minimumf %min3A_737, %max3A_772 : vector<16xf32>
      %select_n3A_775 = arith.select %lt3A_773, %broadcast_in_dim3A_745, %select_n3A_738 : vector<16xi1>, vector<16xi32>
      %slice3A_776 = vector.extract_strided_slice %get3A_698 {offsets = [2], sizes = [1], strides = [1]} : vector<16xf32> to vector<1xf32>
      %squeeze3A_777 = vector.extract %slice3A_776[0] : f32 from vector<1xf32>
      %slice3A_778 = vector.extract_strided_slice %get3A_701 {offsets = [2], sizes = [1], strides = [1]} : vector<16xf32> to vector<1xf32>
      %squeeze3A_779 = vector.extract %slice3A_778[0] : f32 from vector<1xf32>
      %add3A_780 = arith.constant 2 : i32
      %add3A_781 = arith.addi %mul3A_695, %add3A_780 : i32
      %broadcast_in_dim3A_782 = vector.broadcast %add3A_781 : i32 to vector<16xi32>
      %sub3A_783 = vector.broadcast %squeeze3A_777 : f32 to vector<16xf32>
      %sub3A_784 = arith.subf %get3A_4, %sub3A_783 : vector<16xf32>
      %sub3A_785 = vector.broadcast %squeeze3A_779 : f32 to vector<16xf32>
      %sub3A_786 = arith.subf %get3A_13, %sub3A_785 : vector<16xf32>
      %abs3A_787 = math.absf %sub3A_784 : vector<16xf32>
      %abs3A_788 = math.absf %sub3A_786 : vector<16xf32>
      %max3A_789 = arith.maximumf %abs3A_787, %abs3A_788 : vector<16xf32>
      %lt3A_790 = arith.cmpf olt, %max3A_789, %min3A_754 : vector<16xf32>
      %min3A_791 = arith.minimumf %min3A_754, %max3A_789 : vector<16xf32>
      %select_n3A_792 = arith.select %lt3A_790, %broadcast_in_dim3A_782, %select_n3A_755 : vector<16xi1>, vector<16xi32>
      %sub3A_793 = vector.broadcast %squeeze3A_777 : f32 to vector<16xf32>
      %sub3A_794 = arith.subf %get3A_7, %sub3A_793 : vector<16xf32>
      %sub3A_795 = vector.broadcast %squeeze3A_779 : f32 to vector<16xf32>
      %sub3A_796 = arith.subf %get3A_16, %sub3A_795 : vector<16xf32>
      %abs3A_797 = math.absf %sub3A_794 : vector<16xf32>
      %abs3A_798 = math.absf %sub3A_796 : vector<16xf32>
      %max3A_799 = arith.maximumf %abs3A_797, %abs3A_798 : vector<16xf32>
      %lt3A_800 = arith.cmpf olt, %max3A_799, %min3A_764 : vector<16xf32>
      %min3A_801 = arith.minimumf %min3A_764, %max3A_799 : vector<16xf32>
      %select_n3A_802 = arith.select %lt3A_800, %broadcast_in_dim3A_782, %select_n3A_765 : vector<16xi1>, vector<16xi32>
      %sub3A_803 = vector.broadcast %squeeze3A_777 : f32 to vector<16xf32>
      %sub3A_804 = arith.subf %get3A_10, %sub3A_803 : vector<16xf32>
      %sub3A_805 = vector.broadcast %squeeze3A_779 : f32 to vector<16xf32>
      %sub3A_806 = arith.subf %get3A_19, %sub3A_805 : vector<16xf32>
      %abs3A_807 = math.absf %sub3A_804 : vector<16xf32>
      %abs3A_808 = math.absf %sub3A_806 : vector<16xf32>
      %max3A_809 = arith.maximumf %abs3A_807, %abs3A_808 : vector<16xf32>
      %lt3A_810 = arith.cmpf olt, %max3A_809, %min3A_774 : vector<16xf32>
      %min3A_811 = arith.minimumf %min3A_774, %max3A_809 : vector<16xf32>
      %select_n3A_812 = arith.select %lt3A_810, %broadcast_in_dim3A_782, %select_n3A_775 : vector<16xi1>, vector<16xi32>
      %slice3A_813 = vector.extract_strided_slice %get3A_698 {offsets = [3], sizes = [1], strides = [1]} : vector<16xf32> to vector<1xf32>
      %squeeze3A_814 = vector.extract %slice3A_813[0] : f32 from vector<1xf32>
      %slice3A_815 = vector.extract_strided_slice %get3A_701 {offsets = [3], sizes = [1], strides = [1]} : vector<16xf32> to vector<1xf32>
      %squeeze3A_816 = vector.extract %slice3A_815[0] : f32 from vector<1xf32>
      %add3A_817 = arith.constant 3 : i32
      %add3A_818 = arith.addi %mul3A_695, %add3A_817 : i32
      %broadcast_in_dim3A_819 = vector.broadcast %add3A_818 : i32 to vector<16xi32>
      %sub3A_820 = vector.broadcast %squeeze3A_814 : f32 to vector<16xf32>
      %sub3A_821 = arith.subf %get3A_4, %sub3A_820 : vector<16xf32>
      %sub3A_822 = vector.broadcast %squeeze3A_816 : f32 to vector<16xf32>
      %sub3A_823 = arith.subf %get3A_13, %sub3A_822 : vector<16xf32>
      %abs3A_824 = math.absf %sub3A_821 : vector<16xf32>
      %abs3A_825 = math.absf %sub3A_823 : vector<16xf32>
      %max3A_826 = arith.maximumf %abs3A_824, %abs3A_825 : vector<16xf32>
      %lt3A_827 = arith.cmpf olt, %max3A_826, %min3A_791 : vector<16xf32>
      %min3A_828 = arith.minimumf %min3A_791, %max3A_826 : vector<16xf32>
      %select_n3A_829 = arith.select %lt3A_827, %broadcast_in_dim3A_819, %select_n3A_792 : vector<16xi1>, vector<16xi32>
      %sub3A_830 = vector.broadcast %squeeze3A_814 : f32 to vector<16xf32>
      %sub3A_831 = arith.subf %get3A_7, %sub3A_830 : vector<16xf32>
      %sub3A_832 = vector.broadcast %squeeze3A_816 : f32 to vector<16xf32>
      %sub3A_833 = arith.subf %get3A_16, %sub3A_832 : vector<16xf32>
      %abs3A_834 = math.absf %sub3A_831 : vector<16xf32>
      %abs3A_835 = math.absf %sub3A_833 : vector<16xf32>
      %max3A_836 = arith.maximumf %abs3A_834, %abs3A_835 : vector<16xf32>
      %lt3A_837 = arith.cmpf olt, %max3A_836, %min3A_801 : vector<16xf32>
      %min3A_838 = arith.minimumf %min3A_801, %max3A_836 : vector<16xf32>
      %select_n3A_839 = arith.select %lt3A_837, %broadcast_in_dim3A_819, %select_n3A_802 : vector<16xi1>, vector<16xi32>
      %sub3A_840 = vector.broadcast %squeeze3A_814 : f32 to vector<16xf32>
      %sub3A_841 = arith.subf %get3A_10, %sub3A_840 : vector<16xf32>
      %sub3A_842 = vector.broadcast %squeeze3A_816 : f32 to vector<16xf32>
      %sub3A_843 = arith.subf %get3A_19, %sub3A_842 : vector<16xf32>
      %abs3A_844 = math.absf %sub3A_841 : vector<16xf32>
      %abs3A_845 = math.absf %sub3A_843 : vector<16xf32>
      %max3A_846 = arith.maximumf %abs3A_844, %abs3A_845 : vector<16xf32>
      %lt3A_847 = arith.cmpf olt, %max3A_846, %min3A_811 : vector<16xf32>
      %min3A_848 = arith.minimumf %min3A_811, %max3A_846 : vector<16xf32>
      %select_n3A_849 = arith.select %lt3A_847, %broadcast_in_dim3A_819, %select_n3A_812 : vector<16xi1>, vector<16xi32>
      %slice3A_850 = vector.extract_strided_slice %get3A_698 {offsets = [4], sizes = [1], strides = [1]} : vector<16xf32> to vector<1xf32>
      %squeeze3A_851 = vector.extract %slice3A_850[0] : f32 from vector<1xf32>
      %slice3A_852 = vector.extract_strided_slice %get3A_701 {offsets = [4], sizes = [1], strides = [1]} : vector<16xf32> to vector<1xf32>
      %squeeze3A_853 = vector.extract %slice3A_852[0] : f32 from vector<1xf32>
      %add3A_854 = arith.constant 4 : i32
      %add3A_855 = arith.addi %mul3A_695, %add3A_854 : i32
      %broadcast_in_dim3A_856 = vector.broadcast %add3A_855 : i32 to vector<16xi32>
      %sub3A_857 = vector.broadcast %squeeze3A_851 : f32 to vector<16xf32>
      %sub3A_858 = arith.subf %get3A_4, %sub3A_857 : vector<16xf32>
      %sub3A_859 = vector.broadcast %squeeze3A_853 : f32 to vector<16xf32>
      %sub3A_860 = arith.subf %get3A_13, %sub3A_859 : vector<16xf32>
      %abs3A_861 = math.absf %sub3A_858 : vector<16xf32>
      %abs3A_862 = math.absf %sub3A_860 : vector<16xf32>
      %max3A_863 = arith.maximumf %abs3A_861, %abs3A_862 : vector<16xf32>
      %lt3A_864 = arith.cmpf olt, %max3A_863, %min3A_828 : vector<16xf32>
      %min3A_865 = arith.minimumf %min3A_828, %max3A_863 : vector<16xf32>
      %select_n3A_866 = arith.select %lt3A_864, %broadcast_in_dim3A_856, %select_n3A_829 : vector<16xi1>, vector<16xi32>
      %sub3A_867 = vector.broadcast %squeeze3A_851 : f32 to vector<16xf32>
      %sub3A_868 = arith.subf %get3A_7, %sub3A_867 : vector<16xf32>
      %sub3A_869 = vector.broadcast %squeeze3A_853 : f32 to vector<16xf32>
      %sub3A_870 = arith.subf %get3A_16, %sub3A_869 : vector<16xf32>
      %abs3A_871 = math.absf %sub3A_868 : vector<16xf32>
      %abs3A_872 = math.absf %sub3A_870 : vector<16xf32>
      %max3A_873 = arith.maximumf %abs3A_871, %abs3A_872 : vector<16xf32>
      %lt3A_874 = arith.cmpf olt, %max3A_873, %min3A_838 : vector<16xf32>
      %min3A_875 = arith.minimumf %min3A_838, %max3A_873 : vector<16xf32>
      %select_n3A_876 = arith.select %lt3A_874, %broadcast_in_dim3A_856, %select_n3A_839 : vector<16xi1>, vector<16xi32>
      %sub3A_877 = vector.broadcast %squeeze3A_851 : f32 to vector<16xf32>
      %sub3A_878 = arith.subf %get3A_10, %sub3A_877 : vector<16xf32>
      %sub3A_879 = vector.broadcast %squeeze3A_853 : f32 to vector<16xf32>
      %sub3A_880 = arith.subf %get3A_19, %sub3A_879 : vector<16xf32>
      %abs3A_881 = math.absf %sub3A_878 : vector<16xf32>
      %abs3A_882 = math.absf %sub3A_880 : vector<16xf32>
      %max3A_883 = arith.maximumf %abs3A_881, %abs3A_882 : vector<16xf32>
      %lt3A_884 = arith.cmpf olt, %max3A_883, %min3A_848 : vector<16xf32>
      %min3A_885 = arith.minimumf %min3A_848, %max3A_883 : vector<16xf32>
      %select_n3A_886 = arith.select %lt3A_884, %broadcast_in_dim3A_856, %select_n3A_849 : vector<16xi1>, vector<16xi32>
      %slice3A_887 = vector.extract_strided_slice %get3A_698 {offsets = [5], sizes = [1], strides = [1]} : vector<16xf32> to vector<1xf32>
      %squeeze3A_888 = vector.extract %slice3A_887[0] : f32 from vector<1xf32>
      %slice3A_889 = vector.extract_strided_slice %get3A_701 {offsets = [5], sizes = [1], strides = [1]} : vector<16xf32> to vector<1xf32>
      %squeeze3A_890 = vector.extract %slice3A_889[0] : f32 from vector<1xf32>
      %add3A_891 = arith.constant 5 : i32
      %add3A_892 = arith.addi %mul3A_695, %add3A_891 : i32
      %broadcast_in_dim3A_893 = vector.broadcast %add3A_892 : i32 to vector<16xi32>
      %sub3A_894 = vector.broadcast %squeeze3A_888 : f32 to vector<16xf32>
      %sub3A_895 = arith.subf %get3A_4, %sub3A_894 : vector<16xf32>
      %sub3A_896 = vector.broadcast %squeeze3A_890 : f32 to vector<16xf32>
      %sub3A_897 = arith.subf %get3A_13, %sub3A_896 : vector<16xf32>
      %abs3A_898 = math.absf %sub3A_895 : vector<16xf32>
      %abs3A_899 = math.absf %sub3A_897 : vector<16xf32>
      %max3A_900 = arith.maximumf %abs3A_898, %abs3A_899 : vector<16xf32>
      %lt3A_901 = arith.cmpf olt, %max3A_900, %min3A_865 : vector<16xf32>
      %min3A_902 = arith.minimumf %min3A_865, %max3A_900 : vector<16xf32>
      %select_n3A_903 = arith.select %lt3A_901, %broadcast_in_dim3A_893, %select_n3A_866 : vector<16xi1>, vector<16xi32>
      %sub3A_904 = vector.broadcast %squeeze3A_888 : f32 to vector<16xf32>
      %sub3A_905 = arith.subf %get3A_7, %sub3A_904 : vector<16xf32>
      %sub3A_906 = vector.broadcast %squeeze3A_890 : f32 to vector<16xf32>
      %sub3A_907 = arith.subf %get3A_16, %sub3A_906 : vector<16xf32>
      %abs3A_908 = math.absf %sub3A_905 : vector<16xf32>
      %abs3A_909 = math.absf %sub3A_907 : vector<16xf32>
      %max3A_910 = arith.maximumf %abs3A_908, %abs3A_909 : vector<16xf32>
      %lt3A_911 = arith.cmpf olt, %max3A_910, %min3A_875 : vector<16xf32>
      %min3A_912 = arith.minimumf %min3A_875, %max3A_910 : vector<16xf32>
      %select_n3A_913 = arith.select %lt3A_911, %broadcast_in_dim3A_893, %select_n3A_876 : vector<16xi1>, vector<16xi32>
      %sub3A_914 = vector.broadcast %squeeze3A_888 : f32 to vector<16xf32>
      %sub3A_915 = arith.subf %get3A_10, %sub3A_914 : vector<16xf32>
      %sub3A_916 = vector.broadcast %squeeze3A_890 : f32 to vector<16xf32>
      %sub3A_917 = arith.subf %get3A_19, %sub3A_916 : vector<16xf32>
      %abs3A_918 = math.absf %sub3A_915 : vector<16xf32>
      %abs3A_919 = math.absf %sub3A_917 : vector<16xf32>
      %max3A_920 = arith.maximumf %abs3A_918, %abs3A_919 : vector<16xf32>
      %lt3A_921 = arith.cmpf olt, %max3A_920, %min3A_885 : vector<16xf32>
      %min3A_922 = arith.minimumf %min3A_885, %max3A_920 : vector<16xf32>
      %select_n3A_923 = arith.select %lt3A_921, %broadcast_in_dim3A_893, %select_n3A_886 : vector<16xi1>, vector<16xi32>
      %slice3A_924 = vector.extract_strided_slice %get3A_698 {offsets = [6], sizes = [1], strides = [1]} : vector<16xf32> to vector<1xf32>
      %squeeze3A_925 = vector.extract %slice3A_924[0] : f32 from vector<1xf32>
      %slice3A_926 = vector.extract_strided_slice %get3A_701 {offsets = [6], sizes = [1], strides = [1]} : vector<16xf32> to vector<1xf32>
      %squeeze3A_927 = vector.extract %slice3A_926[0] : f32 from vector<1xf32>
      %add3A_928 = arith.constant 6 : i32
      %add3A_929 = arith.addi %mul3A_695, %add3A_928 : i32
      %broadcast_in_dim3A_930 = vector.broadcast %add3A_929 : i32 to vector<16xi32>
      %sub3A_931 = vector.broadcast %squeeze3A_925 : f32 to vector<16xf32>
      %sub3A_932 = arith.subf %get3A_4, %sub3A_931 : vector<16xf32>
      %sub3A_933 = vector.broadcast %squeeze3A_927 : f32 to vector<16xf32>
      %sub3A_934 = arith.subf %get3A_13, %sub3A_933 : vector<16xf32>
      %abs3A_935 = math.absf %sub3A_932 : vector<16xf32>
      %abs3A_936 = math.absf %sub3A_934 : vector<16xf32>
      %max3A_937 = arith.maximumf %abs3A_935, %abs3A_936 : vector<16xf32>
      %lt3A_938 = arith.cmpf olt, %max3A_937, %min3A_902 : vector<16xf32>
      %min3A_939 = arith.minimumf %min3A_902, %max3A_937 : vector<16xf32>
      %select_n3A_940 = arith.select %lt3A_938, %broadcast_in_dim3A_930, %select_n3A_903 : vector<16xi1>, vector<16xi32>
      %sub3A_941 = vector.broadcast %squeeze3A_925 : f32 to vector<16xf32>
      %sub3A_942 = arith.subf %get3A_7, %sub3A_941 : vector<16xf32>
      %sub3A_943 = vector.broadcast %squeeze3A_927 : f32 to vector<16xf32>
      %sub3A_944 = arith.subf %get3A_16, %sub3A_943 : vector<16xf32>
      %abs3A_945 = math.absf %sub3A_942 : vector<16xf32>
      %abs3A_946 = math.absf %sub3A_944 : vector<16xf32>
      %max3A_947 = arith.maximumf %abs3A_945, %abs3A_946 : vector<16xf32>
      %lt3A_948 = arith.cmpf olt, %max3A_947, %min3A_912 : vector<16xf32>
      %min3A_949 = arith.minimumf %min3A_912, %max3A_947 : vector<16xf32>
      %select_n3A_950 = arith.select %lt3A_948, %broadcast_in_dim3A_930, %select_n3A_913 : vector<16xi1>, vector<16xi32>
      %sub3A_951 = vector.broadcast %squeeze3A_925 : f32 to vector<16xf32>
      %sub3A_952 = arith.subf %get3A_10, %sub3A_951 : vector<16xf32>
      %sub3A_953 = vector.broadcast %squeeze3A_927 : f32 to vector<16xf32>
      %sub3A_954 = arith.subf %get3A_19, %sub3A_953 : vector<16xf32>
      %abs3A_955 = math.absf %sub3A_952 : vector<16xf32>
      %abs3A_956 = math.absf %sub3A_954 : vector<16xf32>
      %max3A_957 = arith.maximumf %abs3A_955, %abs3A_956 : vector<16xf32>
      %lt3A_958 = arith.cmpf olt, %max3A_957, %min3A_922 : vector<16xf32>
      %min3A_959 = arith.minimumf %min3A_922, %max3A_957 : vector<16xf32>
      %select_n3A_960 = arith.select %lt3A_958, %broadcast_in_dim3A_930, %select_n3A_923 : vector<16xi1>, vector<16xi32>
      %slice3A_961 = vector.extract_strided_slice %get3A_698 {offsets = [7], sizes = [1], strides = [1]} : vector<16xf32> to vector<1xf32>
      %squeeze3A_962 = vector.extract %slice3A_961[0] : f32 from vector<1xf32>
      %slice3A_963 = vector.extract_strided_slice %get3A_701 {offsets = [7], sizes = [1], strides = [1]} : vector<16xf32> to vector<1xf32>
      %squeeze3A_964 = vector.extract %slice3A_963[0] : f32 from vector<1xf32>
      %add3A_965 = arith.constant 7 : i32
      %add3A_966 = arith.addi %mul3A_695, %add3A_965 : i32
      %broadcast_in_dim3A_967 = vector.broadcast %add3A_966 : i32 to vector<16xi32>
      %sub3A_968 = vector.broadcast %squeeze3A_962 : f32 to vector<16xf32>
      %sub3A_969 = arith.subf %get3A_4, %sub3A_968 : vector<16xf32>
      %sub3A_970 = vector.broadcast %squeeze3A_964 : f32 to vector<16xf32>
      %sub3A_971 = arith.subf %get3A_13, %sub3A_970 : vector<16xf32>
      %abs3A_972 = math.absf %sub3A_969 : vector<16xf32>
      %abs3A_973 = math.absf %sub3A_971 : vector<16xf32>
      %max3A_974 = arith.maximumf %abs3A_972, %abs3A_973 : vector<16xf32>
      %lt3A_975 = arith.cmpf olt, %max3A_974, %min3A_939 : vector<16xf32>
      %min3A_976 = arith.minimumf %min3A_939, %max3A_974 : vector<16xf32>
      %select_n3A_977 = arith.select %lt3A_975, %broadcast_in_dim3A_967, %select_n3A_940 : vector<16xi1>, vector<16xi32>
      %sub3A_978 = vector.broadcast %squeeze3A_962 : f32 to vector<16xf32>
      %sub3A_979 = arith.subf %get3A_7, %sub3A_978 : vector<16xf32>
      %sub3A_980 = vector.broadcast %squeeze3A_964 : f32 to vector<16xf32>
      %sub3A_981 = arith.subf %get3A_16, %sub3A_980 : vector<16xf32>
      %abs3A_982 = math.absf %sub3A_979 : vector<16xf32>
      %abs3A_983 = math.absf %sub3A_981 : vector<16xf32>
      %max3A_984 = arith.maximumf %abs3A_982, %abs3A_983 : vector<16xf32>
      %lt3A_985 = arith.cmpf olt, %max3A_984, %min3A_949 : vector<16xf32>
      %min3A_986 = arith.minimumf %min3A_949, %max3A_984 : vector<16xf32>
      %select_n3A_987 = arith.select %lt3A_985, %broadcast_in_dim3A_967, %select_n3A_950 : vector<16xi1>, vector<16xi32>
      %sub3A_988 = vector.broadcast %squeeze3A_962 : f32 to vector<16xf32>
      %sub3A_989 = arith.subf %get3A_10, %sub3A_988 : vector<16xf32>
      %sub3A_990 = vector.broadcast %squeeze3A_964 : f32 to vector<16xf32>
      %sub3A_991 = arith.subf %get3A_19, %sub3A_990 : vector<16xf32>
      %abs3A_992 = math.absf %sub3A_989 : vector<16xf32>
      %abs3A_993 = math.absf %sub3A_991 : vector<16xf32>
      %max3A_994 = arith.maximumf %abs3A_992, %abs3A_993 : vector<16xf32>
      %lt3A_995 = arith.cmpf olt, %max3A_994, %min3A_959 : vector<16xf32>
      %min3A_996 = arith.minimumf %min3A_959, %max3A_994 : vector<16xf32>
      %select_n3A_997 = arith.select %lt3A_995, %broadcast_in_dim3A_967, %select_n3A_960 : vector<16xi1>, vector<16xi32>
      %slice3A_998 = vector.extract_strided_slice %get3A_698 {offsets = [8], sizes = [1], strides = [1]} : vector<16xf32> to vector<1xf32>
      %squeeze3A_999 = vector.extract %slice3A_998[0] : f32 from vector<1xf32>
      %slice3A_1000 = vector.extract_strided_slice %get3A_701 {offsets = [8], sizes = [1], strides = [1]} : vector<16xf32> to vector<1xf32>
      %squeeze3A_1001 = vector.extract %slice3A_1000[0] : f32 from vector<1xf32>
      %add3A_1002 = arith.constant 8 : i32
      %add3A_1003 = arith.addi %mul3A_695, %add3A_1002 : i32
      %broadcast_in_dim3A_1004 = vector.broadcast %add3A_1003 : i32 to vector<16xi32>
      %sub3A_1005 = vector.broadcast %squeeze3A_999 : f32 to vector<16xf32>
      %sub3A_1006 = arith.subf %get3A_4, %sub3A_1005 : vector<16xf32>
      %sub3A_1007 = vector.broadcast %squeeze3A_1001 : f32 to vector<16xf32>
      %sub3A_1008 = arith.subf %get3A_13, %sub3A_1007 : vector<16xf32>
      %abs3A_1009 = math.absf %sub3A_1006 : vector<16xf32>
      %abs3A_1010 = math.absf %sub3A_1008 : vector<16xf32>
      %max3A_1011 = arith.maximumf %abs3A_1009, %abs3A_1010 : vector<16xf32>
      %lt3A_1012 = arith.cmpf olt, %max3A_1011, %min3A_976 : vector<16xf32>
      %min3A_1013 = arith.minimumf %min3A_976, %max3A_1011 : vector<16xf32>
      %select_n3A_1014 = arith.select %lt3A_1012, %broadcast_in_dim3A_1004, %select_n3A_977 : vector<16xi1>, vector<16xi32>
      %sub3A_1015 = vector.broadcast %squeeze3A_999 : f32 to vector<16xf32>
      %sub3A_1016 = arith.subf %get3A_7, %sub3A_1015 : vector<16xf32>
      %sub3A_1017 = vector.broadcast %squeeze3A_1001 : f32 to vector<16xf32>
      %sub3A_1018 = arith.subf %get3A_16, %sub3A_1017 : vector<16xf32>
      %abs3A_1019 = math.absf %sub3A_1016 : vector<16xf32>
      %abs3A_1020 = math.absf %sub3A_1018 : vector<16xf32>
      %max3A_1021 = arith.maximumf %abs3A_1019, %abs3A_1020 : vector<16xf32>
      %lt3A_1022 = arith.cmpf olt, %max3A_1021, %min3A_986 : vector<16xf32>
      %min3A_1023 = arith.minimumf %min3A_986, %max3A_1021 : vector<16xf32>
      %select_n3A_1024 = arith.select %lt3A_1022, %broadcast_in_dim3A_1004, %select_n3A_987 : vector<16xi1>, vector<16xi32>
      %sub3A_1025 = vector.broadcast %squeeze3A_999 : f32 to vector<16xf32>
      %sub3A_1026 = arith.subf %get3A_10, %sub3A_1025 : vector<16xf32>
      %sub3A_1027 = vector.broadcast %squeeze3A_1001 : f32 to vector<16xf32>
      %sub3A_1028 = arith.subf %get3A_19, %sub3A_1027 : vector<16xf32>
      %abs3A_1029 = math.absf %sub3A_1026 : vector<16xf32>
      %abs3A_1030 = math.absf %sub3A_1028 : vector<16xf32>
      %max3A_1031 = arith.maximumf %abs3A_1029, %abs3A_1030 : vector<16xf32>
      %lt3A_1032 = arith.cmpf olt, %max3A_1031, %min3A_996 : vector<16xf32>
      %min3A_1033 = arith.minimumf %min3A_996, %max3A_1031 : vector<16xf32>
      %select_n3A_1034 = arith.select %lt3A_1032, %broadcast_in_dim3A_1004, %select_n3A_997 : vector<16xi1>, vector<16xi32>
      %slice3A_1035 = vector.extract_strided_slice %get3A_698 {offsets = [9], sizes = [1], strides = [1]} : vector<16xf32> to vector<1xf32>
      %squeeze3A_1036 = vector.extract %slice3A_1035[0] : f32 from vector<1xf32>
      %slice3A_1037 = vector.extract_strided_slice %get3A_701 {offsets = [9], sizes = [1], strides = [1]} : vector<16xf32> to vector<1xf32>
      %squeeze3A_1038 = vector.extract %slice3A_1037[0] : f32 from vector<1xf32>
      %add3A_1039 = arith.constant 9 : i32
      %add3A_1040 = arith.addi %mul3A_695, %add3A_1039 : i32
      %broadcast_in_dim3A_1041 = vector.broadcast %add3A_1040 : i32 to vector<16xi32>
      %sub3A_1042 = vector.broadcast %squeeze3A_1036 : f32 to vector<16xf32>
      %sub3A_1043 = arith.subf %get3A_4, %sub3A_1042 : vector<16xf32>
      %sub3A_1044 = vector.broadcast %squeeze3A_1038 : f32 to vector<16xf32>
      %sub3A_1045 = arith.subf %get3A_13, %sub3A_1044 : vector<16xf32>
      %abs3A_1046 = math.absf %sub3A_1043 : vector<16xf32>
      %abs3A_1047 = math.absf %sub3A_1045 : vector<16xf32>
      %max3A_1048 = arith.maximumf %abs3A_1046, %abs3A_1047 : vector<16xf32>
      %lt3A_1049 = arith.cmpf olt, %max3A_1048, %min3A_1013 : vector<16xf32>
      %min3A_1050 = arith.minimumf %min3A_1013, %max3A_1048 : vector<16xf32>
      %select_n3A_1051 = arith.select %lt3A_1049, %broadcast_in_dim3A_1041, %select_n3A_1014 : vector<16xi1>, vector<16xi32>
      %sub3A_1052 = vector.broadcast %squeeze3A_1036 : f32 to vector<16xf32>
      %sub3A_1053 = arith.subf %get3A_7, %sub3A_1052 : vector<16xf32>
      %sub3A_1054 = vector.broadcast %squeeze3A_1038 : f32 to vector<16xf32>
      %sub3A_1055 = arith.subf %get3A_16, %sub3A_1054 : vector<16xf32>
      %abs3A_1056 = math.absf %sub3A_1053 : vector<16xf32>
      %abs3A_1057 = math.absf %sub3A_1055 : vector<16xf32>
      %max3A_1058 = arith.maximumf %abs3A_1056, %abs3A_1057 : vector<16xf32>
      %lt3A_1059 = arith.cmpf olt, %max3A_1058, %min3A_1023 : vector<16xf32>
      %min3A_1060 = arith.minimumf %min3A_1023, %max3A_1058 : vector<16xf32>
      %select_n3A_1061 = arith.select %lt3A_1059, %broadcast_in_dim3A_1041, %select_n3A_1024 : vector<16xi1>, vector<16xi32>
      %sub3A_1062 = vector.broadcast %squeeze3A_1036 : f32 to vector<16xf32>
      %sub3A_1063 = arith.subf %get3A_10, %sub3A_1062 : vector<16xf32>
      %sub3A_1064 = vector.broadcast %squeeze3A_1038 : f32 to vector<16xf32>
      %sub3A_1065 = arith.subf %get3A_19, %sub3A_1064 : vector<16xf32>
      %abs3A_1066 = math.absf %sub3A_1063 : vector<16xf32>
      %abs3A_1067 = math.absf %sub3A_1065 : vector<16xf32>
      %max3A_1068 = arith.maximumf %abs3A_1066, %abs3A_1067 : vector<16xf32>
      %lt3A_1069 = arith.cmpf olt, %max3A_1068, %min3A_1033 : vector<16xf32>
      %min3A_1070 = arith.minimumf %min3A_1033, %max3A_1068 : vector<16xf32>
      %select_n3A_1071 = arith.select %lt3A_1069, %broadcast_in_dim3A_1041, %select_n3A_1034 : vector<16xi1>, vector<16xi32>
      %slice3A_1072 = vector.extract_strided_slice %get3A_698 {offsets = [10], sizes = [1], strides = [1]} : vector<16xf32> to vector<1xf32>
      %squeeze3A_1073 = vector.extract %slice3A_1072[0] : f32 from vector<1xf32>
      %slice3A_1074 = vector.extract_strided_slice %get3A_701 {offsets = [10], sizes = [1], strides = [1]} : vector<16xf32> to vector<1xf32>
      %squeeze3A_1075 = vector.extract %slice3A_1074[0] : f32 from vector<1xf32>
      %add3A_1076 = arith.constant 10 : i32
      %add3A_1077 = arith.addi %mul3A_695, %add3A_1076 : i32
      %broadcast_in_dim3A_1078 = vector.broadcast %add3A_1077 : i32 to vector<16xi32>
      %sub3A_1079 = vector.broadcast %squeeze3A_1073 : f32 to vector<16xf32>
      %sub3A_1080 = arith.subf %get3A_4, %sub3A_1079 : vector<16xf32>
      %sub3A_1081 = vector.broadcast %squeeze3A_1075 : f32 to vector<16xf32>
      %sub3A_1082 = arith.subf %get3A_13, %sub3A_1081 : vector<16xf32>
      %abs3A_1083 = math.absf %sub3A_1080 : vector<16xf32>
      %abs3A_1084 = math.absf %sub3A_1082 : vector<16xf32>
      %max3A_1085 = arith.maximumf %abs3A_1083, %abs3A_1084 : vector<16xf32>
      %lt3A_1086 = arith.cmpf olt, %max3A_1085, %min3A_1050 : vector<16xf32>
      %min3A_1087 = arith.minimumf %min3A_1050, %max3A_1085 : vector<16xf32>
      %select_n3A_1088 = arith.select %lt3A_1086, %broadcast_in_dim3A_1078, %select_n3A_1051 : vector<16xi1>, vector<16xi32>
      %sub3A_1089 = vector.broadcast %squeeze3A_1073 : f32 to vector<16xf32>
      %sub3A_1090 = arith.subf %get3A_7, %sub3A_1089 : vector<16xf32>
      %sub3A_1091 = vector.broadcast %squeeze3A_1075 : f32 to vector<16xf32>
      %sub3A_1092 = arith.subf %get3A_16, %sub3A_1091 : vector<16xf32>
      %abs3A_1093 = math.absf %sub3A_1090 : vector<16xf32>
      %abs3A_1094 = math.absf %sub3A_1092 : vector<16xf32>
      %max3A_1095 = arith.maximumf %abs3A_1093, %abs3A_1094 : vector<16xf32>
      %lt3A_1096 = arith.cmpf olt, %max3A_1095, %min3A_1060 : vector<16xf32>
      %min3A_1097 = arith.minimumf %min3A_1060, %max3A_1095 : vector<16xf32>
      %select_n3A_1098 = arith.select %lt3A_1096, %broadcast_in_dim3A_1078, %select_n3A_1061 : vector<16xi1>, vector<16xi32>
      %sub3A_1099 = vector.broadcast %squeeze3A_1073 : f32 to vector<16xf32>
      %sub3A_1100 = arith.subf %get3A_10, %sub3A_1099 : vector<16xf32>
      %sub3A_1101 = vector.broadcast %squeeze3A_1075 : f32 to vector<16xf32>
      %sub3A_1102 = arith.subf %get3A_19, %sub3A_1101 : vector<16xf32>
      %abs3A_1103 = math.absf %sub3A_1100 : vector<16xf32>
      %abs3A_1104 = math.absf %sub3A_1102 : vector<16xf32>
      %max3A_1105 = arith.maximumf %abs3A_1103, %abs3A_1104 : vector<16xf32>
      %lt3A_1106 = arith.cmpf olt, %max3A_1105, %min3A_1070 : vector<16xf32>
      %min3A_1107 = arith.minimumf %min3A_1070, %max3A_1105 : vector<16xf32>
      %select_n3A_1108 = arith.select %lt3A_1106, %broadcast_in_dim3A_1078, %select_n3A_1071 : vector<16xi1>, vector<16xi32>
      %slice3A_1109 = vector.extract_strided_slice %get3A_698 {offsets = [11], sizes = [1], strides = [1]} : vector<16xf32> to vector<1xf32>
      %squeeze3A_1110 = vector.extract %slice3A_1109[0] : f32 from vector<1xf32>
      %slice3A_1111 = vector.extract_strided_slice %get3A_701 {offsets = [11], sizes = [1], strides = [1]} : vector<16xf32> to vector<1xf32>
      %squeeze3A_1112 = vector.extract %slice3A_1111[0] : f32 from vector<1xf32>
      %add3A_1113 = arith.constant 11 : i32
      %add3A_1114 = arith.addi %mul3A_695, %add3A_1113 : i32
      %broadcast_in_dim3A_1115 = vector.broadcast %add3A_1114 : i32 to vector<16xi32>
      %sub3A_1116 = vector.broadcast %squeeze3A_1110 : f32 to vector<16xf32>
      %sub3A_1117 = arith.subf %get3A_4, %sub3A_1116 : vector<16xf32>
      %sub3A_1118 = vector.broadcast %squeeze3A_1112 : f32 to vector<16xf32>
      %sub3A_1119 = arith.subf %get3A_13, %sub3A_1118 : vector<16xf32>
      %abs3A_1120 = math.absf %sub3A_1117 : vector<16xf32>
      %abs3A_1121 = math.absf %sub3A_1119 : vector<16xf32>
      %max3A_1122 = arith.maximumf %abs3A_1120, %abs3A_1121 : vector<16xf32>
      %lt3A_1123 = arith.cmpf olt, %max3A_1122, %min3A_1087 : vector<16xf32>
      %min3A_1124 = arith.minimumf %min3A_1087, %max3A_1122 : vector<16xf32>
      %select_n3A_1125 = arith.select %lt3A_1123, %broadcast_in_dim3A_1115, %select_n3A_1088 : vector<16xi1>, vector<16xi32>
      %sub3A_1126 = vector.broadcast %squeeze3A_1110 : f32 to vector<16xf32>
      %sub3A_1127 = arith.subf %get3A_7, %sub3A_1126 : vector<16xf32>
      %sub3A_1128 = vector.broadcast %squeeze3A_1112 : f32 to vector<16xf32>
      %sub3A_1129 = arith.subf %get3A_16, %sub3A_1128 : vector<16xf32>
      %abs3A_1130 = math.absf %sub3A_1127 : vector<16xf32>
      %abs3A_1131 = math.absf %sub3A_1129 : vector<16xf32>
      %max3A_1132 = arith.maximumf %abs3A_1130, %abs3A_1131 : vector<16xf32>
      %lt3A_1133 = arith.cmpf olt, %max3A_1132, %min3A_1097 : vector<16xf32>
      %min3A_1134 = arith.minimumf %min3A_1097, %max3A_1132 : vector<16xf32>
      %select_n3A_1135 = arith.select %lt3A_1133, %broadcast_in_dim3A_1115, %select_n3A_1098 : vector<16xi1>, vector<16xi32>
      %sub3A_1136 = vector.broadcast %squeeze3A_1110 : f32 to vector<16xf32>
      %sub3A_1137 = arith.subf %get3A_10, %sub3A_1136 : vector<16xf32>
      %sub3A_1138 = vector.broadcast %squeeze3A_1112 : f32 to vector<16xf32>
      %sub3A_1139 = arith.subf %get3A_19, %sub3A_1138 : vector<16xf32>
      %abs3A_1140 = math.absf %sub3A_1137 : vector<16xf32>
      %abs3A_1141 = math.absf %sub3A_1139 : vector<16xf32>
      %max3A_1142 = arith.maximumf %abs3A_1140, %abs3A_1141 : vector<16xf32>
      %lt3A_1143 = arith.cmpf olt, %max3A_1142, %min3A_1107 : vector<16xf32>
      %min3A_1144 = arith.minimumf %min3A_1107, %max3A_1142 : vector<16xf32>
      %select_n3A_1145 = arith.select %lt3A_1143, %broadcast_in_dim3A_1115, %select_n3A_1108 : vector<16xi1>, vector<16xi32>
      %slice3A_1146 = vector.extract_strided_slice %get3A_698 {offsets = [12], sizes = [1], strides = [1]} : vector<16xf32> to vector<1xf32>
      %squeeze3A_1147 = vector.extract %slice3A_1146[0] : f32 from vector<1xf32>
      %slice3A_1148 = vector.extract_strided_slice %get3A_701 {offsets = [12], sizes = [1], strides = [1]} : vector<16xf32> to vector<1xf32>
      %squeeze3A_1149 = vector.extract %slice3A_1148[0] : f32 from vector<1xf32>
      %add3A_1150 = arith.constant 12 : i32
      %add3A_1151 = arith.addi %mul3A_695, %add3A_1150 : i32
      %broadcast_in_dim3A_1152 = vector.broadcast %add3A_1151 : i32 to vector<16xi32>
      %sub3A_1153 = vector.broadcast %squeeze3A_1147 : f32 to vector<16xf32>
      %sub3A_1154 = arith.subf %get3A_4, %sub3A_1153 : vector<16xf32>
      %sub3A_1155 = vector.broadcast %squeeze3A_1149 : f32 to vector<16xf32>
      %sub3A_1156 = arith.subf %get3A_13, %sub3A_1155 : vector<16xf32>
      %abs3A_1157 = math.absf %sub3A_1154 : vector<16xf32>
      %abs3A_1158 = math.absf %sub3A_1156 : vector<16xf32>
      %max3A_1159 = arith.maximumf %abs3A_1157, %abs3A_1158 : vector<16xf32>
      %lt3A_1160 = arith.cmpf olt, %max3A_1159, %min3A_1124 : vector<16xf32>
      %min3A_1161 = arith.minimumf %min3A_1124, %max3A_1159 : vector<16xf32>
      %select_n3A_1162 = arith.select %lt3A_1160, %broadcast_in_dim3A_1152, %select_n3A_1125 : vector<16xi1>, vector<16xi32>
      %sub3A_1163 = vector.broadcast %squeeze3A_1147 : f32 to vector<16xf32>
      %sub3A_1164 = arith.subf %get3A_7, %sub3A_1163 : vector<16xf32>
      %sub3A_1165 = vector.broadcast %squeeze3A_1149 : f32 to vector<16xf32>
      %sub3A_1166 = arith.subf %get3A_16, %sub3A_1165 : vector<16xf32>
      %abs3A_1167 = math.absf %sub3A_1164 : vector<16xf32>
      %abs3A_1168 = math.absf %sub3A_1166 : vector<16xf32>
      %max3A_1169 = arith.maximumf %abs3A_1167, %abs3A_1168 : vector<16xf32>
      %lt3A_1170 = arith.cmpf olt, %max3A_1169, %min3A_1134 : vector<16xf32>
      %min3A_1171 = arith.minimumf %min3A_1134, %max3A_1169 : vector<16xf32>
      %select_n3A_1172 = arith.select %lt3A_1170, %broadcast_in_dim3A_1152, %select_n3A_1135 : vector<16xi1>, vector<16xi32>
      %sub3A_1173 = vector.broadcast %squeeze3A_1147 : f32 to vector<16xf32>
      %sub3A_1174 = arith.subf %get3A_10, %sub3A_1173 : vector<16xf32>
      %sub3A_1175 = vector.broadcast %squeeze3A_1149 : f32 to vector<16xf32>
      %sub3A_1176 = arith.subf %get3A_19, %sub3A_1175 : vector<16xf32>
      %abs3A_1177 = math.absf %sub3A_1174 : vector<16xf32>
      %abs3A_1178 = math.absf %sub3A_1176 : vector<16xf32>
      %max3A_1179 = arith.maximumf %abs3A_1177, %abs3A_1178 : vector<16xf32>
      %lt3A_1180 = arith.cmpf olt, %max3A_1179, %min3A_1144 : vector<16xf32>
      %min3A_1181 = arith.minimumf %min3A_1144, %max3A_1179 : vector<16xf32>
      %select_n3A_1182 = arith.select %lt3A_1180, %broadcast_in_dim3A_1152, %select_n3A_1145 : vector<16xi1>, vector<16xi32>
      %slice3A_1183 = vector.extract_strided_slice %get3A_698 {offsets = [13], sizes = [1], strides = [1]} : vector<16xf32> to vector<1xf32>
      %squeeze3A_1184 = vector.extract %slice3A_1183[0] : f32 from vector<1xf32>
      %slice3A_1185 = vector.extract_strided_slice %get3A_701 {offsets = [13], sizes = [1], strides = [1]} : vector<16xf32> to vector<1xf32>
      %squeeze3A_1186 = vector.extract %slice3A_1185[0] : f32 from vector<1xf32>
      %add3A_1187 = arith.constant 13 : i32
      %add3A_1188 = arith.addi %mul3A_695, %add3A_1187 : i32
      %broadcast_in_dim3A_1189 = vector.broadcast %add3A_1188 : i32 to vector<16xi32>
      %sub3A_1190 = vector.broadcast %squeeze3A_1184 : f32 to vector<16xf32>
      %sub3A_1191 = arith.subf %get3A_4, %sub3A_1190 : vector<16xf32>
      %sub3A_1192 = vector.broadcast %squeeze3A_1186 : f32 to vector<16xf32>
      %sub3A_1193 = arith.subf %get3A_13, %sub3A_1192 : vector<16xf32>
      %abs3A_1194 = math.absf %sub3A_1191 : vector<16xf32>
      %abs3A_1195 = math.absf %sub3A_1193 : vector<16xf32>
      %max3A_1196 = arith.maximumf %abs3A_1194, %abs3A_1195 : vector<16xf32>
      %lt3A_1197 = arith.cmpf olt, %max3A_1196, %min3A_1161 : vector<16xf32>
      %min3A_1198 = arith.minimumf %min3A_1161, %max3A_1196 : vector<16xf32>
      %select_n3A_1199 = arith.select %lt3A_1197, %broadcast_in_dim3A_1189, %select_n3A_1162 : vector<16xi1>, vector<16xi32>
      %sub3A_1200 = vector.broadcast %squeeze3A_1184 : f32 to vector<16xf32>
      %sub3A_1201 = arith.subf %get3A_7, %sub3A_1200 : vector<16xf32>
      %sub3A_1202 = vector.broadcast %squeeze3A_1186 : f32 to vector<16xf32>
      %sub3A_1203 = arith.subf %get3A_16, %sub3A_1202 : vector<16xf32>
      %abs3A_1204 = math.absf %sub3A_1201 : vector<16xf32>
      %abs3A_1205 = math.absf %sub3A_1203 : vector<16xf32>
      %max3A_1206 = arith.maximumf %abs3A_1204, %abs3A_1205 : vector<16xf32>
      %lt3A_1207 = arith.cmpf olt, %max3A_1206, %min3A_1171 : vector<16xf32>
      %min3A_1208 = arith.minimumf %min3A_1171, %max3A_1206 : vector<16xf32>
      %select_n3A_1209 = arith.select %lt3A_1207, %broadcast_in_dim3A_1189, %select_n3A_1172 : vector<16xi1>, vector<16xi32>
      %sub3A_1210 = vector.broadcast %squeeze3A_1184 : f32 to vector<16xf32>
      %sub3A_1211 = arith.subf %get3A_10, %sub3A_1210 : vector<16xf32>
      %sub3A_1212 = vector.broadcast %squeeze3A_1186 : f32 to vector<16xf32>
      %sub3A_1213 = arith.subf %get3A_19, %sub3A_1212 : vector<16xf32>
      %abs3A_1214 = math.absf %sub3A_1211 : vector<16xf32>
      %abs3A_1215 = math.absf %sub3A_1213 : vector<16xf32>
      %max3A_1216 = arith.maximumf %abs3A_1214, %abs3A_1215 : vector<16xf32>
      %lt3A_1217 = arith.cmpf olt, %max3A_1216, %min3A_1181 : vector<16xf32>
      %min3A_1218 = arith.minimumf %min3A_1181, %max3A_1216 : vector<16xf32>
      %select_n3A_1219 = arith.select %lt3A_1217, %broadcast_in_dim3A_1189, %select_n3A_1182 : vector<16xi1>, vector<16xi32>
      %slice3A_1220 = vector.extract_strided_slice %get3A_698 {offsets = [14], sizes = [1], strides = [1]} : vector<16xf32> to vector<1xf32>
      %squeeze3A_1221 = vector.extract %slice3A_1220[0] : f32 from vector<1xf32>
      %slice3A_1222 = vector.extract_strided_slice %get3A_701 {offsets = [14], sizes = [1], strides = [1]} : vector<16xf32> to vector<1xf32>
      %squeeze3A_1223 = vector.extract %slice3A_1222[0] : f32 from vector<1xf32>
      %add3A_1224 = arith.constant 14 : i32
      %add3A_1225 = arith.addi %mul3A_695, %add3A_1224 : i32
      %broadcast_in_dim3A_1226 = vector.broadcast %add3A_1225 : i32 to vector<16xi32>
      %sub3A_1227 = vector.broadcast %squeeze3A_1221 : f32 to vector<16xf32>
      %sub3A_1228 = arith.subf %get3A_4, %sub3A_1227 : vector<16xf32>
      %sub3A_1229 = vector.broadcast %squeeze3A_1223 : f32 to vector<16xf32>
      %sub3A_1230 = arith.subf %get3A_13, %sub3A_1229 : vector<16xf32>
      %abs3A_1231 = math.absf %sub3A_1228 : vector<16xf32>
      %abs3A_1232 = math.absf %sub3A_1230 : vector<16xf32>
      %max3A_1233 = arith.maximumf %abs3A_1231, %abs3A_1232 : vector<16xf32>
      %lt3A_1234 = arith.cmpf olt, %max3A_1233, %min3A_1198 : vector<16xf32>
      %min3A_1235 = arith.minimumf %min3A_1198, %max3A_1233 : vector<16xf32>
      %select_n3A_1236 = arith.select %lt3A_1234, %broadcast_in_dim3A_1226, %select_n3A_1199 : vector<16xi1>, vector<16xi32>
      %sub3A_1237 = vector.broadcast %squeeze3A_1221 : f32 to vector<16xf32>
      %sub3A_1238 = arith.subf %get3A_7, %sub3A_1237 : vector<16xf32>
      %sub3A_1239 = vector.broadcast %squeeze3A_1223 : f32 to vector<16xf32>
      %sub3A_1240 = arith.subf %get3A_16, %sub3A_1239 : vector<16xf32>
      %abs3A_1241 = math.absf %sub3A_1238 : vector<16xf32>
      %abs3A_1242 = math.absf %sub3A_1240 : vector<16xf32>
      %max3A_1243 = arith.maximumf %abs3A_1241, %abs3A_1242 : vector<16xf32>
      %lt3A_1244 = arith.cmpf olt, %max3A_1243, %min3A_1208 : vector<16xf32>
      %min3A_1245 = arith.minimumf %min3A_1208, %max3A_1243 : vector<16xf32>
      %select_n3A_1246 = arith.select %lt3A_1244, %broadcast_in_dim3A_1226, %select_n3A_1209 : vector<16xi1>, vector<16xi32>
      %sub3A_1247 = vector.broadcast %squeeze3A_1221 : f32 to vector<16xf32>
      %sub3A_1248 = arith.subf %get3A_10, %sub3A_1247 : vector<16xf32>
      %sub3A_1249 = vector.broadcast %squeeze3A_1223 : f32 to vector<16xf32>
      %sub3A_1250 = arith.subf %get3A_19, %sub3A_1249 : vector<16xf32>
      %abs3A_1251 = math.absf %sub3A_1248 : vector<16xf32>
      %abs3A_1252 = math.absf %sub3A_1250 : vector<16xf32>
      %max3A_1253 = arith.maximumf %abs3A_1251, %abs3A_1252 : vector<16xf32>
      %lt3A_1254 = arith.cmpf olt, %max3A_1253, %min3A_1218 : vector<16xf32>
      %min3A_1255 = arith.minimumf %min3A_1218, %max3A_1253 : vector<16xf32>
      %select_n3A_1256 = arith.select %lt3A_1254, %broadcast_in_dim3A_1226, %select_n3A_1219 : vector<16xi1>, vector<16xi32>
      %slice3A_1257 = vector.extract_strided_slice %get3A_698 {offsets = [15], sizes = [1], strides = [1]} : vector<16xf32> to vector<1xf32>
      %squeeze3A_1258 = vector.extract %slice3A_1257[0] : f32 from vector<1xf32>
      %slice3A_1259 = vector.extract_strided_slice %get3A_701 {offsets = [15], sizes = [1], strides = [1]} : vector<16xf32> to vector<1xf32>
      %squeeze3A_1260 = vector.extract %slice3A_1259[0] : f32 from vector<1xf32>
      %add3A_1261 = arith.constant 15 : i32
      %add3A_1262 = arith.addi %mul3A_695, %add3A_1261 : i32
      %broadcast_in_dim3A_1263 = vector.broadcast %add3A_1262 : i32 to vector<16xi32>
      %sub3A_1264 = vector.broadcast %squeeze3A_1258 : f32 to vector<16xf32>
      %sub3A_1265 = arith.subf %get3A_4, %sub3A_1264 : vector<16xf32>
      %sub3A_1266 = vector.broadcast %squeeze3A_1260 : f32 to vector<16xf32>
      %sub3A_1267 = arith.subf %get3A_13, %sub3A_1266 : vector<16xf32>
      %abs3A_1268 = math.absf %sub3A_1265 : vector<16xf32>
      %abs3A_1269 = math.absf %sub3A_1267 : vector<16xf32>
      %max3A_1270 = arith.maximumf %abs3A_1268, %abs3A_1269 : vector<16xf32>
      %lt3A_1271 = arith.cmpf olt, %max3A_1270, %min3A_1235 : vector<16xf32>
      %min3A_1272 = arith.minimumf %min3A_1235, %max3A_1270 : vector<16xf32>
      %select_n3A_1273 = arith.select %lt3A_1271, %broadcast_in_dim3A_1263, %select_n3A_1236 : vector<16xi1>, vector<16xi32>
      %sub3A_1274 = vector.broadcast %squeeze3A_1258 : f32 to vector<16xf32>
      %sub3A_1275 = arith.subf %get3A_7, %sub3A_1274 : vector<16xf32>
      %sub3A_1276 = vector.broadcast %squeeze3A_1260 : f32 to vector<16xf32>
      %sub3A_1277 = arith.subf %get3A_16, %sub3A_1276 : vector<16xf32>
      %abs3A_1278 = math.absf %sub3A_1275 : vector<16xf32>
      %abs3A_1279 = math.absf %sub3A_1277 : vector<16xf32>
      %max3A_1280 = arith.maximumf %abs3A_1278, %abs3A_1279 : vector<16xf32>
      %lt3A_1281 = arith.cmpf olt, %max3A_1280, %min3A_1245 : vector<16xf32>
      %min3A_1282 = arith.minimumf %min3A_1245, %max3A_1280 : vector<16xf32>
      %select_n3A_1283 = arith.select %lt3A_1281, %broadcast_in_dim3A_1263, %select_n3A_1246 : vector<16xi1>, vector<16xi32>
      %sub3A_1284 = vector.broadcast %squeeze3A_1258 : f32 to vector<16xf32>
      %sub3A_1285 = arith.subf %get3A_10, %sub3A_1284 : vector<16xf32>
      %sub3A_1286 = vector.broadcast %squeeze3A_1260 : f32 to vector<16xf32>
      %sub3A_1287 = arith.subf %get3A_19, %sub3A_1286 : vector<16xf32>
      %abs3A_1288 = math.absf %sub3A_1285 : vector<16xf32>
      %abs3A_1289 = math.absf %sub3A_1287 : vector<16xf32>
      %max3A_1290 = arith.maximumf %abs3A_1288, %abs3A_1289 : vector<16xf32>
      %lt3A_1291 = arith.cmpf olt, %max3A_1290, %min3A_1255 : vector<16xf32>
      %min3A_1292 = arith.minimumf %min3A_1255, %max3A_1290 : vector<16xf32>
      %select_n3A_1293 = arith.select %lt3A_1291, %broadcast_in_dim3A_1263, %select_n3A_1256 : vector<16xi1>, vector<16xi32>
      %scan3A_1294 = arith.constant 2 : i32
      %scan3A_1295 = arith.addi %scan3A_92, %scan3A_1294 : i32
      %mul3A_1296 = arith.constant 16 : i32
      %mul3A_1297 = arith.muli %scan3A_1295, %mul3A_1296 : i32
      %get3A_1298 = arith.index_cast %mul3A_1297 : i32 to index
      %get3A_1299 = tpu.vector_load %arg10[%get3A_1298] {strides = array<i32>} : memref<8192xf32, #tpu.memory_space<vmem>>, vector<16xf32>,
      %get3A_1300 = vector.shape_cast %get3A_1299 : vector<16xf32> to vector<16xf32>
      %get3A_1301 = arith.index_cast %mul3A_1297 : i32 to index
      %get3A_1302 = tpu.vector_load %arg11[%get3A_1301] {strides = array<i32>} : memref<8192xf32, #tpu.memory_space<vmem>>, vector<16xf32>,
      %get3A_1303 = vector.shape_cast %get3A_1302 : vector<16xf32> to vector<16xf32>
      %slice3A_1304 = vector.extract_strided_slice %get3A_1300 {offsets = [0], sizes = [1], strides = [1]} : vector<16xf32> to vector<1xf32>
      %squeeze3A_1305 = vector.extract %slice3A_1304[0] : f32 from vector<1xf32>
      %slice3A_1306 = vector.extract_strided_slice %get3A_1303 {offsets = [0], sizes = [1], strides = [1]} : vector<16xf32> to vector<1xf32>
      %squeeze3A_1307 = vector.extract %slice3A_1306[0] : f32 from vector<1xf32>
      %add3A_1308 = arith.constant 0 : i32
      %add3A_1309 = arith.addi %mul3A_1297, %add3A_1308 : i32
      %broadcast_in_dim3A_1310 = vector.broadcast %add3A_1309 : i32 to vector<16xi32>
      %sub3A_1311 = vector.broadcast %squeeze3A_1305 : f32 to vector<16xf32>
      %sub3A_1312 = arith.subf %get3A_4, %sub3A_1311 : vector<16xf32>
      %sub3A_1313 = vector.broadcast %squeeze3A_1307 : f32 to vector<16xf32>
      %sub3A_1314 = arith.subf %get3A_13, %sub3A_1313 : vector<16xf32>
      %abs3A_1315 = math.absf %sub3A_1312 : vector<16xf32>
      %abs3A_1316 = math.absf %sub3A_1314 : vector<16xf32>
      %max3A_1317 = arith.maximumf %abs3A_1315, %abs3A_1316 : vector<16xf32>
      %lt3A_1318 = arith.cmpf olt, %max3A_1317, %min3A_1272 : vector<16xf32>
      %min3A_1319 = arith.minimumf %min3A_1272, %max3A_1317 : vector<16xf32>
      %select_n3A_1320 = arith.select %lt3A_1318, %broadcast_in_dim3A_1310, %select_n3A_1273 : vector<16xi1>, vector<16xi32>
      %sub3A_1321 = vector.broadcast %squeeze3A_1305 : f32 to vector<16xf32>
      %sub3A_1322 = arith.subf %get3A_7, %sub3A_1321 : vector<16xf32>
      %sub3A_1323 = vector.broadcast %squeeze3A_1307 : f32 to vector<16xf32>
      %sub3A_1324 = arith.subf %get3A_16, %sub3A_1323 : vector<16xf32>
      %abs3A_1325 = math.absf %sub3A_1322 : vector<16xf32>
      %abs3A_1326 = math.absf %sub3A_1324 : vector<16xf32>
      %max3A_1327 = arith.maximumf %abs3A_1325, %abs3A_1326 : vector<16xf32>
      %lt3A_1328 = arith.cmpf olt, %max3A_1327, %min3A_1282 : vector<16xf32>
      %min3A_1329 = arith.minimumf %min3A_1282, %max3A_1327 : vector<16xf32>
      %select_n3A_1330 = arith.select %lt3A_1328, %broadcast_in_dim3A_1310, %select_n3A_1283 : vector<16xi1>, vector<16xi32>
      %sub3A_1331 = vector.broadcast %squeeze3A_1305 : f32 to vector<16xf32>
      %sub3A_1332 = arith.subf %get3A_10, %sub3A_1331 : vector<16xf32>
      %sub3A_1333 = vector.broadcast %squeeze3A_1307 : f32 to vector<16xf32>
      %sub3A_1334 = arith.subf %get3A_19, %sub3A_1333 : vector<16xf32>
      %abs3A_1335 = math.absf %sub3A_1332 : vector<16xf32>
      %abs3A_1336 = math.absf %sub3A_1334 : vector<16xf32>
      %max3A_1337 = arith.maximumf %abs3A_1335, %abs3A_1336 : vector<16xf32>
      %lt3A_1338 = arith.cmpf olt, %max3A_1337, %min3A_1292 : vector<16xf32>
      %min3A_1339 = arith.minimumf %min3A_1292, %max3A_1337 : vector<16xf32>
      %select_n3A_1340 = arith.select %lt3A_1338, %broadcast_in_dim3A_1310, %select_n3A_1293 : vector<16xi1>, vector<16xi32>
      %slice3A_1341 = vector.extract_strided_slice %get3A_1300 {offsets = [1], sizes = [1], strides = [1]} : vector<16xf32> to vector<1xf32>
      %squeeze3A_1342 = vector.extract %slice3A_1341[0] : f32 from vector<1xf32>
      %slice3A_1343 = vector.extract_strided_slice %get3A_1303 {offsets = [1], sizes = [1], strides = [1]} : vector<16xf32> to vector<1xf32>
      %squeeze3A_1344 = vector.extract %slice3A_1343[0] : f32 from vector<1xf32>
      %add3A_1345 = arith.constant 1 : i32
      %add3A_1346 = arith.addi %mul3A_1297, %add3A_1345 : i32
      %broadcast_in_dim3A_1347 = vector.broadcast %add3A_1346 : i32 to vector<16xi32>
      %sub3A_1348 = vector.broadcast %squeeze3A_1342 : f32 to vector<16xf32>
      %sub3A_1349 = arith.subf %get3A_4, %sub3A_1348 : vector<16xf32>
      %sub3A_1350 = vector.broadcast %squeeze3A_1344 : f32 to vector<16xf32>
      %sub3A_1351 = arith.subf %get3A_13, %sub3A_1350 : vector<16xf32>
      %abs3A_1352 = math.absf %sub3A_1349 : vector<16xf32>
      %abs3A_1353 = math.absf %sub3A_1351 : vector<16xf32>
      %max3A_1354 = arith.maximumf %abs3A_1352, %abs3A_1353 : vector<16xf32>
      %lt3A_1355 = arith.cmpf olt, %max3A_1354, %min3A_1319 : vector<16xf32>
      %min3A_1356 = arith.minimumf %min3A_1319, %max3A_1354 : vector<16xf32>
      %select_n3A_1357 = arith.select %lt3A_1355, %broadcast_in_dim3A_1347, %select_n3A_1320 : vector<16xi1>, vector<16xi32>
      %sub3A_1358 = vector.broadcast %squeeze3A_1342 : f32 to vector<16xf32>
      %sub3A_1359 = arith.subf %get3A_7, %sub3A_1358 : vector<16xf32>
      %sub3A_1360 = vector.broadcast %squeeze3A_1344 : f32 to vector<16xf32>
      %sub3A_1361 = arith.subf %get3A_16, %sub3A_1360 : vector<16xf32>
      %abs3A_1362 = math.absf %sub3A_1359 : vector<16xf32>
      %abs3A_1363 = math.absf %sub3A_1361 : vector<16xf32>
      %max3A_1364 = arith.maximumf %abs3A_1362, %abs3A_1363 : vector<16xf32>
      %lt3A_1365 = arith.cmpf olt, %max3A_1364, %min3A_1329 : vector<16xf32>
      %min3A_1366 = arith.minimumf %min3A_1329, %max3A_1364 : vector<16xf32>
      %select_n3A_1367 = arith.select %lt3A_1365, %broadcast_in_dim3A_1347, %select_n3A_1330 : vector<16xi1>, vector<16xi32>
      %sub3A_1368 = vector.broadcast %squeeze3A_1342 : f32 to vector<16xf32>
      %sub3A_1369 = arith.subf %get3A_10, %sub3A_1368 : vector<16xf32>
      %sub3A_1370 = vector.broadcast %squeeze3A_1344 : f32 to vector<16xf32>
      %sub3A_1371 = arith.subf %get3A_19, %sub3A_1370 : vector<16xf32>
      %abs3A_1372 = math.absf %sub3A_1369 : vector<16xf32>
      %abs3A_1373 = math.absf %sub3A_1371 : vector<16xf32>
      %max3A_1374 = arith.maximumf %abs3A_1372, %abs3A_1373 : vector<16xf32>
      %lt3A_1375 = arith.cmpf olt, %max3A_1374, %min3A_1339 : vector<16xf32>
      %min3A_1376 = arith.minimumf %min3A_1339, %max3A_1374 : vector<16xf32>
      %select_n3A_1377 = arith.select %lt3A_1375, %broadcast_in_dim3A_1347, %select_n3A_1340 : vector<16xi1>, vector<16xi32>
      %slice3A_1378 = vector.extract_strided_slice %get3A_1300 {offsets = [2], sizes = [1], strides = [1]} : vector<16xf32> to vector<1xf32>
      %squeeze3A_1379 = vector.extract %slice3A_1378[0] : f32 from vector<1xf32>
      %slice3A_1380 = vector.extract_strided_slice %get3A_1303 {offsets = [2], sizes = [1], strides = [1]} : vector<16xf32> to vector<1xf32>
      %squeeze3A_1381 = vector.extract %slice3A_1380[0] : f32 from vector<1xf32>
      %add3A_1382 = arith.constant 2 : i32
      %add3A_1383 = arith.addi %mul3A_1297, %add3A_1382 : i32
      %broadcast_in_dim3A_1384 = vector.broadcast %add3A_1383 : i32 to vector<16xi32>
      %sub3A_1385 = vector.broadcast %squeeze3A_1379 : f32 to vector<16xf32>
      %sub3A_1386 = arith.subf %get3A_4, %sub3A_1385 : vector<16xf32>
      %sub3A_1387 = vector.broadcast %squeeze3A_1381 : f32 to vector<16xf32>
      %sub3A_1388 = arith.subf %get3A_13, %sub3A_1387 : vector<16xf32>
      %abs3A_1389 = math.absf %sub3A_1386 : vector<16xf32>
      %abs3A_1390 = math.absf %sub3A_1388 : vector<16xf32>
      %max3A_1391 = arith.maximumf %abs3A_1389, %abs3A_1390 : vector<16xf32>
      %lt3A_1392 = arith.cmpf olt, %max3A_1391, %min3A_1356 : vector<16xf32>
      %min3A_1393 = arith.minimumf %min3A_1356, %max3A_1391 : vector<16xf32>
      %select_n3A_1394 = arith.select %lt3A_1392, %broadcast_in_dim3A_1384, %select_n3A_1357 : vector<16xi1>, vector<16xi32>
      %sub3A_1395 = vector.broadcast %squeeze3A_1379 : f32 to vector<16xf32>
      %sub3A_1396 = arith.subf %get3A_7, %sub3A_1395 : vector<16xf32>
      %sub3A_1397 = vector.broadcast %squeeze3A_1381 : f32 to vector<16xf32>
      %sub3A_1398 = arith.subf %get3A_16, %sub3A_1397 : vector<16xf32>
      %abs3A_1399 = math.absf %sub3A_1396 : vector<16xf32>
      %abs3A_1400 = math.absf %sub3A_1398 : vector<16xf32>
      %max3A_1401 = arith.maximumf %abs3A_1399, %abs3A_1400 : vector<16xf32>
      %lt3A_1402 = arith.cmpf olt, %max3A_1401, %min3A_1366 : vector<16xf32>
      %min3A_1403 = arith.minimumf %min3A_1366, %max3A_1401 : vector<16xf32>
      %select_n3A_1404 = arith.select %lt3A_1402, %broadcast_in_dim3A_1384, %select_n3A_1367 : vector<16xi1>, vector<16xi32>
      %sub3A_1405 = vector.broadcast %squeeze3A_1379 : f32 to vector<16xf32>
      %sub3A_1406 = arith.subf %get3A_10, %sub3A_1405 : vector<16xf32>
      %sub3A_1407 = vector.broadcast %squeeze3A_1381 : f32 to vector<16xf32>
      %sub3A_1408 = arith.subf %get3A_19, %sub3A_1407 : vector<16xf32>
      %abs3A_1409 = math.absf %sub3A_1406 : vector<16xf32>
      %abs3A_1410 = math.absf %sub3A_1408 : vector<16xf32>
      %max3A_1411 = arith.maximumf %abs3A_1409, %abs3A_1410 : vector<16xf32>
      %lt3A_1412 = arith.cmpf olt, %max3A_1411, %min3A_1376 : vector<16xf32>
      %min3A_1413 = arith.minimumf %min3A_1376, %max3A_1411 : vector<16xf32>
      %select_n3A_1414 = arith.select %lt3A_1412, %broadcast_in_dim3A_1384, %select_n3A_1377 : vector<16xi1>, vector<16xi32>
      %slice3A_1415 = vector.extract_strided_slice %get3A_1300 {offsets = [3], sizes = [1], strides = [1]} : vector<16xf32> to vector<1xf32>
      %squeeze3A_1416 = vector.extract %slice3A_1415[0] : f32 from vector<1xf32>
      %slice3A_1417 = vector.extract_strided_slice %get3A_1303 {offsets = [3], sizes = [1], strides = [1]} : vector<16xf32> to vector<1xf32>
      %squeeze3A_1418 = vector.extract %slice3A_1417[0] : f32 from vector<1xf32>
      %add3A_1419 = arith.constant 3 : i32
      %add3A_1420 = arith.addi %mul3A_1297, %add3A_1419 : i32
      %broadcast_in_dim3A_1421 = vector.broadcast %add3A_1420 : i32 to vector<16xi32>
      %sub3A_1422 = vector.broadcast %squeeze3A_1416 : f32 to vector<16xf32>
      %sub3A_1423 = arith.subf %get3A_4, %sub3A_1422 : vector<16xf32>
      %sub3A_1424 = vector.broadcast %squeeze3A_1418 : f32 to vector<16xf32>
      %sub3A_1425 = arith.subf %get3A_13, %sub3A_1424 : vector<16xf32>
      %abs3A_1426 = math.absf %sub3A_1423 : vector<16xf32>
      %abs3A_1427 = math.absf %sub3A_1425 : vector<16xf32>
      %max3A_1428 = arith.maximumf %abs3A_1426, %abs3A_1427 : vector<16xf32>
      %lt3A_1429 = arith.cmpf olt, %max3A_1428, %min3A_1393 : vector<16xf32>
      %min3A_1430 = arith.minimumf %min3A_1393, %max3A_1428 : vector<16xf32>
      %select_n3A_1431 = arith.select %lt3A_1429, %broadcast_in_dim3A_1421, %select_n3A_1394 : vector<16xi1>, vector<16xi32>
      %sub3A_1432 = vector.broadcast %squeeze3A_1416 : f32 to vector<16xf32>
      %sub3A_1433 = arith.subf %get3A_7, %sub3A_1432 : vector<16xf32>
      %sub3A_1434 = vector.broadcast %squeeze3A_1418 : f32 to vector<16xf32>
      %sub3A_1435 = arith.subf %get3A_16, %sub3A_1434 : vector<16xf32>
      %abs3A_1436 = math.absf %sub3A_1433 : vector<16xf32>
      %abs3A_1437 = math.absf %sub3A_1435 : vector<16xf32>
      %max3A_1438 = arith.maximumf %abs3A_1436, %abs3A_1437 : vector<16xf32>
      %lt3A_1439 = arith.cmpf olt, %max3A_1438, %min3A_1403 : vector<16xf32>
      %min3A_1440 = arith.minimumf %min3A_1403, %max3A_1438 : vector<16xf32>
      %select_n3A_1441 = arith.select %lt3A_1439, %broadcast_in_dim3A_1421, %select_n3A_1404 : vector<16xi1>, vector<16xi32>
      %sub3A_1442 = vector.broadcast %squeeze3A_1416 : f32 to vector<16xf32>
      %sub3A_1443 = arith.subf %get3A_10, %sub3A_1442 : vector<16xf32>
      %sub3A_1444 = vector.broadcast %squeeze3A_1418 : f32 to vector<16xf32>
      %sub3A_1445 = arith.subf %get3A_19, %sub3A_1444 : vector<16xf32>
      %abs3A_1446 = math.absf %sub3A_1443 : vector<16xf32>
      %abs3A_1447 = math.absf %sub3A_1445 : vector<16xf32>
      %max3A_1448 = arith.maximumf %abs3A_1446, %abs3A_1447 : vector<16xf32>
      %lt3A_1449 = arith.cmpf olt, %max3A_1448, %min3A_1413 : vector<16xf32>
      %min3A_1450 = arith.minimumf %min3A_1413, %max3A_1448 : vector<16xf32>
      %select_n3A_1451 = arith.select %lt3A_1449, %broadcast_in_dim3A_1421, %select_n3A_1414 : vector<16xi1>, vector<16xi32>
      %slice3A_1452 = vector.extract_strided_slice %get3A_1300 {offsets = [4], sizes = [1], strides = [1]} : vector<16xf32> to vector<1xf32>
      %squeeze3A_1453 = vector.extract %slice3A_1452[0] : f32 from vector<1xf32>
      %slice3A_1454 = vector.extract_strided_slice %get3A_1303 {offsets = [4], sizes = [1], strides = [1]} : vector<16xf32> to vector<1xf32>
      %squeeze3A_1455 = vector.extract %slice3A_1454[0] : f32 from vector<1xf32>
      %add3A_1456 = arith.constant 4 : i32
      %add3A_1457 = arith.addi %mul3A_1297, %add3A_1456 : i32
      %broadcast_in_dim3A_1458 = vector.broadcast %add3A_1457 : i32 to vector<16xi32>
      %sub3A_1459 = vector.broadcast %squeeze3A_1453 : f32 to vector<16xf32>
      %sub3A_1460 = arith.subf %get3A_4, %sub3A_1459 : vector<16xf32>
      %sub3A_1461 = vector.broadcast %squeeze3A_1455 : f32 to vector<16xf32>
      %sub3A_1462 = arith.subf %get3A_13, %sub3A_1461 : vector<16xf32>
      %abs3A_1463 = math.absf %sub3A_1460 : vector<16xf32>
      %abs3A_1464 = math.absf %sub3A_1462 : vector<16xf32>
      %max3A_1465 = arith.maximumf %abs3A_1463, %abs3A_1464 : vector<16xf32>
      %lt3A_1466 = arith.cmpf olt, %max3A_1465, %min3A_1430 : vector<16xf32>
      %min3A_1467 = arith.minimumf %min3A_1430, %max3A_1465 : vector<16xf32>
      %select_n3A_1468 = arith.select %lt3A_1466, %broadcast_in_dim3A_1458, %select_n3A_1431 : vector<16xi1>, vector<16xi32>
      %sub3A_1469 = vector.broadcast %squeeze3A_1453 : f32 to vector<16xf32>
      %sub3A_1470 = arith.subf %get3A_7, %sub3A_1469 : vector<16xf32>
      %sub3A_1471 = vector.broadcast %squeeze3A_1455 : f32 to vector<16xf32>
      %sub3A_1472 = arith.subf %get3A_16, %sub3A_1471 : vector<16xf32>
      %abs3A_1473 = math.absf %sub3A_1470 : vector<16xf32>
      %abs3A_1474 = math.absf %sub3A_1472 : vector<16xf32>
      %max3A_1475 = arith.maximumf %abs3A_1473, %abs3A_1474 : vector<16xf32>
      %lt3A_1476 = arith.cmpf olt, %max3A_1475, %min3A_1440 : vector<16xf32>
      %min3A_1477 = arith.minimumf %min3A_1440, %max3A_1475 : vector<16xf32>
      %select_n3A_1478 = arith.select %lt3A_1476, %broadcast_in_dim3A_1458, %select_n3A_1441 : vector<16xi1>, vector<16xi32>
      %sub3A_1479 = vector.broadcast %squeeze3A_1453 : f32 to vector<16xf32>
      %sub3A_1480 = arith.subf %get3A_10, %sub3A_1479 : vector<16xf32>
      %sub3A_1481 = vector.broadcast %squeeze3A_1455 : f32 to vector<16xf32>
      %sub3A_1482 = arith.subf %get3A_19, %sub3A_1481 : vector<16xf32>
      %abs3A_1483 = math.absf %sub3A_1480 : vector<16xf32>
      %abs3A_1484 = math.absf %sub3A_1482 : vector<16xf32>
      %max3A_1485 = arith.maximumf %abs3A_1483, %abs3A_1484 : vector<16xf32>
      %lt3A_1486 = arith.cmpf olt, %max3A_1485, %min3A_1450 : vector<16xf32>
      %min3A_1487 = arith.minimumf %min3A_1450, %max3A_1485 : vector<16xf32>
      %select_n3A_1488 = arith.select %lt3A_1486, %broadcast_in_dim3A_1458, %select_n3A_1451 : vector<16xi1>, vector<16xi32>
      %slice3A_1489 = vector.extract_strided_slice %get3A_1300 {offsets = [5], sizes = [1], strides = [1]} : vector<16xf32> to vector<1xf32>
      %squeeze3A_1490 = vector.extract %slice3A_1489[0] : f32 from vector<1xf32>
      %slice3A_1491 = vector.extract_strided_slice %get3A_1303 {offsets = [5], sizes = [1], strides = [1]} : vector<16xf32> to vector<1xf32>
      %squeeze3A_1492 = vector.extract %slice3A_1491[0] : f32 from vector<1xf32>
      %add3A_1493 = arith.constant 5 : i32
      %add3A_1494 = arith.addi %mul3A_1297, %add3A_1493 : i32
      %broadcast_in_dim3A_1495 = vector.broadcast %add3A_1494 : i32 to vector<16xi32>
      %sub3A_1496 = vector.broadcast %squeeze3A_1490 : f32 to vector<16xf32>
      %sub3A_1497 = arith.subf %get3A_4, %sub3A_1496 : vector<16xf32>
      %sub3A_1498 = vector.broadcast %squeeze3A_1492 : f32 to vector<16xf32>
      %sub3A_1499 = arith.subf %get3A_13, %sub3A_1498 : vector<16xf32>
      %abs3A_1500 = math.absf %sub3A_1497 : vector<16xf32>
      %abs3A_1501 = math.absf %sub3A_1499 : vector<16xf32>
      %max3A_1502 = arith.maximumf %abs3A_1500, %abs3A_1501 : vector<16xf32>
      %lt3A_1503 = arith.cmpf olt, %max3A_1502, %min3A_1467 : vector<16xf32>
      %min3A_1504 = arith.minimumf %min3A_1467, %max3A_1502 : vector<16xf32>
      %select_n3A_1505 = arith.select %lt3A_1503, %broadcast_in_dim3A_1495, %select_n3A_1468 : vector<16xi1>, vector<16xi32>
      %sub3A_1506 = vector.broadcast %squeeze3A_1490 : f32 to vector<16xf32>
      %sub3A_1507 = arith.subf %get3A_7, %sub3A_1506 : vector<16xf32>
      %sub3A_1508 = vector.broadcast %squeeze3A_1492 : f32 to vector<16xf32>
      %sub3A_1509 = arith.subf %get3A_16, %sub3A_1508 : vector<16xf32>
      %abs3A_1510 = math.absf %sub3A_1507 : vector<16xf32>
      %abs3A_1511 = math.absf %sub3A_1509 : vector<16xf32>
      %max3A_1512 = arith.maximumf %abs3A_1510, %abs3A_1511 : vector<16xf32>
      %lt3A_1513 = arith.cmpf olt, %max3A_1512, %min3A_1477 : vector<16xf32>
      %min3A_1514 = arith.minimumf %min3A_1477, %max3A_1512 : vector<16xf32>
      %select_n3A_1515 = arith.select %lt3A_1513, %broadcast_in_dim3A_1495, %select_n3A_1478 : vector<16xi1>, vector<16xi32>
      %sub3A_1516 = vector.broadcast %squeeze3A_1490 : f32 to vector<16xf32>
      %sub3A_1517 = arith.subf %get3A_10, %sub3A_1516 : vector<16xf32>
      %sub3A_1518 = vector.broadcast %squeeze3A_1492 : f32 to vector<16xf32>
      %sub3A_1519 = arith.subf %get3A_19, %sub3A_1518 : vector<16xf32>
      %abs3A_1520 = math.absf %sub3A_1517 : vector<16xf32>
      %abs3A_1521 = math.absf %sub3A_1519 : vector<16xf32>
      %max3A_1522 = arith.maximumf %abs3A_1520, %abs3A_1521 : vector<16xf32>
      %lt3A_1523 = arith.cmpf olt, %max3A_1522, %min3A_1487 : vector<16xf32>
      %min3A_1524 = arith.minimumf %min3A_1487, %max3A_1522 : vector<16xf32>
      %select_n3A_1525 = arith.select %lt3A_1523, %broadcast_in_dim3A_1495, %select_n3A_1488 : vector<16xi1>, vector<16xi32>
      %slice3A_1526 = vector.extract_strided_slice %get3A_1300 {offsets = [6], sizes = [1], strides = [1]} : vector<16xf32> to vector<1xf32>
      %squeeze3A_1527 = vector.extract %slice3A_1526[0] : f32 from vector<1xf32>
      %slice3A_1528 = vector.extract_strided_slice %get3A_1303 {offsets = [6], sizes = [1], strides = [1]} : vector<16xf32> to vector<1xf32>
      %squeeze3A_1529 = vector.extract %slice3A_1528[0] : f32 from vector<1xf32>
      %add3A_1530 = arith.constant 6 : i32
      %add3A_1531 = arith.addi %mul3A_1297, %add3A_1530 : i32
      %broadcast_in_dim3A_1532 = vector.broadcast %add3A_1531 : i32 to vector<16xi32>
      %sub3A_1533 = vector.broadcast %squeeze3A_1527 : f32 to vector<16xf32>
      %sub3A_1534 = arith.subf %get3A_4, %sub3A_1533 : vector<16xf32>
      %sub3A_1535 = vector.broadcast %squeeze3A_1529 : f32 to vector<16xf32>
      %sub3A_1536 = arith.subf %get3A_13, %sub3A_1535 : vector<16xf32>
      %abs3A_1537 = math.absf %sub3A_1534 : vector<16xf32>
      %abs3A_1538 = math.absf %sub3A_1536 : vector<16xf32>
      %max3A_1539 = arith.maximumf %abs3A_1537, %abs3A_1538 : vector<16xf32>
      %lt3A_1540 = arith.cmpf olt, %max3A_1539, %min3A_1504 : vector<16xf32>
      %min3A_1541 = arith.minimumf %min3A_1504, %max3A_1539 : vector<16xf32>
      %select_n3A_1542 = arith.select %lt3A_1540, %broadcast_in_dim3A_1532, %select_n3A_1505 : vector<16xi1>, vector<16xi32>
      %sub3A_1543 = vector.broadcast %squeeze3A_1527 : f32 to vector<16xf32>
      %sub3A_1544 = arith.subf %get3A_7, %sub3A_1543 : vector<16xf32>
      %sub3A_1545 = vector.broadcast %squeeze3A_1529 : f32 to vector<16xf32>
      %sub3A_1546 = arith.subf %get3A_16, %sub3A_1545 : vector<16xf32>
      %abs3A_1547 = math.absf %sub3A_1544 : vector<16xf32>
      %abs3A_1548 = math.absf %sub3A_1546 : vector<16xf32>
      %max3A_1549 = arith.maximumf %abs3A_1547, %abs3A_1548 : vector<16xf32>
      %lt3A_1550 = arith.cmpf olt, %max3A_1549, %min3A_1514 : vector<16xf32>
      %min3A_1551 = arith.minimumf %min3A_1514, %max3A_1549 : vector<16xf32>
      %select_n3A_1552 = arith.select %lt3A_1550, %broadcast_in_dim3A_1532, %select_n3A_1515 : vector<16xi1>, vector<16xi32>
      %sub3A_1553 = vector.broadcast %squeeze3A_1527 : f32 to vector<16xf32>
      %sub3A_1554 = arith.subf %get3A_10, %sub3A_1553 : vector<16xf32>
      %sub3A_1555 = vector.broadcast %squeeze3A_1529 : f32 to vector<16xf32>
      %sub3A_1556 = arith.subf %get3A_19, %sub3A_1555 : vector<16xf32>
      %abs3A_1557 = math.absf %sub3A_1554 : vector<16xf32>
      %abs3A_1558 = math.absf %sub3A_1556 : vector<16xf32>
      %max3A_1559 = arith.maximumf %abs3A_1557, %abs3A_1558 : vector<16xf32>
      %lt3A_1560 = arith.cmpf olt, %max3A_1559, %min3A_1524 : vector<16xf32>
      %min3A_1561 = arith.minimumf %min3A_1524, %max3A_1559 : vector<16xf32>
      %select_n3A_1562 = arith.select %lt3A_1560, %broadcast_in_dim3A_1532, %select_n3A_1525 : vector<16xi1>, vector<16xi32>
      %slice3A_1563 = vector.extract_strided_slice %get3A_1300 {offsets = [7], sizes = [1], strides = [1]} : vector<16xf32> to vector<1xf32>
      %squeeze3A_1564 = vector.extract %slice3A_1563[0] : f32 from vector<1xf32>
      %slice3A_1565 = vector.extract_strided_slice %get3A_1303 {offsets = [7], sizes = [1], strides = [1]} : vector<16xf32> to vector<1xf32>
      %squeeze3A_1566 = vector.extract %slice3A_1565[0] : f32 from vector<1xf32>
      %add3A_1567 = arith.constant 7 : i32
      %add3A_1568 = arith.addi %mul3A_1297, %add3A_1567 : i32
      %broadcast_in_dim3A_1569 = vector.broadcast %add3A_1568 : i32 to vector<16xi32>
      %sub3A_1570 = vector.broadcast %squeeze3A_1564 : f32 to vector<16xf32>
      %sub3A_1571 = arith.subf %get3A_4, %sub3A_1570 : vector<16xf32>
      %sub3A_1572 = vector.broadcast %squeeze3A_1566 : f32 to vector<16xf32>
      %sub3A_1573 = arith.subf %get3A_13, %sub3A_1572 : vector<16xf32>
      %abs3A_1574 = math.absf %sub3A_1571 : vector<16xf32>
      %abs3A_1575 = math.absf %sub3A_1573 : vector<16xf32>
      %max3A_1576 = arith.maximumf %abs3A_1574, %abs3A_1575 : vector<16xf32>
      %lt3A_1577 = arith.cmpf olt, %max3A_1576, %min3A_1541 : vector<16xf32>
      %min3A_1578 = arith.minimumf %min3A_1541, %max3A_1576 : vector<16xf32>
      %select_n3A_1579 = arith.select %lt3A_1577, %broadcast_in_dim3A_1569, %select_n3A_1542 : vector<16xi1>, vector<16xi32>
      %sub3A_1580 = vector.broadcast %squeeze3A_1564 : f32 to vector<16xf32>
      %sub3A_1581 = arith.subf %get3A_7, %sub3A_1580 : vector<16xf32>
      %sub3A_1582 = vector.broadcast %squeeze3A_1566 : f32 to vector<16xf32>
      %sub3A_1583 = arith.subf %get3A_16, %sub3A_1582 : vector<16xf32>
      %abs3A_1584 = math.absf %sub3A_1581 : vector<16xf32>
      %abs3A_1585 = math.absf %sub3A_1583 : vector<16xf32>
      %max3A_1586 = arith.maximumf %abs3A_1584, %abs3A_1585 : vector<16xf32>
      %lt3A_1587 = arith.cmpf olt, %max3A_1586, %min3A_1551 : vector<16xf32>
      %min3A_1588 = arith.minimumf %min3A_1551, %max3A_1586 : vector<16xf32>
      %select_n3A_1589 = arith.select %lt3A_1587, %broadcast_in_dim3A_1569, %select_n3A_1552 : vector<16xi1>, vector<16xi32>
      %sub3A_1590 = vector.broadcast %squeeze3A_1564 : f32 to vector<16xf32>
      %sub3A_1591 = arith.subf %get3A_10, %sub3A_1590 : vector<16xf32>
      %sub3A_1592 = vector.broadcast %squeeze3A_1566 : f32 to vector<16xf32>
      %sub3A_1593 = arith.subf %get3A_19, %sub3A_1592 : vector<16xf32>
      %abs3A_1594 = math.absf %sub3A_1591 : vector<16xf32>
      %abs3A_1595 = math.absf %sub3A_1593 : vector<16xf32>
      %max3A_1596 = arith.maximumf %abs3A_1594, %abs3A_1595 : vector<16xf32>
      %lt3A_1597 = arith.cmpf olt, %max3A_1596, %min3A_1561 : vector<16xf32>
      %min3A_1598 = arith.minimumf %min3A_1561, %max3A_1596 : vector<16xf32>
      %select_n3A_1599 = arith.select %lt3A_1597, %broadcast_in_dim3A_1569, %select_n3A_1562 : vector<16xi1>, vector<16xi32>
      %slice3A_1600 = vector.extract_strided_slice %get3A_1300 {offsets = [8], sizes = [1], strides = [1]} : vector<16xf32> to vector<1xf32>
      %squeeze3A_1601 = vector.extract %slice3A_1600[0] : f32 from vector<1xf32>
      %slice3A_1602 = vector.extract_strided_slice %get3A_1303 {offsets = [8], sizes = [1], strides = [1]} : vector<16xf32> to vector<1xf32>
      %squeeze3A_1603 = vector.extract %slice3A_1602[0] : f32 from vector<1xf32>
      %add3A_1604 = arith.constant 8 : i32
      %add3A_1605 = arith.addi %mul3A_1297, %add3A_1604 : i32
      %broadcast_in_dim3A_1606 = vector.broadcast %add3A_1605 : i32 to vector<16xi32>
      %sub3A_1607 = vector.broadcast %squeeze3A_1601 : f32 to vector<16xf32>
      %sub3A_1608 = arith.subf %get3A_4, %sub3A_1607 : vector<16xf32>
      %sub3A_1609 = vector.broadcast %squeeze3A_1603 : f32 to vector<16xf32>
      %sub3A_1610 = arith.subf %get3A_13, %sub3A_1609 : vector<16xf32>
      %abs3A_1611 = math.absf %sub3A_1608 : vector<16xf32>
      %abs3A_1612 = math.absf %sub3A_1610 : vector<16xf32>
      %max3A_1613 = arith.maximumf %abs3A_1611, %abs3A_1612 : vector<16xf32>
      %lt3A_1614 = arith.cmpf olt, %max3A_1613, %min3A_1578 : vector<16xf32>
      %min3A_1615 = arith.minimumf %min3A_1578, %max3A_1613 : vector<16xf32>
      %select_n3A_1616 = arith.select %lt3A_1614, %broadcast_in_dim3A_1606, %select_n3A_1579 : vector<16xi1>, vector<16xi32>
      %sub3A_1617 = vector.broadcast %squeeze3A_1601 : f32 to vector<16xf32>
      %sub3A_1618 = arith.subf %get3A_7, %sub3A_1617 : vector<16xf32>
      %sub3A_1619 = vector.broadcast %squeeze3A_1603 : f32 to vector<16xf32>
      %sub3A_1620 = arith.subf %get3A_16, %sub3A_1619 : vector<16xf32>
      %abs3A_1621 = math.absf %sub3A_1618 : vector<16xf32>
      %abs3A_1622 = math.absf %sub3A_1620 : vector<16xf32>
      %max3A_1623 = arith.maximumf %abs3A_1621, %abs3A_1622 : vector<16xf32>
      %lt3A_1624 = arith.cmpf olt, %max3A_1623, %min3A_1588 : vector<16xf32>
      %min3A_1625 = arith.minimumf %min3A_1588, %max3A_1623 : vector<16xf32>
      %select_n3A_1626 = arith.select %lt3A_1624, %broadcast_in_dim3A_1606, %select_n3A_1589 : vector<16xi1>, vector<16xi32>
      %sub3A_1627 = vector.broadcast %squeeze3A_1601 : f32 to vector<16xf32>
      %sub3A_1628 = arith.subf %get3A_10, %sub3A_1627 : vector<16xf32>
      %sub3A_1629 = vector.broadcast %squeeze3A_1603 : f32 to vector<16xf32>
      %sub3A_1630 = arith.subf %get3A_19, %sub3A_1629 : vector<16xf32>
      %abs3A_1631 = math.absf %sub3A_1628 : vector<16xf32>
      %abs3A_1632 = math.absf %sub3A_1630 : vector<16xf32>
      %max3A_1633 = arith.maximumf %abs3A_1631, %abs3A_1632 : vector<16xf32>
      %lt3A_1634 = arith.cmpf olt, %max3A_1633, %min3A_1598 : vector<16xf32>
      %min3A_1635 = arith.minimumf %min3A_1598, %max3A_1633 : vector<16xf32>
      %select_n3A_1636 = arith.select %lt3A_1634, %broadcast_in_dim3A_1606, %select_n3A_1599 : vector<16xi1>, vector<16xi32>
      %slice3A_1637 = vector.extract_strided_slice %get3A_1300 {offsets = [9], sizes = [1], strides = [1]} : vector<16xf32> to vector<1xf32>
      %squeeze3A_1638 = vector.extract %slice3A_1637[0] : f32 from vector<1xf32>
      %slice3A_1639 = vector.extract_strided_slice %get3A_1303 {offsets = [9], sizes = [1], strides = [1]} : vector<16xf32> to vector<1xf32>
      %squeeze3A_1640 = vector.extract %slice3A_1639[0] : f32 from vector<1xf32>
      %add3A_1641 = arith.constant 9 : i32
      %add3A_1642 = arith.addi %mul3A_1297, %add3A_1641 : i32
      %broadcast_in_dim3A_1643 = vector.broadcast %add3A_1642 : i32 to vector<16xi32>
      %sub3A_1644 = vector.broadcast %squeeze3A_1638 : f32 to vector<16xf32>
      %sub3A_1645 = arith.subf %get3A_4, %sub3A_1644 : vector<16xf32>
      %sub3A_1646 = vector.broadcast %squeeze3A_1640 : f32 to vector<16xf32>
      %sub3A_1647 = arith.subf %get3A_13, %sub3A_1646 : vector<16xf32>
      %abs3A_1648 = math.absf %sub3A_1645 : vector<16xf32>
      %abs3A_1649 = math.absf %sub3A_1647 : vector<16xf32>
      %max3A_1650 = arith.maximumf %abs3A_1648, %abs3A_1649 : vector<16xf32>
      %lt3A_1651 = arith.cmpf olt, %max3A_1650, %min3A_1615 : vector<16xf32>
      %min3A_1652 = arith.minimumf %min3A_1615, %max3A_1650 : vector<16xf32>
      %select_n3A_1653 = arith.select %lt3A_1651, %broadcast_in_dim3A_1643, %select_n3A_1616 : vector<16xi1>, vector<16xi32>
      %sub3A_1654 = vector.broadcast %squeeze3A_1638 : f32 to vector<16xf32>
      %sub3A_1655 = arith.subf %get3A_7, %sub3A_1654 : vector<16xf32>
      %sub3A_1656 = vector.broadcast %squeeze3A_1640 : f32 to vector<16xf32>
      %sub3A_1657 = arith.subf %get3A_16, %sub3A_1656 : vector<16xf32>
      %abs3A_1658 = math.absf %sub3A_1655 : vector<16xf32>
      %abs3A_1659 = math.absf %sub3A_1657 : vector<16xf32>
      %max3A_1660 = arith.maximumf %abs3A_1658, %abs3A_1659 : vector<16xf32>
      %lt3A_1661 = arith.cmpf olt, %max3A_1660, %min3A_1625 : vector<16xf32>
      %min3A_1662 = arith.minimumf %min3A_1625, %max3A_1660 : vector<16xf32>
      %select_n3A_1663 = arith.select %lt3A_1661, %broadcast_in_dim3A_1643, %select_n3A_1626 : vector<16xi1>, vector<16xi32>
      %sub3A_1664 = vector.broadcast %squeeze3A_1638 : f32 to vector<16xf32>
      %sub3A_1665 = arith.subf %get3A_10, %sub3A_1664 : vector<16xf32>
      %sub3A_1666 = vector.broadcast %squeeze3A_1640 : f32 to vector<16xf32>
      %sub3A_1667 = arith.subf %get3A_19, %sub3A_1666 : vector<16xf32>
      %abs3A_1668 = math.absf %sub3A_1665 : vector<16xf32>
      %abs3A_1669 = math.absf %sub3A_1667 : vector<16xf32>
      %max3A_1670 = arith.maximumf %abs3A_1668, %abs3A_1669 : vector<16xf32>
      %lt3A_1671 = arith.cmpf olt, %max3A_1670, %min3A_1635 : vector<16xf32>
      %min3A_1672 = arith.minimumf %min3A_1635, %max3A_1670 : vector<16xf32>
      %select_n3A_1673 = arith.select %lt3A_1671, %broadcast_in_dim3A_1643, %select_n3A_1636 : vector<16xi1>, vector<16xi32>
      %slice3A_1674 = vector.extract_strided_slice %get3A_1300 {offsets = [10], sizes = [1], strides = [1]} : vector<16xf32> to vector<1xf32>
      %squeeze3A_1675 = vector.extract %slice3A_1674[0] : f32 from vector<1xf32>
      %slice3A_1676 = vector.extract_strided_slice %get3A_1303 {offsets = [10], sizes = [1], strides = [1]} : vector<16xf32> to vector<1xf32>
      %squeeze3A_1677 = vector.extract %slice3A_1676[0] : f32 from vector<1xf32>
      %add3A_1678 = arith.constant 10 : i32
      %add3A_1679 = arith.addi %mul3A_1297, %add3A_1678 : i32
      %broadcast_in_dim3A_1680 = vector.broadcast %add3A_1679 : i32 to vector<16xi32>
      %sub3A_1681 = vector.broadcast %squeeze3A_1675 : f32 to vector<16xf32>
      %sub3A_1682 = arith.subf %get3A_4, %sub3A_1681 : vector<16xf32>
      %sub3A_1683 = vector.broadcast %squeeze3A_1677 : f32 to vector<16xf32>
      %sub3A_1684 = arith.subf %get3A_13, %sub3A_1683 : vector<16xf32>
      %abs3A_1685 = math.absf %sub3A_1682 : vector<16xf32>
      %abs3A_1686 = math.absf %sub3A_1684 : vector<16xf32>
      %max3A_1687 = arith.maximumf %abs3A_1685, %abs3A_1686 : vector<16xf32>
      %lt3A_1688 = arith.cmpf olt, %max3A_1687, %min3A_1652 : vector<16xf32>
      %min3A_1689 = arith.minimumf %min3A_1652, %max3A_1687 : vector<16xf32>
      %select_n3A_1690 = arith.select %lt3A_1688, %broadcast_in_dim3A_1680, %select_n3A_1653 : vector<16xi1>, vector<16xi32>
      %sub3A_1691 = vector.broadcast %squeeze3A_1675 : f32 to vector<16xf32>
      %sub3A_1692 = arith.subf %get3A_7, %sub3A_1691 : vector<16xf32>
      %sub3A_1693 = vector.broadcast %squeeze3A_1677 : f32 to vector<16xf32>
      %sub3A_1694 = arith.subf %get3A_16, %sub3A_1693 : vector<16xf32>
      %abs3A_1695 = math.absf %sub3A_1692 : vector<16xf32>
      %abs3A_1696 = math.absf %sub3A_1694 : vector<16xf32>
      %max3A_1697 = arith.maximumf %abs3A_1695, %abs3A_1696 : vector<16xf32>
      %lt3A_1698 = arith.cmpf olt, %max3A_1697, %min3A_1662 : vector<16xf32>
      %min3A_1699 = arith.minimumf %min3A_1662, %max3A_1697 : vector<16xf32>
      %select_n3A_1700 = arith.select %lt3A_1698, %broadcast_in_dim3A_1680, %select_n3A_1663 : vector<16xi1>, vector<16xi32>
      %sub3A_1701 = vector.broadcast %squeeze3A_1675 : f32 to vector<16xf32>
      %sub3A_1702 = arith.subf %get3A_10, %sub3A_1701 : vector<16xf32>
      %sub3A_1703 = vector.broadcast %squeeze3A_1677 : f32 to vector<16xf32>
      %sub3A_1704 = arith.subf %get3A_19, %sub3A_1703 : vector<16xf32>
      %abs3A_1705 = math.absf %sub3A_1702 : vector<16xf32>
      %abs3A_1706 = math.absf %sub3A_1704 : vector<16xf32>
      %max3A_1707 = arith.maximumf %abs3A_1705, %abs3A_1706 : vector<16xf32>
      %lt3A_1708 = arith.cmpf olt, %max3A_1707, %min3A_1672 : vector<16xf32>
      %min3A_1709 = arith.minimumf %min3A_1672, %max3A_1707 : vector<16xf32>
      %select_n3A_1710 = arith.select %lt3A_1708, %broadcast_in_dim3A_1680, %select_n3A_1673 : vector<16xi1>, vector<16xi32>
      %slice3A_1711 = vector.extract_strided_slice %get3A_1300 {offsets = [11], sizes = [1], strides = [1]} : vector<16xf32> to vector<1xf32>
      %squeeze3A_1712 = vector.extract %slice3A_1711[0] : f32 from vector<1xf32>
      %slice3A_1713 = vector.extract_strided_slice %get3A_1303 {offsets = [11], sizes = [1], strides = [1]} : vector<16xf32> to vector<1xf32>
      %squeeze3A_1714 = vector.extract %slice3A_1713[0] : f32 from vector<1xf32>
      %add3A_1715 = arith.constant 11 : i32
      %add3A_1716 = arith.addi %mul3A_1297, %add3A_1715 : i32
      %broadcast_in_dim3A_1717 = vector.broadcast %add3A_1716 : i32 to vector<16xi32>
      %sub3A_1718 = vector.broadcast %squeeze3A_1712 : f32 to vector<16xf32>
      %sub3A_1719 = arith.subf %get3A_4, %sub3A_1718 : vector<16xf32>
      %sub3A_1720 = vector.broadcast %squeeze3A_1714 : f32 to vector<16xf32>
      %sub3A_1721 = arith.subf %get3A_13, %sub3A_1720 : vector<16xf32>
      %abs3A_1722 = math.absf %sub3A_1719 : vector<16xf32>
      %abs3A_1723 = math.absf %sub3A_1721 : vector<16xf32>
      %max3A_1724 = arith.maximumf %abs3A_1722, %abs3A_1723 : vector<16xf32>
      %lt3A_1725 = arith.cmpf olt, %max3A_1724, %min3A_1689 : vector<16xf32>
      %min3A_1726 = arith.minimumf %min3A_1689, %max3A_1724 : vector<16xf32>
      %select_n3A_1727 = arith.select %lt3A_1725, %broadcast_in_dim3A_1717, %select_n3A_1690 : vector<16xi1>, vector<16xi32>
      %sub3A_1728 = vector.broadcast %squeeze3A_1712 : f32 to vector<16xf32>
      %sub3A_1729 = arith.subf %get3A_7, %sub3A_1728 : vector<16xf32>
      %sub3A_1730 = vector.broadcast %squeeze3A_1714 : f32 to vector<16xf32>
      %sub3A_1731 = arith.subf %get3A_16, %sub3A_1730 : vector<16xf32>
      %abs3A_1732 = math.absf %sub3A_1729 : vector<16xf32>
      %abs3A_1733 = math.absf %sub3A_1731 : vector<16xf32>
      %max3A_1734 = arith.maximumf %abs3A_1732, %abs3A_1733 : vector<16xf32>
      %lt3A_1735 = arith.cmpf olt, %max3A_1734, %min3A_1699 : vector<16xf32>
      %min3A_1736 = arith.minimumf %min3A_1699, %max3A_1734 : vector<16xf32>
      %select_n3A_1737 = arith.select %lt3A_1735, %broadcast_in_dim3A_1717, %select_n3A_1700 : vector<16xi1>, vector<16xi32>
      %sub3A_1738 = vector.broadcast %squeeze3A_1712 : f32 to vector<16xf32>
      %sub3A_1739 = arith.subf %get3A_10, %sub3A_1738 : vector<16xf32>
      %sub3A_1740 = vector.broadcast %squeeze3A_1714 : f32 to vector<16xf32>
      %sub3A_1741 = arith.subf %get3A_19, %sub3A_1740 : vector<16xf32>
      %abs3A_1742 = math.absf %sub3A_1739 : vector<16xf32>
      %abs3A_1743 = math.absf %sub3A_1741 : vector<16xf32>
      %max3A_1744 = arith.maximumf %abs3A_1742, %abs3A_1743 : vector<16xf32>
      %lt3A_1745 = arith.cmpf olt, %max3A_1744, %min3A_1709 : vector<16xf32>
      %min3A_1746 = arith.minimumf %min3A_1709, %max3A_1744 : vector<16xf32>
      %select_n3A_1747 = arith.select %lt3A_1745, %broadcast_in_dim3A_1717, %select_n3A_1710 : vector<16xi1>, vector<16xi32>
      %slice3A_1748 = vector.extract_strided_slice %get3A_1300 {offsets = [12], sizes = [1], strides = [1]} : vector<16xf32> to vector<1xf32>
      %squeeze3A_1749 = vector.extract %slice3A_1748[0] : f32 from vector<1xf32>
      %slice3A_1750 = vector.extract_strided_slice %get3A_1303 {offsets = [12], sizes = [1], strides = [1]} : vector<16xf32> to vector<1xf32>
      %squeeze3A_1751 = vector.extract %slice3A_1750[0] : f32 from vector<1xf32>
      %add3A_1752 = arith.constant 12 : i32
      %add3A_1753 = arith.addi %mul3A_1297, %add3A_1752 : i32
      %broadcast_in_dim3A_1754 = vector.broadcast %add3A_1753 : i32 to vector<16xi32>
      %sub3A_1755 = vector.broadcast %squeeze3A_1749 : f32 to vector<16xf32>
      %sub3A_1756 = arith.subf %get3A_4, %sub3A_1755 : vector<16xf32>
      %sub3A_1757 = vector.broadcast %squeeze3A_1751 : f32 to vector<16xf32>
      %sub3A_1758 = arith.subf %get3A_13, %sub3A_1757 : vector<16xf32>
      %abs3A_1759 = math.absf %sub3A_1756 : vector<16xf32>
      %abs3A_1760 = math.absf %sub3A_1758 : vector<16xf32>
      %max3A_1761 = arith.maximumf %abs3A_1759, %abs3A_1760 : vector<16xf32>
      %lt3A_1762 = arith.cmpf olt, %max3A_1761, %min3A_1726 : vector<16xf32>
      %min3A_1763 = arith.minimumf %min3A_1726, %max3A_1761 : vector<16xf32>
      %select_n3A_1764 = arith.select %lt3A_1762, %broadcast_in_dim3A_1754, %select_n3A_1727 : vector<16xi1>, vector<16xi32>
      %sub3A_1765 = vector.broadcast %squeeze3A_1749 : f32 to vector<16xf32>
      %sub3A_1766 = arith.subf %get3A_7, %sub3A_1765 : vector<16xf32>
      %sub3A_1767 = vector.broadcast %squeeze3A_1751 : f32 to vector<16xf32>
      %sub3A_1768 = arith.subf %get3A_16, %sub3A_1767 : vector<16xf32>
      %abs3A_1769 = math.absf %sub3A_1766 : vector<16xf32>
      %abs3A_1770 = math.absf %sub3A_1768 : vector<16xf32>
      %max3A_1771 = arith.maximumf %abs3A_1769, %abs3A_1770 : vector<16xf32>
      %lt3A_1772 = arith.cmpf olt, %max3A_1771, %min3A_1736 : vector<16xf32>
      %min3A_1773 = arith.minimumf %min3A_1736, %max3A_1771 : vector<16xf32>
      %select_n3A_1774 = arith.select %lt3A_1772, %broadcast_in_dim3A_1754, %select_n3A_1737 : vector<16xi1>, vector<16xi32>
      %sub3A_1775 = vector.broadcast %squeeze3A_1749 : f32 to vector<16xf32>
      %sub3A_1776 = arith.subf %get3A_10, %sub3A_1775 : vector<16xf32>
      %sub3A_1777 = vector.broadcast %squeeze3A_1751 : f32 to vector<16xf32>
      %sub3A_1778 = arith.subf %get3A_19, %sub3A_1777 : vector<16xf32>
      %abs3A_1779 = math.absf %sub3A_1776 : vector<16xf32>
      %abs3A_1780 = math.absf %sub3A_1778 : vector<16xf32>
      %max3A_1781 = arith.maximumf %abs3A_1779, %abs3A_1780 : vector<16xf32>
      %lt3A_1782 = arith.cmpf olt, %max3A_1781, %min3A_1746 : vector<16xf32>
      %min3A_1783 = arith.minimumf %min3A_1746, %max3A_1781 : vector<16xf32>
      %select_n3A_1784 = arith.select %lt3A_1782, %broadcast_in_dim3A_1754, %select_n3A_1747 : vector<16xi1>, vector<16xi32>
      %slice3A_1785 = vector.extract_strided_slice %get3A_1300 {offsets = [13], sizes = [1], strides = [1]} : vector<16xf32> to vector<1xf32>
      %squeeze3A_1786 = vector.extract %slice3A_1785[0] : f32 from vector<1xf32>
      %slice3A_1787 = vector.extract_strided_slice %get3A_1303 {offsets = [13], sizes = [1], strides = [1]} : vector<16xf32> to vector<1xf32>
      %squeeze3A_1788 = vector.extract %slice3A_1787[0] : f32 from vector<1xf32>
      %add3A_1789 = arith.constant 13 : i32
      %add3A_1790 = arith.addi %mul3A_1297, %add3A_1789 : i32
      %broadcast_in_dim3A_1791 = vector.broadcast %add3A_1790 : i32 to vector<16xi32>
      %sub3A_1792 = vector.broadcast %squeeze3A_1786 : f32 to vector<16xf32>
      %sub3A_1793 = arith.subf %get3A_4, %sub3A_1792 : vector<16xf32>
      %sub3A_1794 = vector.broadcast %squeeze3A_1788 : f32 to vector<16xf32>
      %sub3A_1795 = arith.subf %get3A_13, %sub3A_1794 : vector<16xf32>
      %abs3A_1796 = math.absf %sub3A_1793 : vector<16xf32>
      %abs3A_1797 = math.absf %sub3A_1795 : vector<16xf32>
      %max3A_1798 = arith.maximumf %abs3A_1796, %abs3A_1797 : vector<16xf32>
      %lt3A_1799 = arith.cmpf olt, %max3A_1798, %min3A_1763 : vector<16xf32>
      %min3A_1800 = arith.minimumf %min3A_1763, %max3A_1798 : vector<16xf32>
      %select_n3A_1801 = arith.select %lt3A_1799, %broadcast_in_dim3A_1791, %select_n3A_1764 : vector<16xi1>, vector<16xi32>
      %sub3A_1802 = vector.broadcast %squeeze3A_1786 : f32 to vector<16xf32>
      %sub3A_1803 = arith.subf %get3A_7, %sub3A_1802 : vector<16xf32>
      %sub3A_1804 = vector.broadcast %squeeze3A_1788 : f32 to vector<16xf32>
      %sub3A_1805 = arith.subf %get3A_16, %sub3A_1804 : vector<16xf32>
      %abs3A_1806 = math.absf %sub3A_1803 : vector<16xf32>
      %abs3A_1807 = math.absf %sub3A_1805 : vector<16xf32>
      %max3A_1808 = arith.maximumf %abs3A_1806, %abs3A_1807 : vector<16xf32>
      %lt3A_1809 = arith.cmpf olt, %max3A_1808, %min3A_1773 : vector<16xf32>
      %min3A_1810 = arith.minimumf %min3A_1773, %max3A_1808 : vector<16xf32>
      %select_n3A_1811 = arith.select %lt3A_1809, %broadcast_in_dim3A_1791, %select_n3A_1774 : vector<16xi1>, vector<16xi32>
      %sub3A_1812 = vector.broadcast %squeeze3A_1786 : f32 to vector<16xf32>
      %sub3A_1813 = arith.subf %get3A_10, %sub3A_1812 : vector<16xf32>
      %sub3A_1814 = vector.broadcast %squeeze3A_1788 : f32 to vector<16xf32>
      %sub3A_1815 = arith.subf %get3A_19, %sub3A_1814 : vector<16xf32>
      %abs3A_1816 = math.absf %sub3A_1813 : vector<16xf32>
      %abs3A_1817 = math.absf %sub3A_1815 : vector<16xf32>
      %max3A_1818 = arith.maximumf %abs3A_1816, %abs3A_1817 : vector<16xf32>
      %lt3A_1819 = arith.cmpf olt, %max3A_1818, %min3A_1783 : vector<16xf32>
      %min3A_1820 = arith.minimumf %min3A_1783, %max3A_1818 : vector<16xf32>
      %select_n3A_1821 = arith.select %lt3A_1819, %broadcast_in_dim3A_1791, %select_n3A_1784 : vector<16xi1>, vector<16xi32>
      %slice3A_1822 = vector.extract_strided_slice %get3A_1300 {offsets = [14], sizes = [1], strides = [1]} : vector<16xf32> to vector<1xf32>
      %squeeze3A_1823 = vector.extract %slice3A_1822[0] : f32 from vector<1xf32>
      %slice3A_1824 = vector.extract_strided_slice %get3A_1303 {offsets = [14], sizes = [1], strides = [1]} : vector<16xf32> to vector<1xf32>
      %squeeze3A_1825 = vector.extract %slice3A_1824[0] : f32 from vector<1xf32>
      %add3A_1826 = arith.constant 14 : i32
      %add3A_1827 = arith.addi %mul3A_1297, %add3A_1826 : i32
      %broadcast_in_dim3A_1828 = vector.broadcast %add3A_1827 : i32 to vector<16xi32>
      %sub3A_1829 = vector.broadcast %squeeze3A_1823 : f32 to vector<16xf32>
      %sub3A_1830 = arith.subf %get3A_4, %sub3A_1829 : vector<16xf32>
      %sub3A_1831 = vector.broadcast %squeeze3A_1825 : f32 to vector<16xf32>
      %sub3A_1832 = arith.subf %get3A_13, %sub3A_1831 : vector<16xf32>
      %abs3A_1833 = math.absf %sub3A_1830 : vector<16xf32>
      %abs3A_1834 = math.absf %sub3A_1832 : vector<16xf32>
      %max3A_1835 = arith.maximumf %abs3A_1833, %abs3A_1834 : vector<16xf32>
      %lt3A_1836 = arith.cmpf olt, %max3A_1835, %min3A_1800 : vector<16xf32>
      %min3A_1837 = arith.minimumf %min3A_1800, %max3A_1835 : vector<16xf32>
      %select_n3A_1838 = arith.select %lt3A_1836, %broadcast_in_dim3A_1828, %select_n3A_1801 : vector<16xi1>, vector<16xi32>
      %sub3A_1839 = vector.broadcast %squeeze3A_1823 : f32 to vector<16xf32>
      %sub3A_1840 = arith.subf %get3A_7, %sub3A_1839 : vector<16xf32>
      %sub3A_1841 = vector.broadcast %squeeze3A_1825 : f32 to vector<16xf32>
      %sub3A_1842 = arith.subf %get3A_16, %sub3A_1841 : vector<16xf32>
      %abs3A_1843 = math.absf %sub3A_1840 : vector<16xf32>
      %abs3A_1844 = math.absf %sub3A_1842 : vector<16xf32>
      %max3A_1845 = arith.maximumf %abs3A_1843, %abs3A_1844 : vector<16xf32>
      %lt3A_1846 = arith.cmpf olt, %max3A_1845, %min3A_1810 : vector<16xf32>
      %min3A_1847 = arith.minimumf %min3A_1810, %max3A_1845 : vector<16xf32>
      %select_n3A_1848 = arith.select %lt3A_1846, %broadcast_in_dim3A_1828, %select_n3A_1811 : vector<16xi1>, vector<16xi32>
      %sub3A_1849 = vector.broadcast %squeeze3A_1823 : f32 to vector<16xf32>
      %sub3A_1850 = arith.subf %get3A_10, %sub3A_1849 : vector<16xf32>
      %sub3A_1851 = vector.broadcast %squeeze3A_1825 : f32 to vector<16xf32>
      %sub3A_1852 = arith.subf %get3A_19, %sub3A_1851 : vector<16xf32>
      %abs3A_1853 = math.absf %sub3A_1850 : vector<16xf32>
      %abs3A_1854 = math.absf %sub3A_1852 : vector<16xf32>
      %max3A_1855 = arith.maximumf %abs3A_1853, %abs3A_1854 : vector<16xf32>
      %lt3A_1856 = arith.cmpf olt, %max3A_1855, %min3A_1820 : vector<16xf32>
      %min3A_1857 = arith.minimumf %min3A_1820, %max3A_1855 : vector<16xf32>
      %select_n3A_1858 = arith.select %lt3A_1856, %broadcast_in_dim3A_1828, %select_n3A_1821 : vector<16xi1>, vector<16xi32>
      %slice3A_1859 = vector.extract_strided_slice %get3A_1300 {offsets = [15], sizes = [1], strides = [1]} : vector<16xf32> to vector<1xf32>
      %squeeze3A_1860 = vector.extract %slice3A_1859[0] : f32 from vector<1xf32>
      %slice3A_1861 = vector.extract_strided_slice %get3A_1303 {offsets = [15], sizes = [1], strides = [1]} : vector<16xf32> to vector<1xf32>
      %squeeze3A_1862 = vector.extract %slice3A_1861[0] : f32 from vector<1xf32>
      %add3A_1863 = arith.constant 15 : i32
      %add3A_1864 = arith.addi %mul3A_1297, %add3A_1863 : i32
      %broadcast_in_dim3A_1865 = vector.broadcast %add3A_1864 : i32 to vector<16xi32>
      %sub3A_1866 = vector.broadcast %squeeze3A_1860 : f32 to vector<16xf32>
      %sub3A_1867 = arith.subf %get3A_4, %sub3A_1866 : vector<16xf32>
      %sub3A_1868 = vector.broadcast %squeeze3A_1862 : f32 to vector<16xf32>
      %sub3A_1869 = arith.subf %get3A_13, %sub3A_1868 : vector<16xf32>
      %abs3A_1870 = math.absf %sub3A_1867 : vector<16xf32>
      %abs3A_1871 = math.absf %sub3A_1869 : vector<16xf32>
      %max3A_1872 = arith.maximumf %abs3A_1870, %abs3A_1871 : vector<16xf32>
      %lt3A_1873 = arith.cmpf olt, %max3A_1872, %min3A_1837 : vector<16xf32>
      %min3A_1874 = arith.minimumf %min3A_1837, %max3A_1872 : vector<16xf32>
      %select_n3A_1875 = arith.select %lt3A_1873, %broadcast_in_dim3A_1865, %select_n3A_1838 : vector<16xi1>, vector<16xi32>
      %sub3A_1876 = vector.broadcast %squeeze3A_1860 : f32 to vector<16xf32>
      %sub3A_1877 = arith.subf %get3A_7, %sub3A_1876 : vector<16xf32>
      %sub3A_1878 = vector.broadcast %squeeze3A_1862 : f32 to vector<16xf32>
      %sub3A_1879 = arith.subf %get3A_16, %sub3A_1878 : vector<16xf32>
      %abs3A_1880 = math.absf %sub3A_1877 : vector<16xf32>
      %abs3A_1881 = math.absf %sub3A_1879 : vector<16xf32>
      %max3A_1882 = arith.maximumf %abs3A_1880, %abs3A_1881 : vector<16xf32>
      %lt3A_1883 = arith.cmpf olt, %max3A_1882, %min3A_1847 : vector<16xf32>
      %min3A_1884 = arith.minimumf %min3A_1847, %max3A_1882 : vector<16xf32>
      %select_n3A_1885 = arith.select %lt3A_1883, %broadcast_in_dim3A_1865, %select_n3A_1848 : vector<16xi1>, vector<16xi32>
      %sub3A_1886 = vector.broadcast %squeeze3A_1860 : f32 to vector<16xf32>
      %sub3A_1887 = arith.subf %get3A_10, %sub3A_1886 : vector<16xf32>
      %sub3A_1888 = vector.broadcast %squeeze3A_1862 : f32 to vector<16xf32>
      %sub3A_1889 = arith.subf %get3A_19, %sub3A_1888 : vector<16xf32>
      %abs3A_1890 = math.absf %sub3A_1887 : vector<16xf32>
      %abs3A_1891 = math.absf %sub3A_1889 : vector<16xf32>
      %max3A_1892 = arith.maximumf %abs3A_1890, %abs3A_1891 : vector<16xf32>
      %lt3A_1893 = arith.cmpf olt, %max3A_1892, %min3A_1857 : vector<16xf32>
      %min3A_1894 = arith.minimumf %min3A_1857, %max3A_1892 : vector<16xf32>
      %select_n3A_1895 = arith.select %lt3A_1893, %broadcast_in_dim3A_1865, %select_n3A_1858 : vector<16xi1>, vector<16xi32>
      %scan3A_1896 = arith.constant 3 : i32
      %scan3A_1897 = arith.addi %scan3A_92, %scan3A_1896 : i32
      %mul3A_1898 = arith.constant 16 : i32
      %mul3A_1899 = arith.muli %scan3A_1897, %mul3A_1898 : i32
      %get3A_1900 = arith.index_cast %mul3A_1899 : i32 to index
      %get3A_1901 = tpu.vector_load %arg10[%get3A_1900] {strides = array<i32>} : memref<8192xf32, #tpu.memory_space<vmem>>, vector<16xf32>,
      %get3A_1902 = vector.shape_cast %get3A_1901 : vector<16xf32> to vector<16xf32>
      %get3A_1903 = arith.index_cast %mul3A_1899 : i32 to index
      %get3A_1904 = tpu.vector_load %arg11[%get3A_1903] {strides = array<i32>} : memref<8192xf32, #tpu.memory_space<vmem>>, vector<16xf32>,
      %get3A_1905 = vector.shape_cast %get3A_1904 : vector<16xf32> to vector<16xf32>
      %slice3A_1906 = vector.extract_strided_slice %get3A_1902 {offsets = [0], sizes = [1], strides = [1]} : vector<16xf32> to vector<1xf32>
      %squeeze3A_1907 = vector.extract %slice3A_1906[0] : f32 from vector<1xf32>
      %slice3A_1908 = vector.extract_strided_slice %get3A_1905 {offsets = [0], sizes = [1], strides = [1]} : vector<16xf32> to vector<1xf32>
      %squeeze3A_1909 = vector.extract %slice3A_1908[0] : f32 from vector<1xf32>
      %add3A_1910 = arith.constant 0 : i32
      %add3A_1911 = arith.addi %mul3A_1899, %add3A_1910 : i32
      %broadcast_in_dim3A_1912 = vector.broadcast %add3A_1911 : i32 to vector<16xi32>
      %sub3A_1913 = vector.broadcast %squeeze3A_1907 : f32 to vector<16xf32>
      %sub3A_1914 = arith.subf %get3A_4, %sub3A_1913 : vector<16xf32>
      %sub3A_1915 = vector.broadcast %squeeze3A_1909 : f32 to vector<16xf32>
      %sub3A_1916 = arith.subf %get3A_13, %sub3A_1915 : vector<16xf32>
      %abs3A_1917 = math.absf %sub3A_1914 : vector<16xf32>
      %abs3A_1918 = math.absf %sub3A_1916 : vector<16xf32>
      %max3A_1919 = arith.maximumf %abs3A_1917, %abs3A_1918 : vector<16xf32>
      %lt3A_1920 = arith.cmpf olt, %max3A_1919, %min3A_1874 : vector<16xf32>
      %min3A_1921 = arith.minimumf %min3A_1874, %max3A_1919 : vector<16xf32>
      %select_n3A_1922 = arith.select %lt3A_1920, %broadcast_in_dim3A_1912, %select_n3A_1875 : vector<16xi1>, vector<16xi32>
      %sub3A_1923 = vector.broadcast %squeeze3A_1907 : f32 to vector<16xf32>
      %sub3A_1924 = arith.subf %get3A_7, %sub3A_1923 : vector<16xf32>
      %sub3A_1925 = vector.broadcast %squeeze3A_1909 : f32 to vector<16xf32>
      %sub3A_1926 = arith.subf %get3A_16, %sub3A_1925 : vector<16xf32>
      %abs3A_1927 = math.absf %sub3A_1924 : vector<16xf32>
      %abs3A_1928 = math.absf %sub3A_1926 : vector<16xf32>
      %max3A_1929 = arith.maximumf %abs3A_1927, %abs3A_1928 : vector<16xf32>
      %lt3A_1930 = arith.cmpf olt, %max3A_1929, %min3A_1884 : vector<16xf32>
      %min3A_1931 = arith.minimumf %min3A_1884, %max3A_1929 : vector<16xf32>
      %select_n3A_1932 = arith.select %lt3A_1930, %broadcast_in_dim3A_1912, %select_n3A_1885 : vector<16xi1>, vector<16xi32>
      %sub3A_1933 = vector.broadcast %squeeze3A_1907 : f32 to vector<16xf32>
      %sub3A_1934 = arith.subf %get3A_10, %sub3A_1933 : vector<16xf32>
      %sub3A_1935 = vector.broadcast %squeeze3A_1909 : f32 to vector<16xf32>
      %sub3A_1936 = arith.subf %get3A_19, %sub3A_1935 : vector<16xf32>
      %abs3A_1937 = math.absf %sub3A_1934 : vector<16xf32>
      %abs3A_1938 = math.absf %sub3A_1936 : vector<16xf32>
      %max3A_1939 = arith.maximumf %abs3A_1937, %abs3A_1938 : vector<16xf32>
      %lt3A_1940 = arith.cmpf olt, %max3A_1939, %min3A_1894 : vector<16xf32>
      %min3A_1941 = arith.minimumf %min3A_1894, %max3A_1939 : vector<16xf32>
      %select_n3A_1942 = arith.select %lt3A_1940, %broadcast_in_dim3A_1912, %select_n3A_1895 : vector<16xi1>, vector<16xi32>
      %slice3A_1943 = vector.extract_strided_slice %get3A_1902 {offsets = [1], sizes = [1], strides = [1]} : vector<16xf32> to vector<1xf32>
      %squeeze3A_1944 = vector.extract %slice3A_1943[0] : f32 from vector<1xf32>
      %slice3A_1945 = vector.extract_strided_slice %get3A_1905 {offsets = [1], sizes = [1], strides = [1]} : vector<16xf32> to vector<1xf32>
      %squeeze3A_1946 = vector.extract %slice3A_1945[0] : f32 from vector<1xf32>
      %add3A_1947 = arith.constant 1 : i32
      %add3A_1948 = arith.addi %mul3A_1899, %add3A_1947 : i32
      %broadcast_in_dim3A_1949 = vector.broadcast %add3A_1948 : i32 to vector<16xi32>
      %sub3A_1950 = vector.broadcast %squeeze3A_1944 : f32 to vector<16xf32>
      %sub3A_1951 = arith.subf %get3A_4, %sub3A_1950 : vector<16xf32>
      %sub3A_1952 = vector.broadcast %squeeze3A_1946 : f32 to vector<16xf32>
      %sub3A_1953 = arith.subf %get3A_13, %sub3A_1952 : vector<16xf32>
      %abs3A_1954 = math.absf %sub3A_1951 : vector<16xf32>
      %abs3A_1955 = math.absf %sub3A_1953 : vector<16xf32>
      %max3A_1956 = arith.maximumf %abs3A_1954, %abs3A_1955 : vector<16xf32>
      %lt3A_1957 = arith.cmpf olt, %max3A_1956, %min3A_1921 : vector<16xf32>
      %min3A_1958 = arith.minimumf %min3A_1921, %max3A_1956 : vector<16xf32>
      %select_n3A_1959 = arith.select %lt3A_1957, %broadcast_in_dim3A_1949, %select_n3A_1922 : vector<16xi1>, vector<16xi32>
      %sub3A_1960 = vector.broadcast %squeeze3A_1944 : f32 to vector<16xf32>
      %sub3A_1961 = arith.subf %get3A_7, %sub3A_1960 : vector<16xf32>
      %sub3A_1962 = vector.broadcast %squeeze3A_1946 : f32 to vector<16xf32>
      %sub3A_1963 = arith.subf %get3A_16, %sub3A_1962 : vector<16xf32>
      %abs3A_1964 = math.absf %sub3A_1961 : vector<16xf32>
      %abs3A_1965 = math.absf %sub3A_1963 : vector<16xf32>
      %max3A_1966 = arith.maximumf %abs3A_1964, %abs3A_1965 : vector<16xf32>
      %lt3A_1967 = arith.cmpf olt, %max3A_1966, %min3A_1931 : vector<16xf32>
      %min3A_1968 = arith.minimumf %min3A_1931, %max3A_1966 : vector<16xf32>
      %select_n3A_1969 = arith.select %lt3A_1967, %broadcast_in_dim3A_1949, %select_n3A_1932 : vector<16xi1>, vector<16xi32>
      %sub3A_1970 = vector.broadcast %squeeze3A_1944 : f32 to vector<16xf32>
      %sub3A_1971 = arith.subf %get3A_10, %sub3A_1970 : vector<16xf32>
      %sub3A_1972 = vector.broadcast %squeeze3A_1946 : f32 to vector<16xf32>
      %sub3A_1973 = arith.subf %get3A_19, %sub3A_1972 : vector<16xf32>
      %abs3A_1974 = math.absf %sub3A_1971 : vector<16xf32>
      %abs3A_1975 = math.absf %sub3A_1973 : vector<16xf32>
      %max3A_1976 = arith.maximumf %abs3A_1974, %abs3A_1975 : vector<16xf32>
      %lt3A_1977 = arith.cmpf olt, %max3A_1976, %min3A_1941 : vector<16xf32>
      %min3A_1978 = arith.minimumf %min3A_1941, %max3A_1976 : vector<16xf32>
      %select_n3A_1979 = arith.select %lt3A_1977, %broadcast_in_dim3A_1949, %select_n3A_1942 : vector<16xi1>, vector<16xi32>
      %slice3A_1980 = vector.extract_strided_slice %get3A_1902 {offsets = [2], sizes = [1], strides = [1]} : vector<16xf32> to vector<1xf32>
      %squeeze3A_1981 = vector.extract %slice3A_1980[0] : f32 from vector<1xf32>
      %slice3A_1982 = vector.extract_strided_slice %get3A_1905 {offsets = [2], sizes = [1], strides = [1]} : vector<16xf32> to vector<1xf32>
      %squeeze3A_1983 = vector.extract %slice3A_1982[0] : f32 from vector<1xf32>
      %add3A_1984 = arith.constant 2 : i32
      %add3A_1985 = arith.addi %mul3A_1899, %add3A_1984 : i32
      %broadcast_in_dim3A_1986 = vector.broadcast %add3A_1985 : i32 to vector<16xi32>
      %sub3A_1987 = vector.broadcast %squeeze3A_1981 : f32 to vector<16xf32>
      %sub3A_1988 = arith.subf %get3A_4, %sub3A_1987 : vector<16xf32>
      %sub3A_1989 = vector.broadcast %squeeze3A_1983 : f32 to vector<16xf32>
      %sub3A_1990 = arith.subf %get3A_13, %sub3A_1989 : vector<16xf32>
      %abs3A_1991 = math.absf %sub3A_1988 : vector<16xf32>
      %abs3A_1992 = math.absf %sub3A_1990 : vector<16xf32>
      %max3A_1993 = arith.maximumf %abs3A_1991, %abs3A_1992 : vector<16xf32>
      %lt3A_1994 = arith.cmpf olt, %max3A_1993, %min3A_1958 : vector<16xf32>
      %min3A_1995 = arith.minimumf %min3A_1958, %max3A_1993 : vector<16xf32>
      %select_n3A_1996 = arith.select %lt3A_1994, %broadcast_in_dim3A_1986, %select_n3A_1959 : vector<16xi1>, vector<16xi32>
      %sub3A_1997 = vector.broadcast %squeeze3A_1981 : f32 to vector<16xf32>
      %sub3A_1998 = arith.subf %get3A_7, %sub3A_1997 : vector<16xf32>
      %sub3A_1999 = vector.broadcast %squeeze3A_1983 : f32 to vector<16xf32>
      %sub3A_2000 = arith.subf %get3A_16, %sub3A_1999 : vector<16xf32>
      %abs3A_2001 = math.absf %sub3A_1998 : vector<16xf32>
      %abs3A_2002 = math.absf %sub3A_2000 : vector<16xf32>
      %max3A_2003 = arith.maximumf %abs3A_2001, %abs3A_2002 : vector<16xf32>
      %lt3A_2004 = arith.cmpf olt, %max3A_2003, %min3A_1968 : vector<16xf32>
      %min3A_2005 = arith.minimumf %min3A_1968, %max3A_2003 : vector<16xf32>
      %select_n3A_2006 = arith.select %lt3A_2004, %broadcast_in_dim3A_1986, %select_n3A_1969 : vector<16xi1>, vector<16xi32>
      %sub3A_2007 = vector.broadcast %squeeze3A_1981 : f32 to vector<16xf32>
      %sub3A_2008 = arith.subf %get3A_10, %sub3A_2007 : vector<16xf32>
      %sub3A_2009 = vector.broadcast %squeeze3A_1983 : f32 to vector<16xf32>
      %sub3A_2010 = arith.subf %get3A_19, %sub3A_2009 : vector<16xf32>
      %abs3A_2011 = math.absf %sub3A_2008 : vector<16xf32>
      %abs3A_2012 = math.absf %sub3A_2010 : vector<16xf32>
      %max3A_2013 = arith.maximumf %abs3A_2011, %abs3A_2012 : vector<16xf32>
      %lt3A_2014 = arith.cmpf olt, %max3A_2013, %min3A_1978 : vector<16xf32>
      %min3A_2015 = arith.minimumf %min3A_1978, %max3A_2013 : vector<16xf32>
      %select_n3A_2016 = arith.select %lt3A_2014, %broadcast_in_dim3A_1986, %select_n3A_1979 : vector<16xi1>, vector<16xi32>
      %slice3A_2017 = vector.extract_strided_slice %get3A_1902 {offsets = [3], sizes = [1], strides = [1]} : vector<16xf32> to vector<1xf32>
      %squeeze3A_2018 = vector.extract %slice3A_2017[0] : f32 from vector<1xf32>
      %slice3A_2019 = vector.extract_strided_slice %get3A_1905 {offsets = [3], sizes = [1], strides = [1]} : vector<16xf32> to vector<1xf32>
      %squeeze3A_2020 = vector.extract %slice3A_2019[0] : f32 from vector<1xf32>
      %add3A_2021 = arith.constant 3 : i32
      %add3A_2022 = arith.addi %mul3A_1899, %add3A_2021 : i32
      %broadcast_in_dim3A_2023 = vector.broadcast %add3A_2022 : i32 to vector<16xi32>
      %sub3A_2024 = vector.broadcast %squeeze3A_2018 : f32 to vector<16xf32>
      %sub3A_2025 = arith.subf %get3A_4, %sub3A_2024 : vector<16xf32>
      %sub3A_2026 = vector.broadcast %squeeze3A_2020 : f32 to vector<16xf32>
      %sub3A_2027 = arith.subf %get3A_13, %sub3A_2026 : vector<16xf32>
      %abs3A_2028 = math.absf %sub3A_2025 : vector<16xf32>
      %abs3A_2029 = math.absf %sub3A_2027 : vector<16xf32>
      %max3A_2030 = arith.maximumf %abs3A_2028, %abs3A_2029 : vector<16xf32>
      %lt3A_2031 = arith.cmpf olt, %max3A_2030, %min3A_1995 : vector<16xf32>
      %min3A_2032 = arith.minimumf %min3A_1995, %max3A_2030 : vector<16xf32>
      %select_n3A_2033 = arith.select %lt3A_2031, %broadcast_in_dim3A_2023, %select_n3A_1996 : vector<16xi1>, vector<16xi32>
      %sub3A_2034 = vector.broadcast %squeeze3A_2018 : f32 to vector<16xf32>
      %sub3A_2035 = arith.subf %get3A_7, %sub3A_2034 : vector<16xf32>
      %sub3A_2036 = vector.broadcast %squeeze3A_2020 : f32 to vector<16xf32>
      %sub3A_2037 = arith.subf %get3A_16, %sub3A_2036 : vector<16xf32>
      %abs3A_2038 = math.absf %sub3A_2035 : vector<16xf32>
      %abs3A_2039 = math.absf %sub3A_2037 : vector<16xf32>
      %max3A_2040 = arith.maximumf %abs3A_2038, %abs3A_2039 : vector<16xf32>
      %lt3A_2041 = arith.cmpf olt, %max3A_2040, %min3A_2005 : vector<16xf32>
      %min3A_2042 = arith.minimumf %min3A_2005, %max3A_2040 : vector<16xf32>
      %select_n3A_2043 = arith.select %lt3A_2041, %broadcast_in_dim3A_2023, %select_n3A_2006 : vector<16xi1>, vector<16xi32>
      %sub3A_2044 = vector.broadcast %squeeze3A_2018 : f32 to vector<16xf32>
      %sub3A_2045 = arith.subf %get3A_10, %sub3A_2044 : vector<16xf32>
      %sub3A_2046 = vector.broadcast %squeeze3A_2020 : f32 to vector<16xf32>
      %sub3A_2047 = arith.subf %get3A_19, %sub3A_2046 : vector<16xf32>
      %abs3A_2048 = math.absf %sub3A_2045 : vector<16xf32>
      %abs3A_2049 = math.absf %sub3A_2047 : vector<16xf32>
      %max3A_2050 = arith.maximumf %abs3A_2048, %abs3A_2049 : vector<16xf32>
      %lt3A_2051 = arith.cmpf olt, %max3A_2050, %min3A_2015 : vector<16xf32>
      %min3A_2052 = arith.minimumf %min3A_2015, %max3A_2050 : vector<16xf32>
      %select_n3A_2053 = arith.select %lt3A_2051, %broadcast_in_dim3A_2023, %select_n3A_2016 : vector<16xi1>, vector<16xi32>
      %slice3A_2054 = vector.extract_strided_slice %get3A_1902 {offsets = [4], sizes = [1], strides = [1]} : vector<16xf32> to vector<1xf32>
      %squeeze3A_2055 = vector.extract %slice3A_2054[0] : f32 from vector<1xf32>
      %slice3A_2056 = vector.extract_strided_slice %get3A_1905 {offsets = [4], sizes = [1], strides = [1]} : vector<16xf32> to vector<1xf32>
      %squeeze3A_2057 = vector.extract %slice3A_2056[0] : f32 from vector<1xf32>
      %add3A_2058 = arith.constant 4 : i32
      %add3A_2059 = arith.addi %mul3A_1899, %add3A_2058 : i32
      %broadcast_in_dim3A_2060 = vector.broadcast %add3A_2059 : i32 to vector<16xi32>
      %sub3A_2061 = vector.broadcast %squeeze3A_2055 : f32 to vector<16xf32>
      %sub3A_2062 = arith.subf %get3A_4, %sub3A_2061 : vector<16xf32>
      %sub3A_2063 = vector.broadcast %squeeze3A_2057 : f32 to vector<16xf32>
      %sub3A_2064 = arith.subf %get3A_13, %sub3A_2063 : vector<16xf32>
      %abs3A_2065 = math.absf %sub3A_2062 : vector<16xf32>
      %abs3A_2066 = math.absf %sub3A_2064 : vector<16xf32>
      %max3A_2067 = arith.maximumf %abs3A_2065, %abs3A_2066 : vector<16xf32>
      %lt3A_2068 = arith.cmpf olt, %max3A_2067, %min3A_2032 : vector<16xf32>
      %min3A_2069 = arith.minimumf %min3A_2032, %max3A_2067 : vector<16xf32>
      %select_n3A_2070 = arith.select %lt3A_2068, %broadcast_in_dim3A_2060, %select_n3A_2033 : vector<16xi1>, vector<16xi32>
      %sub3A_2071 = vector.broadcast %squeeze3A_2055 : f32 to vector<16xf32>
      %sub3A_2072 = arith.subf %get3A_7, %sub3A_2071 : vector<16xf32>
      %sub3A_2073 = vector.broadcast %squeeze3A_2057 : f32 to vector<16xf32>
      %sub3A_2074 = arith.subf %get3A_16, %sub3A_2073 : vector<16xf32>
      %abs3A_2075 = math.absf %sub3A_2072 : vector<16xf32>
      %abs3A_2076 = math.absf %sub3A_2074 : vector<16xf32>
      %max3A_2077 = arith.maximumf %abs3A_2075, %abs3A_2076 : vector<16xf32>
      %lt3A_2078 = arith.cmpf olt, %max3A_2077, %min3A_2042 : vector<16xf32>
      %min3A_2079 = arith.minimumf %min3A_2042, %max3A_2077 : vector<16xf32>
      %select_n3A_2080 = arith.select %lt3A_2078, %broadcast_in_dim3A_2060, %select_n3A_2043 : vector<16xi1>, vector<16xi32>
      %sub3A_2081 = vector.broadcast %squeeze3A_2055 : f32 to vector<16xf32>
      %sub3A_2082 = arith.subf %get3A_10, %sub3A_2081 : vector<16xf32>
      %sub3A_2083 = vector.broadcast %squeeze3A_2057 : f32 to vector<16xf32>
      %sub3A_2084 = arith.subf %get3A_19, %sub3A_2083 : vector<16xf32>
      %abs3A_2085 = math.absf %sub3A_2082 : vector<16xf32>
      %abs3A_2086 = math.absf %sub3A_2084 : vector<16xf32>
      %max3A_2087 = arith.maximumf %abs3A_2085, %abs3A_2086 : vector<16xf32>
      %lt3A_2088 = arith.cmpf olt, %max3A_2087, %min3A_2052 : vector<16xf32>
      %min3A_2089 = arith.minimumf %min3A_2052, %max3A_2087 : vector<16xf32>
      %select_n3A_2090 = arith.select %lt3A_2088, %broadcast_in_dim3A_2060, %select_n3A_2053 : vector<16xi1>, vector<16xi32>
      %slice3A_2091 = vector.extract_strided_slice %get3A_1902 {offsets = [5], sizes = [1], strides = [1]} : vector<16xf32> to vector<1xf32>
      %squeeze3A_2092 = vector.extract %slice3A_2091[0] : f32 from vector<1xf32>
      %slice3A_2093 = vector.extract_strided_slice %get3A_1905 {offsets = [5], sizes = [1], strides = [1]} : vector<16xf32> to vector<1xf32>
      %squeeze3A_2094 = vector.extract %slice3A_2093[0] : f32 from vector<1xf32>
      %add3A_2095 = arith.constant 5 : i32
      %add3A_2096 = arith.addi %mul3A_1899, %add3A_2095 : i32
      %broadcast_in_dim3A_2097 = vector.broadcast %add3A_2096 : i32 to vector<16xi32>
      %sub3A_2098 = vector.broadcast %squeeze3A_2092 : f32 to vector<16xf32>
      %sub3A_2099 = arith.subf %get3A_4, %sub3A_2098 : vector<16xf32>
      %sub3A_2100 = vector.broadcast %squeeze3A_2094 : f32 to vector<16xf32>
      %sub3A_2101 = arith.subf %get3A_13, %sub3A_2100 : vector<16xf32>
      %abs3A_2102 = math.absf %sub3A_2099 : vector<16xf32>
      %abs3A_2103 = math.absf %sub3A_2101 : vector<16xf32>
      %max3A_2104 = arith.maximumf %abs3A_2102, %abs3A_2103 : vector<16xf32>
      %lt3A_2105 = arith.cmpf olt, %max3A_2104, %min3A_2069 : vector<16xf32>
      %min3A_2106 = arith.minimumf %min3A_2069, %max3A_2104 : vector<16xf32>
      %select_n3A_2107 = arith.select %lt3A_2105, %broadcast_in_dim3A_2097, %select_n3A_2070 : vector<16xi1>, vector<16xi32>
      %sub3A_2108 = vector.broadcast %squeeze3A_2092 : f32 to vector<16xf32>
      %sub3A_2109 = arith.subf %get3A_7, %sub3A_2108 : vector<16xf32>
      %sub3A_2110 = vector.broadcast %squeeze3A_2094 : f32 to vector<16xf32>
      %sub3A_2111 = arith.subf %get3A_16, %sub3A_2110 : vector<16xf32>
      %abs3A_2112 = math.absf %sub3A_2109 : vector<16xf32>
      %abs3A_2113 = math.absf %sub3A_2111 : vector<16xf32>
      %max3A_2114 = arith.maximumf %abs3A_2112, %abs3A_2113 : vector<16xf32>
      %lt3A_2115 = arith.cmpf olt, %max3A_2114, %min3A_2079 : vector<16xf32>
      %min3A_2116 = arith.minimumf %min3A_2079, %max3A_2114 : vector<16xf32>
      %select_n3A_2117 = arith.select %lt3A_2115, %broadcast_in_dim3A_2097, %select_n3A_2080 : vector<16xi1>, vector<16xi32>
      %sub3A_2118 = vector.broadcast %squeeze3A_2092 : f32 to vector<16xf32>
      %sub3A_2119 = arith.subf %get3A_10, %sub3A_2118 : vector<16xf32>
      %sub3A_2120 = vector.broadcast %squeeze3A_2094 : f32 to vector<16xf32>
      %sub3A_2121 = arith.subf %get3A_19, %sub3A_2120 : vector<16xf32>
      %abs3A_2122 = math.absf %sub3A_2119 : vector<16xf32>
      %abs3A_2123 = math.absf %sub3A_2121 : vector<16xf32>
      %max3A_2124 = arith.maximumf %abs3A_2122, %abs3A_2123 : vector<16xf32>
      %lt3A_2125 = arith.cmpf olt, %max3A_2124, %min3A_2089 : vector<16xf32>
      %min3A_2126 = arith.minimumf %min3A_2089, %max3A_2124 : vector<16xf32>
      %select_n3A_2127 = arith.select %lt3A_2125, %broadcast_in_dim3A_2097, %select_n3A_2090 : vector<16xi1>, vector<16xi32>
      %slice3A_2128 = vector.extract_strided_slice %get3A_1902 {offsets = [6], sizes = [1], strides = [1]} : vector<16xf32> to vector<1xf32>
      %squeeze3A_2129 = vector.extract %slice3A_2128[0] : f32 from vector<1xf32>
      %slice3A_2130 = vector.extract_strided_slice %get3A_1905 {offsets = [6], sizes = [1], strides = [1]} : vector<16xf32> to vector<1xf32>
      %squeeze3A_2131 = vector.extract %slice3A_2130[0] : f32 from vector<1xf32>
      %add3A_2132 = arith.constant 6 : i32
      %add3A_2133 = arith.addi %mul3A_1899, %add3A_2132 : i32
      %broadcast_in_dim3A_2134 = vector.broadcast %add3A_2133 : i32 to vector<16xi32>
      %sub3A_2135 = vector.broadcast %squeeze3A_2129 : f32 to vector<16xf32>
      %sub3A_2136 = arith.subf %get3A_4, %sub3A_2135 : vector<16xf32>
      %sub3A_2137 = vector.broadcast %squeeze3A_2131 : f32 to vector<16xf32>
      %sub3A_2138 = arith.subf %get3A_13, %sub3A_2137 : vector<16xf32>
      %abs3A_2139 = math.absf %sub3A_2136 : vector<16xf32>
      %abs3A_2140 = math.absf %sub3A_2138 : vector<16xf32>
      %max3A_2141 = arith.maximumf %abs3A_2139, %abs3A_2140 : vector<16xf32>
      %lt3A_2142 = arith.cmpf olt, %max3A_2141, %min3A_2106 : vector<16xf32>
      %min3A_2143 = arith.minimumf %min3A_2106, %max3A_2141 : vector<16xf32>
      %select_n3A_2144 = arith.select %lt3A_2142, %broadcast_in_dim3A_2134, %select_n3A_2107 : vector<16xi1>, vector<16xi32>
      %sub3A_2145 = vector.broadcast %squeeze3A_2129 : f32 to vector<16xf32>
      %sub3A_2146 = arith.subf %get3A_7, %sub3A_2145 : vector<16xf32>
      %sub3A_2147 = vector.broadcast %squeeze3A_2131 : f32 to vector<16xf32>
      %sub3A_2148 = arith.subf %get3A_16, %sub3A_2147 : vector<16xf32>
      %abs3A_2149 = math.absf %sub3A_2146 : vector<16xf32>
      %abs3A_2150 = math.absf %sub3A_2148 : vector<16xf32>
      %max3A_2151 = arith.maximumf %abs3A_2149, %abs3A_2150 : vector<16xf32>
      %lt3A_2152 = arith.cmpf olt, %max3A_2151, %min3A_2116 : vector<16xf32>
      %min3A_2153 = arith.minimumf %min3A_2116, %max3A_2151 : vector<16xf32>
      %select_n3A_2154 = arith.select %lt3A_2152, %broadcast_in_dim3A_2134, %select_n3A_2117 : vector<16xi1>, vector<16xi32>
      %sub3A_2155 = vector.broadcast %squeeze3A_2129 : f32 to vector<16xf32>
      %sub3A_2156 = arith.subf %get3A_10, %sub3A_2155 : vector<16xf32>
      %sub3A_2157 = vector.broadcast %squeeze3A_2131 : f32 to vector<16xf32>
      %sub3A_2158 = arith.subf %get3A_19, %sub3A_2157 : vector<16xf32>
      %abs3A_2159 = math.absf %sub3A_2156 : vector<16xf32>
      %abs3A_2160 = math.absf %sub3A_2158 : vector<16xf32>
      %max3A_2161 = arith.maximumf %abs3A_2159, %abs3A_2160 : vector<16xf32>
      %lt3A_2162 = arith.cmpf olt, %max3A_2161, %min3A_2126 : vector<16xf32>
      %min3A_2163 = arith.minimumf %min3A_2126, %max3A_2161 : vector<16xf32>
      %select_n3A_2164 = arith.select %lt3A_2162, %broadcast_in_dim3A_2134, %select_n3A_2127 : vector<16xi1>, vector<16xi32>
      %slice3A_2165 = vector.extract_strided_slice %get3A_1902 {offsets = [7], sizes = [1], strides = [1]} : vector<16xf32> to vector<1xf32>
      %squeeze3A_2166 = vector.extract %slice3A_2165[0] : f32 from vector<1xf32>
      %slice3A_2167 = vector.extract_strided_slice %get3A_1905 {offsets = [7], sizes = [1], strides = [1]} : vector<16xf32> to vector<1xf32>
      %squeeze3A_2168 = vector.extract %slice3A_2167[0] : f32 from vector<1xf32>
      %add3A_2169 = arith.constant 7 : i32
      %add3A_2170 = arith.addi %mul3A_1899, %add3A_2169 : i32
      %broadcast_in_dim3A_2171 = vector.broadcast %add3A_2170 : i32 to vector<16xi32>
      %sub3A_2172 = vector.broadcast %squeeze3A_2166 : f32 to vector<16xf32>
      %sub3A_2173 = arith.subf %get3A_4, %sub3A_2172 : vector<16xf32>
      %sub3A_2174 = vector.broadcast %squeeze3A_2168 : f32 to vector<16xf32>
      %sub3A_2175 = arith.subf %get3A_13, %sub3A_2174 : vector<16xf32>
      %abs3A_2176 = math.absf %sub3A_2173 : vector<16xf32>
      %abs3A_2177 = math.absf %sub3A_2175 : vector<16xf32>
      %max3A_2178 = arith.maximumf %abs3A_2176, %abs3A_2177 : vector<16xf32>
      %lt3A_2179 = arith.cmpf olt, %max3A_2178, %min3A_2143 : vector<16xf32>
      %min3A_2180 = arith.minimumf %min3A_2143, %max3A_2178 : vector<16xf32>
      %select_n3A_2181 = arith.select %lt3A_2179, %broadcast_in_dim3A_2171, %select_n3A_2144 : vector<16xi1>, vector<16xi32>
      %sub3A_2182 = vector.broadcast %squeeze3A_2166 : f32 to vector<16xf32>
      %sub3A_2183 = arith.subf %get3A_7, %sub3A_2182 : vector<16xf32>
      %sub3A_2184 = vector.broadcast %squeeze3A_2168 : f32 to vector<16xf32>
      %sub3A_2185 = arith.subf %get3A_16, %sub3A_2184 : vector<16xf32>
      %abs3A_2186 = math.absf %sub3A_2183 : vector<16xf32>
      %abs3A_2187 = math.absf %sub3A_2185 : vector<16xf32>
      %max3A_2188 = arith.maximumf %abs3A_2186, %abs3A_2187 : vector<16xf32>
      %lt3A_2189 = arith.cmpf olt, %max3A_2188, %min3A_2153 : vector<16xf32>
      %min3A_2190 = arith.minimumf %min3A_2153, %max3A_2188 : vector<16xf32>
      %select_n3A_2191 = arith.select %lt3A_2189, %broadcast_in_dim3A_2171, %select_n3A_2154 : vector<16xi1>, vector<16xi32>
      %sub3A_2192 = vector.broadcast %squeeze3A_2166 : f32 to vector<16xf32>
      %sub3A_2193 = arith.subf %get3A_10, %sub3A_2192 : vector<16xf32>
      %sub3A_2194 = vector.broadcast %squeeze3A_2168 : f32 to vector<16xf32>
      %sub3A_2195 = arith.subf %get3A_19, %sub3A_2194 : vector<16xf32>
      %abs3A_2196 = math.absf %sub3A_2193 : vector<16xf32>
      %abs3A_2197 = math.absf %sub3A_2195 : vector<16xf32>
      %max3A_2198 = arith.maximumf %abs3A_2196, %abs3A_2197 : vector<16xf32>
      %lt3A_2199 = arith.cmpf olt, %max3A_2198, %min3A_2163 : vector<16xf32>
      %min3A_2200 = arith.minimumf %min3A_2163, %max3A_2198 : vector<16xf32>
      %select_n3A_2201 = arith.select %lt3A_2199, %broadcast_in_dim3A_2171, %select_n3A_2164 : vector<16xi1>, vector<16xi32>
      %slice3A_2202 = vector.extract_strided_slice %get3A_1902 {offsets = [8], sizes = [1], strides = [1]} : vector<16xf32> to vector<1xf32>
      %squeeze3A_2203 = vector.extract %slice3A_2202[0] : f32 from vector<1xf32>
      %slice3A_2204 = vector.extract_strided_slice %get3A_1905 {offsets = [8], sizes = [1], strides = [1]} : vector<16xf32> to vector<1xf32>
      %squeeze3A_2205 = vector.extract %slice3A_2204[0] : f32 from vector<1xf32>
      %add3A_2206 = arith.constant 8 : i32
      %add3A_2207 = arith.addi %mul3A_1899, %add3A_2206 : i32
      %broadcast_in_dim3A_2208 = vector.broadcast %add3A_2207 : i32 to vector<16xi32>
      %sub3A_2209 = vector.broadcast %squeeze3A_2203 : f32 to vector<16xf32>
      %sub3A_2210 = arith.subf %get3A_4, %sub3A_2209 : vector<16xf32>
      %sub3A_2211 = vector.broadcast %squeeze3A_2205 : f32 to vector<16xf32>
      %sub3A_2212 = arith.subf %get3A_13, %sub3A_2211 : vector<16xf32>
      %abs3A_2213 = math.absf %sub3A_2210 : vector<16xf32>
      %abs3A_2214 = math.absf %sub3A_2212 : vector<16xf32>
      %max3A_2215 = arith.maximumf %abs3A_2213, %abs3A_2214 : vector<16xf32>
      %lt3A_2216 = arith.cmpf olt, %max3A_2215, %min3A_2180 : vector<16xf32>
      %min3A_2217 = arith.minimumf %min3A_2180, %max3A_2215 : vector<16xf32>
      %select_n3A_2218 = arith.select %lt3A_2216, %broadcast_in_dim3A_2208, %select_n3A_2181 : vector<16xi1>, vector<16xi32>
      %sub3A_2219 = vector.broadcast %squeeze3A_2203 : f32 to vector<16xf32>
      %sub3A_2220 = arith.subf %get3A_7, %sub3A_2219 : vector<16xf32>
      %sub3A_2221 = vector.broadcast %squeeze3A_2205 : f32 to vector<16xf32>
      %sub3A_2222 = arith.subf %get3A_16, %sub3A_2221 : vector<16xf32>
      %abs3A_2223 = math.absf %sub3A_2220 : vector<16xf32>
      %abs3A_2224 = math.absf %sub3A_2222 : vector<16xf32>
      %max3A_2225 = arith.maximumf %abs3A_2223, %abs3A_2224 : vector<16xf32>
      %lt3A_2226 = arith.cmpf olt, %max3A_2225, %min3A_2190 : vector<16xf32>
      %min3A_2227 = arith.minimumf %min3A_2190, %max3A_2225 : vector<16xf32>
      %select_n3A_2228 = arith.select %lt3A_2226, %broadcast_in_dim3A_2208, %select_n3A_2191 : vector<16xi1>, vector<16xi32>
      %sub3A_2229 = vector.broadcast %squeeze3A_2203 : f32 to vector<16xf32>
      %sub3A_2230 = arith.subf %get3A_10, %sub3A_2229 : vector<16xf32>
      %sub3A_2231 = vector.broadcast %squeeze3A_2205 : f32 to vector<16xf32>
      %sub3A_2232 = arith.subf %get3A_19, %sub3A_2231 : vector<16xf32>
      %abs3A_2233 = math.absf %sub3A_2230 : vector<16xf32>
      %abs3A_2234 = math.absf %sub3A_2232 : vector<16xf32>
      %max3A_2235 = arith.maximumf %abs3A_2233, %abs3A_2234 : vector<16xf32>
      %lt3A_2236 = arith.cmpf olt, %max3A_2235, %min3A_2200 : vector<16xf32>
      %min3A_2237 = arith.minimumf %min3A_2200, %max3A_2235 : vector<16xf32>
      %select_n3A_2238 = arith.select %lt3A_2236, %broadcast_in_dim3A_2208, %select_n3A_2201 : vector<16xi1>, vector<16xi32>
      %slice3A_2239 = vector.extract_strided_slice %get3A_1902 {offsets = [9], sizes = [1], strides = [1]} : vector<16xf32> to vector<1xf32>
      %squeeze3A_2240 = vector.extract %slice3A_2239[0] : f32 from vector<1xf32>
      %slice3A_2241 = vector.extract_strided_slice %get3A_1905 {offsets = [9], sizes = [1], strides = [1]} : vector<16xf32> to vector<1xf32>
      %squeeze3A_2242 = vector.extract %slice3A_2241[0] : f32 from vector<1xf32>
      %add3A_2243 = arith.constant 9 : i32
      %add3A_2244 = arith.addi %mul3A_1899, %add3A_2243 : i32
      %broadcast_in_dim3A_2245 = vector.broadcast %add3A_2244 : i32 to vector<16xi32>
      %sub3A_2246 = vector.broadcast %squeeze3A_2240 : f32 to vector<16xf32>
      %sub3A_2247 = arith.subf %get3A_4, %sub3A_2246 : vector<16xf32>
      %sub3A_2248 = vector.broadcast %squeeze3A_2242 : f32 to vector<16xf32>
      %sub3A_2249 = arith.subf %get3A_13, %sub3A_2248 : vector<16xf32>
      %abs3A_2250 = math.absf %sub3A_2247 : vector<16xf32>
      %abs3A_2251 = math.absf %sub3A_2249 : vector<16xf32>
      %max3A_2252 = arith.maximumf %abs3A_2250, %abs3A_2251 : vector<16xf32>
      %lt3A_2253 = arith.cmpf olt, %max3A_2252, %min3A_2217 : vector<16xf32>
      %min3A_2254 = arith.minimumf %min3A_2217, %max3A_2252 : vector<16xf32>
      %select_n3A_2255 = arith.select %lt3A_2253, %broadcast_in_dim3A_2245, %select_n3A_2218 : vector<16xi1>, vector<16xi32>
      %sub3A_2256 = vector.broadcast %squeeze3A_2240 : f32 to vector<16xf32>
      %sub3A_2257 = arith.subf %get3A_7, %sub3A_2256 : vector<16xf32>
      %sub3A_2258 = vector.broadcast %squeeze3A_2242 : f32 to vector<16xf32>
      %sub3A_2259 = arith.subf %get3A_16, %sub3A_2258 : vector<16xf32>
      %abs3A_2260 = math.absf %sub3A_2257 : vector<16xf32>
      %abs3A_2261 = math.absf %sub3A_2259 : vector<16xf32>
      %max3A_2262 = arith.maximumf %abs3A_2260, %abs3A_2261 : vector<16xf32>
      %lt3A_2263 = arith.cmpf olt, %max3A_2262, %min3A_2227 : vector<16xf32>
      %min3A_2264 = arith.minimumf %min3A_2227, %max3A_2262 : vector<16xf32>
      %select_n3A_2265 = arith.select %lt3A_2263, %broadcast_in_dim3A_2245, %select_n3A_2228 : vector<16xi1>, vector<16xi32>
      %sub3A_2266 = vector.broadcast %squeeze3A_2240 : f32 to vector<16xf32>
      %sub3A_2267 = arith.subf %get3A_10, %sub3A_2266 : vector<16xf32>
      %sub3A_2268 = vector.broadcast %squeeze3A_2242 : f32 to vector<16xf32>
      %sub3A_2269 = arith.subf %get3A_19, %sub3A_2268 : vector<16xf32>
      %abs3A_2270 = math.absf %sub3A_2267 : vector<16xf32>
      %abs3A_2271 = math.absf %sub3A_2269 : vector<16xf32>
      %max3A_2272 = arith.maximumf %abs3A_2270, %abs3A_2271 : vector<16xf32>
      %lt3A_2273 = arith.cmpf olt, %max3A_2272, %min3A_2237 : vector<16xf32>
      %min3A_2274 = arith.minimumf %min3A_2237, %max3A_2272 : vector<16xf32>
      %select_n3A_2275 = arith.select %lt3A_2273, %broadcast_in_dim3A_2245, %select_n3A_2238 : vector<16xi1>, vector<16xi32>
      %slice3A_2276 = vector.extract_strided_slice %get3A_1902 {offsets = [10], sizes = [1], strides = [1]} : vector<16xf32> to vector<1xf32>
      %squeeze3A_2277 = vector.extract %slice3A_2276[0] : f32 from vector<1xf32>
      %slice3A_2278 = vector.extract_strided_slice %get3A_1905 {offsets = [10], sizes = [1], strides = [1]} : vector<16xf32> to vector<1xf32>
      %squeeze3A_2279 = vector.extract %slice3A_2278[0] : f32 from vector<1xf32>
      %add3A_2280 = arith.constant 10 : i32
      %add3A_2281 = arith.addi %mul3A_1899, %add3A_2280 : i32
      %broadcast_in_dim3A_2282 = vector.broadcast %add3A_2281 : i32 to vector<16xi32>
      %sub3A_2283 = vector.broadcast %squeeze3A_2277 : f32 to vector<16xf32>
      %sub3A_2284 = arith.subf %get3A_4, %sub3A_2283 : vector<16xf32>
      %sub3A_2285 = vector.broadcast %squeeze3A_2279 : f32 to vector<16xf32>
      %sub3A_2286 = arith.subf %get3A_13, %sub3A_2285 : vector<16xf32>
      %abs3A_2287 = math.absf %sub3A_2284 : vector<16xf32>
      %abs3A_2288 = math.absf %sub3A_2286 : vector<16xf32>
      %max3A_2289 = arith.maximumf %abs3A_2287, %abs3A_2288 : vector<16xf32>
      %lt3A_2290 = arith.cmpf olt, %max3A_2289, %min3A_2254 : vector<16xf32>
      %min3A_2291 = arith.minimumf %min3A_2254, %max3A_2289 : vector<16xf32>
      %select_n3A_2292 = arith.select %lt3A_2290, %broadcast_in_dim3A_2282, %select_n3A_2255 : vector<16xi1>, vector<16xi32>
      %sub3A_2293 = vector.broadcast %squeeze3A_2277 : f32 to vector<16xf32>
      %sub3A_2294 = arith.subf %get3A_7, %sub3A_2293 : vector<16xf32>
      %sub3A_2295 = vector.broadcast %squeeze3A_2279 : f32 to vector<16xf32>
      %sub3A_2296 = arith.subf %get3A_16, %sub3A_2295 : vector<16xf32>
      %abs3A_2297 = math.absf %sub3A_2294 : vector<16xf32>
      %abs3A_2298 = math.absf %sub3A_2296 : vector<16xf32>
      %max3A_2299 = arith.maximumf %abs3A_2297, %abs3A_2298 : vector<16xf32>
      %lt3A_2300 = arith.cmpf olt, %max3A_2299, %min3A_2264 : vector<16xf32>
      %min3A_2301 = arith.minimumf %min3A_2264, %max3A_2299 : vector<16xf32>
      %select_n3A_2302 = arith.select %lt3A_2300, %broadcast_in_dim3A_2282, %select_n3A_2265 : vector<16xi1>, vector<16xi32>
      %sub3A_2303 = vector.broadcast %squeeze3A_2277 : f32 to vector<16xf32>
      %sub3A_2304 = arith.subf %get3A_10, %sub3A_2303 : vector<16xf32>
      %sub3A_2305 = vector.broadcast %squeeze3A_2279 : f32 to vector<16xf32>
      %sub3A_2306 = arith.subf %get3A_19, %sub3A_2305 : vector<16xf32>
      %abs3A_2307 = math.absf %sub3A_2304 : vector<16xf32>
      %abs3A_2308 = math.absf %sub3A_2306 : vector<16xf32>
      %max3A_2309 = arith.maximumf %abs3A_2307, %abs3A_2308 : vector<16xf32>
      %lt3A_2310 = arith.cmpf olt, %max3A_2309, %min3A_2274 : vector<16xf32>
      %min3A_2311 = arith.minimumf %min3A_2274, %max3A_2309 : vector<16xf32>
      %select_n3A_2312 = arith.select %lt3A_2310, %broadcast_in_dim3A_2282, %select_n3A_2275 : vector<16xi1>, vector<16xi32>
      %slice3A_2313 = vector.extract_strided_slice %get3A_1902 {offsets = [11], sizes = [1], strides = [1]} : vector<16xf32> to vector<1xf32>
      %squeeze3A_2314 = vector.extract %slice3A_2313[0] : f32 from vector<1xf32>
      %slice3A_2315 = vector.extract_strided_slice %get3A_1905 {offsets = [11], sizes = [1], strides = [1]} : vector<16xf32> to vector<1xf32>
      %squeeze3A_2316 = vector.extract %slice3A_2315[0] : f32 from vector<1xf32>
      %add3A_2317 = arith.constant 11 : i32
      %add3A_2318 = arith.addi %mul3A_1899, %add3A_2317 : i32
      %broadcast_in_dim3A_2319 = vector.broadcast %add3A_2318 : i32 to vector<16xi32>
      %sub3A_2320 = vector.broadcast %squeeze3A_2314 : f32 to vector<16xf32>
      %sub3A_2321 = arith.subf %get3A_4, %sub3A_2320 : vector<16xf32>
      %sub3A_2322 = vector.broadcast %squeeze3A_2316 : f32 to vector<16xf32>
      %sub3A_2323 = arith.subf %get3A_13, %sub3A_2322 : vector<16xf32>
      %abs3A_2324 = math.absf %sub3A_2321 : vector<16xf32>
      %abs3A_2325 = math.absf %sub3A_2323 : vector<16xf32>
      %max3A_2326 = arith.maximumf %abs3A_2324, %abs3A_2325 : vector<16xf32>
      %lt3A_2327 = arith.cmpf olt, %max3A_2326, %min3A_2291 : vector<16xf32>
      %min3A_2328 = arith.minimumf %min3A_2291, %max3A_2326 : vector<16xf32>
      %select_n3A_2329 = arith.select %lt3A_2327, %broadcast_in_dim3A_2319, %select_n3A_2292 : vector<16xi1>, vector<16xi32>
      %sub3A_2330 = vector.broadcast %squeeze3A_2314 : f32 to vector<16xf32>
      %sub3A_2331 = arith.subf %get3A_7, %sub3A_2330 : vector<16xf32>
      %sub3A_2332 = vector.broadcast %squeeze3A_2316 : f32 to vector<16xf32>
      %sub3A_2333 = arith.subf %get3A_16, %sub3A_2332 : vector<16xf32>
      %abs3A_2334 = math.absf %sub3A_2331 : vector<16xf32>
      %abs3A_2335 = math.absf %sub3A_2333 : vector<16xf32>
      %max3A_2336 = arith.maximumf %abs3A_2334, %abs3A_2335 : vector<16xf32>
      %lt3A_2337 = arith.cmpf olt, %max3A_2336, %min3A_2301 : vector<16xf32>
      %min3A_2338 = arith.minimumf %min3A_2301, %max3A_2336 : vector<16xf32>
      %select_n3A_2339 = arith.select %lt3A_2337, %broadcast_in_dim3A_2319, %select_n3A_2302 : vector<16xi1>, vector<16xi32>
      %sub3A_2340 = vector.broadcast %squeeze3A_2314 : f32 to vector<16xf32>
      %sub3A_2341 = arith.subf %get3A_10, %sub3A_2340 : vector<16xf32>
      %sub3A_2342 = vector.broadcast %squeeze3A_2316 : f32 to vector<16xf32>
      %sub3A_2343 = arith.subf %get3A_19, %sub3A_2342 : vector<16xf32>
      %abs3A_2344 = math.absf %sub3A_2341 : vector<16xf32>
      %abs3A_2345 = math.absf %sub3A_2343 : vector<16xf32>
      %max3A_2346 = arith.maximumf %abs3A_2344, %abs3A_2345 : vector<16xf32>
      %lt3A_2347 = arith.cmpf olt, %max3A_2346, %min3A_2311 : vector<16xf32>
      %min3A_2348 = arith.minimumf %min3A_2311, %max3A_2346 : vector<16xf32>
      %select_n3A_2349 = arith.select %lt3A_2347, %broadcast_in_dim3A_2319, %select_n3A_2312 : vector<16xi1>, vector<16xi32>
      %slice3A_2350 = vector.extract_strided_slice %get3A_1902 {offsets = [12], sizes = [1], strides = [1]} : vector<16xf32> to vector<1xf32>
      %squeeze3A_2351 = vector.extract %slice3A_2350[0] : f32 from vector<1xf32>
      %slice3A_2352 = vector.extract_strided_slice %get3A_1905 {offsets = [12], sizes = [1], strides = [1]} : vector<16xf32> to vector<1xf32>
      %squeeze3A_2353 = vector.extract %slice3A_2352[0] : f32 from vector<1xf32>
      %add3A_2354 = arith.constant 12 : i32
      %add3A_2355 = arith.addi %mul3A_1899, %add3A_2354 : i32
      %broadcast_in_dim3A_2356 = vector.broadcast %add3A_2355 : i32 to vector<16xi32>
      %sub3A_2357 = vector.broadcast %squeeze3A_2351 : f32 to vector<16xf32>
      %sub3A_2358 = arith.subf %get3A_4, %sub3A_2357 : vector<16xf32>
      %sub3A_2359 = vector.broadcast %squeeze3A_2353 : f32 to vector<16xf32>
      %sub3A_2360 = arith.subf %get3A_13, %sub3A_2359 : vector<16xf32>
      %abs3A_2361 = math.absf %sub3A_2358 : vector<16xf32>
      %abs3A_2362 = math.absf %sub3A_2360 : vector<16xf32>
      %max3A_2363 = arith.maximumf %abs3A_2361, %abs3A_2362 : vector<16xf32>
      %lt3A_2364 = arith.cmpf olt, %max3A_2363, %min3A_2328 : vector<16xf32>
      %min3A_2365 = arith.minimumf %min3A_2328, %max3A_2363 : vector<16xf32>
      %select_n3A_2366 = arith.select %lt3A_2364, %broadcast_in_dim3A_2356, %select_n3A_2329 : vector<16xi1>, vector<16xi32>
      %sub3A_2367 = vector.broadcast %squeeze3A_2351 : f32 to vector<16xf32>
      %sub3A_2368 = arith.subf %get3A_7, %sub3A_2367 : vector<16xf32>
      %sub3A_2369 = vector.broadcast %squeeze3A_2353 : f32 to vector<16xf32>
      %sub3A_2370 = arith.subf %get3A_16, %sub3A_2369 : vector<16xf32>
      %abs3A_2371 = math.absf %sub3A_2368 : vector<16xf32>
      %abs3A_2372 = math.absf %sub3A_2370 : vector<16xf32>
      %max3A_2373 = arith.maximumf %abs3A_2371, %abs3A_2372 : vector<16xf32>
      %lt3A_2374 = arith.cmpf olt, %max3A_2373, %min3A_2338 : vector<16xf32>
      %min3A_2375 = arith.minimumf %min3A_2338, %max3A_2373 : vector<16xf32>
      %select_n3A_2376 = arith.select %lt3A_2374, %broadcast_in_dim3A_2356, %select_n3A_2339 : vector<16xi1>, vector<16xi32>
      %sub3A_2377 = vector.broadcast %squeeze3A_2351 : f32 to vector<16xf32>
      %sub3A_2378 = arith.subf %get3A_10, %sub3A_2377 : vector<16xf32>
      %sub3A_2379 = vector.broadcast %squeeze3A_2353 : f32 to vector<16xf32>
      %sub3A_2380 = arith.subf %get3A_19, %sub3A_2379 : vector<16xf32>
      %abs3A_2381 = math.absf %sub3A_2378 : vector<16xf32>
      %abs3A_2382 = math.absf %sub3A_2380 : vector<16xf32>
      %max3A_2383 = arith.maximumf %abs3A_2381, %abs3A_2382 : vector<16xf32>
      %lt3A_2384 = arith.cmpf olt, %max3A_2383, %min3A_2348 : vector<16xf32>
      %min3A_2385 = arith.minimumf %min3A_2348, %max3A_2383 : vector<16xf32>
      %select_n3A_2386 = arith.select %lt3A_2384, %broadcast_in_dim3A_2356, %select_n3A_2349 : vector<16xi1>, vector<16xi32>
      %slice3A_2387 = vector.extract_strided_slice %get3A_1902 {offsets = [13], sizes = [1], strides = [1]} : vector<16xf32> to vector<1xf32>
      %squeeze3A_2388 = vector.extract %slice3A_2387[0] : f32 from vector<1xf32>
      %slice3A_2389 = vector.extract_strided_slice %get3A_1905 {offsets = [13], sizes = [1], strides = [1]} : vector<16xf32> to vector<1xf32>
      %squeeze3A_2390 = vector.extract %slice3A_2389[0] : f32 from vector<1xf32>
      %add3A_2391 = arith.constant 13 : i32
      %add3A_2392 = arith.addi %mul3A_1899, %add3A_2391 : i32
      %broadcast_in_dim3A_2393 = vector.broadcast %add3A_2392 : i32 to vector<16xi32>
      %sub3A_2394 = vector.broadcast %squeeze3A_2388 : f32 to vector<16xf32>
      %sub3A_2395 = arith.subf %get3A_4, %sub3A_2394 : vector<16xf32>
      %sub3A_2396 = vector.broadcast %squeeze3A_2390 : f32 to vector<16xf32>
      %sub3A_2397 = arith.subf %get3A_13, %sub3A_2396 : vector<16xf32>
      %abs3A_2398 = math.absf %sub3A_2395 : vector<16xf32>
      %abs3A_2399 = math.absf %sub3A_2397 : vector<16xf32>
      %max3A_2400 = arith.maximumf %abs3A_2398, %abs3A_2399 : vector<16xf32>
      %lt3A_2401 = arith.cmpf olt, %max3A_2400, %min3A_2365 : vector<16xf32>
      %min3A_2402 = arith.minimumf %min3A_2365, %max3A_2400 : vector<16xf32>
      %select_n3A_2403 = arith.select %lt3A_2401, %broadcast_in_dim3A_2393, %select_n3A_2366 : vector<16xi1>, vector<16xi32>
      %sub3A_2404 = vector.broadcast %squeeze3A_2388 : f32 to vector<16xf32>
      %sub3A_2405 = arith.subf %get3A_7, %sub3A_2404 : vector<16xf32>
      %sub3A_2406 = vector.broadcast %squeeze3A_2390 : f32 to vector<16xf32>
      %sub3A_2407 = arith.subf %get3A_16, %sub3A_2406 : vector<16xf32>
      %abs3A_2408 = math.absf %sub3A_2405 : vector<16xf32>
      %abs3A_2409 = math.absf %sub3A_2407 : vector<16xf32>
      %max3A_2410 = arith.maximumf %abs3A_2408, %abs3A_2409 : vector<16xf32>
      %lt3A_2411 = arith.cmpf olt, %max3A_2410, %min3A_2375 : vector<16xf32>
      %min3A_2412 = arith.minimumf %min3A_2375, %max3A_2410 : vector<16xf32>
      %select_n3A_2413 = arith.select %lt3A_2411, %broadcast_in_dim3A_2393, %select_n3A_2376 : vector<16xi1>, vector<16xi32>
      %sub3A_2414 = vector.broadcast %squeeze3A_2388 : f32 to vector<16xf32>
      %sub3A_2415 = arith.subf %get3A_10, %sub3A_2414 : vector<16xf32>
      %sub3A_2416 = vector.broadcast %squeeze3A_2390 : f32 to vector<16xf32>
      %sub3A_2417 = arith.subf %get3A_19, %sub3A_2416 : vector<16xf32>
      %abs3A_2418 = math.absf %sub3A_2415 : vector<16xf32>
      %abs3A_2419 = math.absf %sub3A_2417 : vector<16xf32>
      %max3A_2420 = arith.maximumf %abs3A_2418, %abs3A_2419 : vector<16xf32>
      %lt3A_2421 = arith.cmpf olt, %max3A_2420, %min3A_2385 : vector<16xf32>
      %min3A_2422 = arith.minimumf %min3A_2385, %max3A_2420 : vector<16xf32>
      %select_n3A_2423 = arith.select %lt3A_2421, %broadcast_in_dim3A_2393, %select_n3A_2386 : vector<16xi1>, vector<16xi32>
      %slice3A_2424 = vector.extract_strided_slice %get3A_1902 {offsets = [14], sizes = [1], strides = [1]} : vector<16xf32> to vector<1xf32>
      %squeeze3A_2425 = vector.extract %slice3A_2424[0] : f32 from vector<1xf32>
      %slice3A_2426 = vector.extract_strided_slice %get3A_1905 {offsets = [14], sizes = [1], strides = [1]} : vector<16xf32> to vector<1xf32>
      %squeeze3A_2427 = vector.extract %slice3A_2426[0] : f32 from vector<1xf32>
      %add3A_2428 = arith.constant 14 : i32
      %add3A_2429 = arith.addi %mul3A_1899, %add3A_2428 : i32
      %broadcast_in_dim3A_2430 = vector.broadcast %add3A_2429 : i32 to vector<16xi32>
      %sub3A_2431 = vector.broadcast %squeeze3A_2425 : f32 to vector<16xf32>
      %sub3A_2432 = arith.subf %get3A_4, %sub3A_2431 : vector<16xf32>
      %sub3A_2433 = vector.broadcast %squeeze3A_2427 : f32 to vector<16xf32>
      %sub3A_2434 = arith.subf %get3A_13, %sub3A_2433 : vector<16xf32>
      %abs3A_2435 = math.absf %sub3A_2432 : vector<16xf32>
      %abs3A_2436 = math.absf %sub3A_2434 : vector<16xf32>
      %max3A_2437 = arith.maximumf %abs3A_2435, %abs3A_2436 : vector<16xf32>
      %lt3A_2438 = arith.cmpf olt, %max3A_2437, %min3A_2402 : vector<16xf32>
      %min3A_2439 = arith.minimumf %min3A_2402, %max3A_2437 : vector<16xf32>
      %select_n3A_2440 = arith.select %lt3A_2438, %broadcast_in_dim3A_2430, %select_n3A_2403 : vector<16xi1>, vector<16xi32>
      %sub3A_2441 = vector.broadcast %squeeze3A_2425 : f32 to vector<16xf32>
      %sub3A_2442 = arith.subf %get3A_7, %sub3A_2441 : vector<16xf32>
      %sub3A_2443 = vector.broadcast %squeeze3A_2427 : f32 to vector<16xf32>
      %sub3A_2444 = arith.subf %get3A_16, %sub3A_2443 : vector<16xf32>
      %abs3A_2445 = math.absf %sub3A_2442 : vector<16xf32>
      %abs3A_2446 = math.absf %sub3A_2444 : vector<16xf32>
      %max3A_2447 = arith.maximumf %abs3A_2445, %abs3A_2446 : vector<16xf32>
      %lt3A_2448 = arith.cmpf olt, %max3A_2447, %min3A_2412 : vector<16xf32>
      %min3A_2449 = arith.minimumf %min3A_2412, %max3A_2447 : vector<16xf32>
      %select_n3A_2450 = arith.select %lt3A_2448, %broadcast_in_dim3A_2430, %select_n3A_2413 : vector<16xi1>, vector<16xi32>
      %sub3A_2451 = vector.broadcast %squeeze3A_2425 : f32 to vector<16xf32>
      %sub3A_2452 = arith.subf %get3A_10, %sub3A_2451 : vector<16xf32>
      %sub3A_2453 = vector.broadcast %squeeze3A_2427 : f32 to vector<16xf32>
      %sub3A_2454 = arith.subf %get3A_19, %sub3A_2453 : vector<16xf32>
      %abs3A_2455 = math.absf %sub3A_2452 : vector<16xf32>
      %abs3A_2456 = math.absf %sub3A_2454 : vector<16xf32>
      %max3A_2457 = arith.maximumf %abs3A_2455, %abs3A_2456 : vector<16xf32>
      %lt3A_2458 = arith.cmpf olt, %max3A_2457, %min3A_2422 : vector<16xf32>
      %min3A_2459 = arith.minimumf %min3A_2422, %max3A_2457 : vector<16xf32>
      %select_n3A_2460 = arith.select %lt3A_2458, %broadcast_in_dim3A_2430, %select_n3A_2423 : vector<16xi1>, vector<16xi32>
      %slice3A_2461 = vector.extract_strided_slice %get3A_1902 {offsets = [15], sizes = [1], strides = [1]} : vector<16xf32> to vector<1xf32>
      %squeeze3A_2462 = vector.extract %slice3A_2461[0] : f32 from vector<1xf32>
      %slice3A_2463 = vector.extract_strided_slice %get3A_1905 {offsets = [15], sizes = [1], strides = [1]} : vector<16xf32> to vector<1xf32>
      %squeeze3A_2464 = vector.extract %slice3A_2463[0] : f32 from vector<1xf32>
      %add3A_2465 = arith.constant 15 : i32
      %add3A_2466 = arith.addi %mul3A_1899, %add3A_2465 : i32
      %broadcast_in_dim3A_2467 = vector.broadcast %add3A_2466 : i32 to vector<16xi32>
      %sub3A_2468 = vector.broadcast %squeeze3A_2462 : f32 to vector<16xf32>
      %sub3A_2469 = arith.subf %get3A_4, %sub3A_2468 : vector<16xf32>
      %sub3A_2470 = vector.broadcast %squeeze3A_2464 : f32 to vector<16xf32>
      %sub3A_2471 = arith.subf %get3A_13, %sub3A_2470 : vector<16xf32>
      %abs3A_2472 = math.absf %sub3A_2469 : vector<16xf32>
      %abs3A_2473 = math.absf %sub3A_2471 : vector<16xf32>
      %max3A_2474 = arith.maximumf %abs3A_2472, %abs3A_2473 : vector<16xf32>
      %lt3A_2475 = arith.cmpf olt, %max3A_2474, %min3A_2439 : vector<16xf32>
      %min3A_2476 = arith.minimumf %min3A_2439, %max3A_2474 : vector<16xf32>
      %select_n3A_2477 = arith.select %lt3A_2475, %broadcast_in_dim3A_2467, %select_n3A_2440 : vector<16xi1>, vector<16xi32>
      %sub3A_2478 = vector.broadcast %squeeze3A_2462 : f32 to vector<16xf32>
      %sub3A_2479 = arith.subf %get3A_7, %sub3A_2478 : vector<16xf32>
      %sub3A_2480 = vector.broadcast %squeeze3A_2464 : f32 to vector<16xf32>
      %sub3A_2481 = arith.subf %get3A_16, %sub3A_2480 : vector<16xf32>
      %abs3A_2482 = math.absf %sub3A_2479 : vector<16xf32>
      %abs3A_2483 = math.absf %sub3A_2481 : vector<16xf32>
      %max3A_2484 = arith.maximumf %abs3A_2482, %abs3A_2483 : vector<16xf32>
      %lt3A_2485 = arith.cmpf olt, %max3A_2484, %min3A_2449 : vector<16xf32>
      %min3A_2486 = arith.minimumf %min3A_2449, %max3A_2484 : vector<16xf32>
      %select_n3A_2487 = arith.select %lt3A_2485, %broadcast_in_dim3A_2467, %select_n3A_2450 : vector<16xi1>, vector<16xi32>
      %sub3A_2488 = vector.broadcast %squeeze3A_2462 : f32 to vector<16xf32>
      %sub3A_2489 = arith.subf %get3A_10, %sub3A_2488 : vector<16xf32>
      %sub3A_2490 = vector.broadcast %squeeze3A_2464 : f32 to vector<16xf32>
      %sub3A_2491 = arith.subf %get3A_19, %sub3A_2490 : vector<16xf32>
      %abs3A_2492 = math.absf %sub3A_2489 : vector<16xf32>
      %abs3A_2493 = math.absf %sub3A_2491 : vector<16xf32>
      %max3A_2494 = arith.maximumf %abs3A_2492, %abs3A_2493 : vector<16xf32>
      %lt3A_2495 = arith.cmpf olt, %max3A_2494, %min3A_2459 : vector<16xf32>
      %min3A_2496 = arith.minimumf %min3A_2459, %max3A_2494 : vector<16xf32>
      %select_n3A_2497 = arith.select %lt3A_2495, %broadcast_in_dim3A_2467, %select_n3A_2460 : vector<16xi1>, vector<16xi32>
      scf.yield %min3A_2476, %min3A_2486, %min3A_2496, %select_n3A_2477, %select_n3A_2487, %select_n3A_2497 : vector<16xf32>, vector<16xf32>, vector<16xf32>, vector<16xi32>, vector<16xi32>, vector<16xi32>
    }
    %scan3A_27 = arith.constant 512 : i32
    %swap3A = arith.constant 0 : index
    %swap3A_28 = tpu.vector_load %arg14[%swap3A] {strides = array<i32>} : memref<48xi32, #tpu.memory_space<vmem>>, vector<16xi32>,
    %swap3A_29 = vector.shape_cast %swap3A_28 : vector<16xi32> to vector<16xi32>
    %swap3A_30 = vector.shape_cast %scan3A_26#3 : vector<16xi32> to vector<16xi32>
    tpu.vector_store %arg14[%swap3A], %swap3A_30 {strides = array<i32>} : memref<48xi32, #tpu.memory_space<vmem>>, vector<16xi32>,
    %swap3A_31 = arith.constant 16 : index
    %swap3A_32 = tpu.vector_load %arg14[%swap3A_31] {strides = array<i32>} : memref<48xi32, #tpu.memory_space<vmem>>, vector<16xi32>,
    %swap3A_33 = vector.shape_cast %swap3A_32 : vector<16xi32> to vector<16xi32>
    %swap3A_34 = vector.shape_cast %scan3A_26#4 : vector<16xi32> to vector<16xi32>
    tpu.vector_store %arg14[%swap3A_31], %swap3A_34 {strides = array<i32>} : memref<48xi32, #tpu.memory_space<vmem>>, vector<16xi32>,
    %swap3A_35 = arith.constant 32 : index
    %swap3A_36 = tpu.vector_load %arg14[%swap3A_35] {strides = array<i32>} : memref<48xi32, #tpu.memory_space<vmem>>, vector<16xi32>,
    %swap3A_37 = vector.shape_cast %swap3A_36 : vector<16xi32> to vector<16xi32>
    %swap3A_38 = vector.shape_cast %scan3A_26#5 : vector<16xi32> to vector<16xi32>
    tpu.vector_store %arg14[%swap3A_35], %swap3A_38 {strides = array<i32>} : memref<48xi32, #tpu.memory_space<vmem>>, vector<16xi32>,
    %dma_start3A = arith.constant 0 : i32
    %dma_start3A_39 = tpu.memref_slice %arg4[%dma_start3A] : memref<8192xf32, #tpu.memory_space<hbm>> -> memref<8192xf32, #tpu.memory_space<hbm>>
    tpu.enqueue_indirect_dma source(%dma_start3A_39 : memref<8192xf32, #tpu.memory_space<hbm>>) target(%arg15 : memref<48xf32, #tpu.memory_space<vmem>>) offsets(%arg14 : memref<48xi32, #tpu.memory_space<vmem>>) semaphore(%arg17 : memref<!tpu.dma_semaphore, #tpu.memory_space<semaphore_mem>>)
    %dma_wait3A = arith.constant 0 : i32
    %dma_wait3A_40 = tpu.memref_slice %arg4[%dma_wait3A] : memref<8192xf32, #tpu.memory_space<hbm>> -> memref<8192xf32, #tpu.memory_space<hbm>>
    tpu.wait_indirect_dma semaphore(%arg17 : memref<!tpu.dma_semaphore, #tpu.memory_space<semaphore_mem>>) src(%dma_wait3A_40 : memref<8192xf32, #tpu.memory_space<hbm>>) dst(%arg15 : memref<48xf32, #tpu.memory_space<vmem>>)
    %dma_start3A_41 = arith.constant 0 : i32
    %dma_start3A_42 = tpu.memref_slice %arg5[%dma_start3A_41] : memref<8192xf32, #tpu.memory_space<hbm>> -> memref<8192xf32, #tpu.memory_space<hbm>>
    tpu.enqueue_indirect_dma source(%dma_start3A_42 : memref<8192xf32, #tpu.memory_space<hbm>>) target(%arg16 : memref<48xf32, #tpu.memory_space<vmem>>) offsets(%arg14 : memref<48xi32, #tpu.memory_space<vmem>>) semaphore(%arg17 : memref<!tpu.dma_semaphore, #tpu.memory_space<semaphore_mem>>)
    %dma_wait3A_43 = arith.constant 0 : i32
    %dma_wait3A_44 = tpu.memref_slice %arg5[%dma_wait3A_43] : memref<8192xf32, #tpu.memory_space<hbm>> -> memref<8192xf32, #tpu.memory_space<hbm>>
    tpu.wait_indirect_dma semaphore(%arg17 : memref<!tpu.dma_semaphore, #tpu.memory_space<semaphore_mem>>) src(%dma_wait3A_44 : memref<8192xf32, #tpu.memory_space<hbm>>) dst(%arg16 : memref<48xf32, #tpu.memory_space<vmem>>)
    %get3A_45 = arith.constant 0 : index
    %get3A_46 = tpu.vector_load %arg15[%get3A_45] {strides = array<i32>} : memref<48xf32, #tpu.memory_space<vmem>>, vector<16xf32>,
    %get3A_47 = vector.shape_cast %get3A_46 : vector<16xf32> to vector<16xf32>
    %sub3A = arith.subf %get3A_4, %get3A_47 : vector<16xf32>
    %swap3A_48 = arith.constant 0 : index
    %swap3A_49 = tpu.vector_load %arg12[%swap3A_48] {strides = array<i32>} : memref<48xf32, #tpu.memory_space<vmem>>, vector<16xf32>,
    %swap3A_50 = vector.shape_cast %swap3A_49 : vector<16xf32> to vector<16xf32>
    %swap3A_51 = vector.shape_cast %sub3A : vector<16xf32> to vector<16xf32>
    tpu.vector_store %arg12[%swap3A_48], %swap3A_51 {strides = array<i32>} : memref<48xf32, #tpu.memory_space<vmem>>, vector<16xf32>,
    %get3A_52 = arith.constant 0 : index
    %get3A_53 = tpu.vector_load %arg16[%get3A_52] {strides = array<i32>} : memref<48xf32, #tpu.memory_space<vmem>>, vector<16xf32>,
    %get3A_54 = vector.shape_cast %get3A_53 : vector<16xf32> to vector<16xf32>
    %sub3A_55 = arith.subf %get3A_13, %get3A_54 : vector<16xf32>
    %swap3A_56 = arith.constant 0 : index
    %swap3A_57 = tpu.vector_load %arg13[%swap3A_56] {strides = array<i32>} : memref<48xf32, #tpu.memory_space<vmem>>, vector<16xf32>,
    %swap3A_58 = vector.shape_cast %swap3A_57 : vector<16xf32> to vector<16xf32>
    %swap3A_59 = vector.shape_cast %sub3A_55 : vector<16xf32> to vector<16xf32>
    tpu.vector_store %arg13[%swap3A_56], %swap3A_59 {strides = array<i32>} : memref<48xf32, #tpu.memory_space<vmem>>, vector<16xf32>,
    %get3A_60 = arith.constant 16 : index
    %get3A_61 = tpu.vector_load %arg15[%get3A_60] {strides = array<i32>} : memref<48xf32, #tpu.memory_space<vmem>>, vector<16xf32>,
    %get3A_62 = vector.shape_cast %get3A_61 : vector<16xf32> to vector<16xf32>
    %sub3A_63 = arith.subf %get3A_7, %get3A_62 : vector<16xf32>
    %swap3A_64 = arith.constant 16 : index
    %swap3A_65 = tpu.vector_load %arg12[%swap3A_64] {strides = array<i32>} : memref<48xf32, #tpu.memory_space<vmem>>, vector<16xf32>,
    %swap3A_66 = vector.shape_cast %swap3A_65 : vector<16xf32> to vector<16xf32>
    %swap3A_67 = vector.shape_cast %sub3A_63 : vector<16xf32> to vector<16xf32>
    tpu.vector_store %arg12[%swap3A_64], %swap3A_67 {strides = array<i32>} : memref<48xf32, #tpu.memory_space<vmem>>, vector<16xf32>,
    %get3A_68 = arith.constant 16 : index
    %get3A_69 = tpu.vector_load %arg16[%get3A_68] {strides = array<i32>} : memref<48xf32, #tpu.memory_space<vmem>>, vector<16xf32>,
    %get3A_70 = vector.shape_cast %get3A_69 : vector<16xf32> to vector<16xf32>
    %sub3A_71 = arith.subf %get3A_16, %get3A_70 : vector<16xf32>
    %swap3A_72 = arith.constant 16 : index
    %swap3A_73 = tpu.vector_load %arg13[%swap3A_72] {strides = array<i32>} : memref<48xf32, #tpu.memory_space<vmem>>, vector<16xf32>,
    %swap3A_74 = vector.shape_cast %swap3A_73 : vector<16xf32> to vector<16xf32>
    %swap3A_75 = vector.shape_cast %sub3A_71 : vector<16xf32> to vector<16xf32>
    tpu.vector_store %arg13[%swap3A_72], %swap3A_75 {strides = array<i32>} : memref<48xf32, #tpu.memory_space<vmem>>, vector<16xf32>,
    %get3A_76 = arith.constant 32 : index
    %get3A_77 = tpu.vector_load %arg15[%get3A_76] {strides = array<i32>} : memref<48xf32, #tpu.memory_space<vmem>>, vector<16xf32>,
    %get3A_78 = vector.shape_cast %get3A_77 : vector<16xf32> to vector<16xf32>
    %sub3A_79 = arith.subf %get3A_10, %get3A_78 : vector<16xf32>
    %swap3A_80 = arith.constant 32 : index
    %swap3A_81 = tpu.vector_load %arg12[%swap3A_80] {strides = array<i32>} : memref<48xf32, #tpu.memory_space<vmem>>, vector<16xf32>,
    %swap3A_82 = vector.shape_cast %swap3A_81 : vector<16xf32> to vector<16xf32>
    %swap3A_83 = vector.shape_cast %sub3A_79 : vector<16xf32> to vector<16xf32>
    tpu.vector_store %arg12[%swap3A_80], %swap3A_83 {strides = array<i32>} : memref<48xf32, #tpu.memory_space<vmem>>, vector<16xf32>,
    %get3A_84 = arith.constant 32 : index
    %get3A_85 = tpu.vector_load %arg16[%get3A_84] {strides = array<i32>} : memref<48xf32, #tpu.memory_space<vmem>>, vector<16xf32>,
    %get3A_86 = vector.shape_cast %get3A_85 : vector<16xf32> to vector<16xf32>
    %sub3A_87 = arith.subf %get3A_19, %get3A_86 : vector<16xf32>
    %swap3A_88 = arith.constant 32 : index
    %swap3A_89 = tpu.vector_load %arg13[%swap3A_88] {strides = array<i32>} : memref<48xf32, #tpu.memory_space<vmem>>, vector<16xf32>,
    %swap3A_90 = vector.shape_cast %swap3A_89 : vector<16xf32> to vector<16xf32>
    %swap3A_91 = vector.shape_cast %sub3A_87 : vector<16xf32> to vector<16xf32>
    tpu.vector_store %arg13[%swap3A_88], %swap3A_91 {strides = array<i32>} : memref<48xf32, #tpu.memory_space<vmem>>, vector<16xf32>,
    "tpu.region"() ({
      %run_scoped3A = tpu.sem_alloc : memref<!tpu.dma_semaphore, #tpu.memory_space<semaphore_mem>>
      %dma_start3A_92 = tpu.memref_slice %arg6[%mul3A_2] : memref<1536xf32, #tpu.memory_space<hbm>> -> memref<48xf32, #tpu.memory_space<hbm>>
      %dma_start3A_93 = tpu.memref_slice %arg6[%mul3A_2] : memref<1536xf32, #tpu.memory_space<hbm>> -> memref<48xf32, #tpu.memory_space<hbm>>
      tpu.enqueue_dma source(%arg12 : memref<48xf32, #tpu.memory_space<vmem>>) target(%dma_start3A_93 : memref<48xf32, #tpu.memory_space<hbm>>) target_semaphore(%run_scoped3A : memref<!tpu.dma_semaphore, #tpu.memory_space<semaphore_mem>>)
      %dma_wait3A_94 = tpu.memref_slice %arg6[%mul3A_2] : memref<1536xf32, #tpu.memory_space<hbm>> -> memref<48xf32, #tpu.memory_space<hbm>>
      %dma_wait3A_95 = tpu.memref_slice %arg6[%mul3A_2] : memref<1536xf32, #tpu.memory_space<hbm>> -> memref<48xf32, #tpu.memory_space<hbm>>
      tpu.wait_dma2 semaphore(%run_scoped3A : memref<!tpu.dma_semaphore, #tpu.memory_space<semaphore_mem>>) src(%arg12 : memref<48xf32, #tpu.memory_space<vmem>>) dst(%dma_wait3A_95 : memref<48xf32, #tpu.memory_space<hbm>>)
      tpu.yield
    }) : () -> ()
    "tpu.region"() ({
      %run_scoped3A = tpu.sem_alloc : memref<!tpu.dma_semaphore, #tpu.memory_space<semaphore_mem>>
      %dma_start3A_92 = tpu.memref_slice %arg7[%mul3A_2] : memref<1536xf32, #tpu.memory_space<hbm>> -> memref<48xf32, #tpu.memory_space<hbm>>
      %dma_start3A_93 = tpu.memref_slice %arg7[%mul3A_2] : memref<1536xf32, #tpu.memory_space<hbm>> -> memref<48xf32, #tpu.memory_space<hbm>>
      tpu.enqueue_dma source(%arg13 : memref<48xf32, #tpu.memory_space<vmem>>) target(%dma_start3A_93 : memref<48xf32, #tpu.memory_space<hbm>>) target_semaphore(%run_scoped3A : memref<!tpu.dma_semaphore, #tpu.memory_space<semaphore_mem>>)
      %dma_wait3A_94 = tpu.memref_slice %arg7[%mul3A_2] : memref<1536xf32, #tpu.memory_space<hbm>> -> memref<48xf32, #tpu.memory_space<hbm>>
      %dma_wait3A_95 = tpu.memref_slice %arg7[%mul3A_2] : memref<1536xf32, #tpu.memory_space<hbm>> -> memref<48xf32, #tpu.memory_space<hbm>>
      tpu.wait_dma2 semaphore(%run_scoped3A : memref<!tpu.dma_semaphore, #tpu.memory_space<semaphore_mem>>) src(%arg13 : memref<48xf32, #tpu.memory_space<vmem>>) dst(%dma_wait3A_95 : memref<48xf32, #tpu.memory_space<hbm>>)
      tpu.yield
    }) : () -> ()
    return
  }
}

module attributes {stable_mosaic.version = 14 : i64} {
  func.func @_tc_body(%arg0: i32, %arg1: memref<256x2xf32, #tpu.memory_space<vmem>>, %arg2: memref<1x8192xf32, #tpu.memory_space<vmem>>, %arg3: memref<1x8192xf32, #tpu.memory_space<vmem>>, %arg4: memref<1x8192xf32, #tpu.memory_space<vmem>>, %arg5: memref<256x2xf32, #tpu.memory_space<vmem>>) attributes {dimension_semantics = [#tpu.dimension_semantics<arbitrary>], iteration_bounds = array<i64: 10>, scalar_prefetch = 0 : i64, scratch_operands = 0 : i64, tpu.core_type = #tpu.core_type<tc>, window_params = [{transform_indices = @transform_0, window_bounds = array<i64: 256, 2>}, {pipeline_mode = #tpu.pipeline_mode<synchronous>, transform_indices = @transform_1, window_bounds = array<i64: 1, 8192>}, {pipeline_mode = #tpu.pipeline_mode<synchronous>, transform_indices = @transform_2, window_bounds = array<i64: 1, 8192>}, {pipeline_mode = #tpu.pipeline_mode<synchronous>, transform_indices = @transform_3, window_bounds = array<i64: 1, 8192>}, {transform_indices = @transform_4, window_bounds = array<i64: 256, 2>}]} {
    %get3A = arith.constant 0 : index
    %get3A_0 = arith.constant 0 : index
    %get3A_1 = vector.load %arg1[%get3A, %get3A_0] : memref<256x2xf32, #tpu.memory_space<vmem>>, vector<256x1xf32>
    %get3A_2 = arith.constant 0 : index
    %get3A_3 = arith.constant 1 : index
    %get3A_4 = vector.load %arg1[%get3A_2, %get3A_3] : memref<256x2xf32, #tpu.memory_space<vmem>>, vector<256x1xf32>
    %get3A_5 = arith.constant 0 : index
    %get3A_6 = arith.constant 0 : index
    %get3A_7 = vector.load %arg2[%get3A_5, %get3A_6] : memref<1x8192xf32, #tpu.memory_space<vmem>>, vector<1x8192xf32>
    %get3A_8 = arith.constant 0 : index
    %get3A_9 = arith.constant 0 : index
    %get3A_10 = vector.load %arg3[%get3A_8, %get3A_9] : memref<1x8192xf32, #tpu.memory_space<vmem>>, vector<1x8192xf32>
    %get3A_11 = arith.constant 0 : index
    %get3A_12 = arith.constant 0 : index
    %get3A_13 = vector.load %arg4[%get3A_11, %get3A_12] : memref<1x8192xf32, #tpu.memory_space<vmem>>, vector<1x8192xf32>
    %sub3A = vector.broadcast %get3A_1 : vector<256x1xf32> to vector<256x8192xf32>
    %sub3A_14 = vector.broadcast %get3A_7 : vector<1x8192xf32> to vector<256x8192xf32>
    %sub3A_15 = arith.subf %sub3A, %sub3A_14 : vector<256x8192xf32>
    %abs3A = math.absf %sub3A_15 : vector<256x8192xf32>
    %sub3A_16 = vector.broadcast %get3A_4 : vector<256x1xf32> to vector<256x8192xf32>
    %sub3A_17 = vector.broadcast %get3A_10 : vector<1x8192xf32> to vector<256x8192xf32>
    %sub3A_18 = arith.subf %sub3A_16, %sub3A_17 : vector<256x8192xf32>
    %abs3A_19 = math.absf %sub3A_18 : vector<256x8192xf32>
    %max3A = arith.maximumf %abs3A, %abs3A_19 : vector<256x8192xf32>
    %reduce_min3A = arith.constant dense<0x7F800000> : vector<256xf32>
    %reduce_min3A_20 = vector.multi_reduction <minimumf>, %max3A, %reduce_min3A [1] : vector<256x8192xf32> to vector<256xf32>
    %broadcast_in_dim3A = vector.shape_cast %reduce_min3A_20 : vector<256xf32> to vector<256x1xf32>
    %eq3A = vector.broadcast %broadcast_in_dim3A : vector<256x1xf32> to vector<256x8192xf32>
    %eq3A_21 = arith.cmpf oeq, %max3A, %eq3A : vector<256x8192xf32>
    %jit3A = arith.constant 8.192000e+03 : f32
    %broadcast_in_dim3A_22 = vector.shape_cast %get3A_13 : vector<1x8192xf32> to vector<1x8192xf32>
    %broadcast_in_dim3A_23 = vector.broadcast %broadcast_in_dim3A_22 : vector<1x8192xf32> to vector<256x8192xf32>
    %broadcast_in_dim3A_24 = vector.broadcast %jit3A : f32 to vector<256x8192xf32>
    %select_n3A = arith.select %eq3A_21, %broadcast_in_dim3A_23, %broadcast_in_dim3A_24 : vector<256x8192xi1>, vector<256x8192xf32>
    %reduce_min3A_25 = arith.constant dense<0x7F800000> : vector<256xf32>
    %reduce_min3A_26 = vector.multi_reduction <minimumf>, %select_n3A, %reduce_min3A_25 [1] : vector<256x8192xf32> to vector<256xf32>
    %broadcast_in_dim3A_27 = vector.shape_cast %reduce_min3A_26 : vector<256xf32> to vector<256x1xf32>
    %eq3A_28 = vector.broadcast %get3A_13 : vector<1x8192xf32> to vector<256x8192xf32>
    %eq3A_29 = vector.broadcast %broadcast_in_dim3A_27 : vector<256x1xf32> to vector<256x8192xf32>
    %eq3A_30 = arith.cmpf oeq, %eq3A_28, %eq3A_29 : vector<256x8192xf32>
    %convert_element_type3A = arith.extui %eq3A_30 : vector<256x8192xi1> to vector<256x8192xi32>
    %convert_element_type3A_31 = arith.sitofp %convert_element_type3A : vector<256x8192xi32> to vector<256x8192xf32>
    %convert_element_type3A_32 = arith.truncf %convert_element_type3A_31 : vector<256x8192xf32> to vector<256x8192xbf16>
    %concatenate3A = tpu.concatenate %get3A_7, %get3A_10 in 0 : vector<1x8192xf32>, vector<1x8192xf32> -> vector<2x8192xf32>
    %convert_element_type3A_33 = arith.truncf %concatenate3A : vector<2x8192xf32> to vector<2x8192xbf16>
    %convert_element_type3A_34 = arith.extf %convert_element_type3A_33 : vector<2x8192xbf16> to vector<2x8192xf32>
    %sub3A_35 = arith.subf %concatenate3A, %convert_element_type3A_34 : vector<2x8192xf32>
    %convert_element_type3A_36 = arith.truncf %sub3A_35 : vector<2x8192xf32> to vector<2x8192xbf16>
    %convert_element_type3A_37 = arith.extf %convert_element_type3A_36 : vector<2x8192xbf16> to vector<2x8192xf32>
    %sub3A_38 = arith.subf %sub3A_35, %convert_element_type3A_37 : vector<2x8192xf32>
    %convert_element_type3A_39 = arith.truncf %sub3A_38 : vector<2x8192xf32> to vector<2x8192xbf16>
    %concatenate3A_40 = tpu.concatenate %convert_element_type3A_33, %convert_element_type3A_36, %convert_element_type3A_39 in 0 : vector<2x8192xbf16>, vector<2x8192xbf16>, vector<2x8192xbf16> -> vector<6x8192xbf16>
    %dot_general3A = arith.constant dense<0.000000e+00> : vector<256x6xf32>
    %dot_general3A_41 = tpu.matmul %convert_element_type3A_32, %concatenate3A_40, %dot_general3A {dimension_numbers = #tpu.dot_dimension_numbers<[1], [1], [0], [0], [0, 0, 1, 0], [], []>, transpose_lhs_hint = false} : vector<256x8192xbf16>, vector<6x8192xbf16>, vector<256x6xf32> -> vector<256x6xf32>
    %slice3A = vector.extract_strided_slice %dot_general3A_41 {offsets = [0, 0], sizes = [256, 2], strides = [1, 1]} : vector<256x6xf32> to vector<256x2xf32>
    %slice3A_42 = vector.extract_strided_slice %dot_general3A_41 {offsets = [0, 2], sizes = [256, 2], strides = [1, 1]} : vector<256x6xf32> to vector<256x2xf32>
    %add3A = arith.addf %slice3A, %slice3A_42 : vector<256x2xf32>
    %slice3A_43 = vector.extract_strided_slice %dot_general3A_41 {offsets = [0, 4], sizes = [256, 2], strides = [1, 1]} : vector<256x6xf32> to vector<256x2xf32>
    %add3A_44 = arith.addf %add3A, %slice3A_43 : vector<256x2xf32>
    %concatenate3A_45 = tpu.concatenate %get3A_1, %get3A_4 in 1 : vector<256x1xf32>, vector<256x1xf32> -> vector<256x2xf32>
    %sub3A_46 = arith.subf %concatenate3A_45, %add3A_44 : vector<256x2xf32>
    %swap3A = arith.constant 0 : index
    %swap3A_47 = arith.constant 0 : index
    %swap3A_48 = vector.load %arg5[%swap3A, %swap3A_47] : memref<256x2xf32, #tpu.memory_space<vmem>>, vector<256x2xf32>
    tpu.vector_store %arg5[%swap3A, %swap3A_47], %sub3A_46 {strides = array<i32>} : memref<256x2xf32, #tpu.memory_space<vmem>>, vector<256x2xf32>,
    return
  }
  func.func @transform_0(%arg0: i32) -> (i32, i32) {
    %c0_i32 = arith.constant 0 : i32
    %c0_i32_0 = arith.constant 0 : i32
    return %arg0, %c0_i32 : i32, i32
  }
  func.func @transform_1(%arg0: i32) -> (i32, i32) {
    %c0_i32 = arith.constant 0 : i32
    %c0_i32_0 = arith.constant 0 : i32
    %c0_i32_1 = arith.constant 0 : i32
    return %c0_i32, %c0_i32_0 : i32, i32
  }
  func.func @transform_2(%arg0: i32) -> (i32, i32) {
    %c0_i32 = arith.constant 0 : i32
    %c0_i32_0 = arith.constant 0 : i32
    %c0_i32_1 = arith.constant 0 : i32
    return %c0_i32, %c0_i32_0 : i32, i32
  }
  func.func @transform_3(%arg0: i32) -> (i32, i32) {
    %c0_i32 = arith.constant 0 : i32
    %c0_i32_0 = arith.constant 0 : i32
    %c0_i32_1 = arith.constant 0 : i32
    return %c0_i32, %c0_i32_0 : i32, i32
  }
  func.func @transform_4(%arg0: i32) -> (i32, i32) {
    %c0_i32 = arith.constant 0 : i32
    %c0_i32_0 = arith.constant 0 : i32
    return %arg0, %c0_i32 : i32, i32
  }
}

</mosaic_0001>

<sc_bundles>
// kernel: kernel.4.cloned.1.call-start
scs
__scs_entry_jumppad:
0x0: {  	(pc) =	sbr.rel $0x88, $3  }
0x1: {  	(tag) =	ssettag $0x0;
	lr =	simm.s32 $0x1  }
0x2: {  	[smem:$0x3F9F] =	sst lr;
	_ =	strace $0xD0000000  }
0x3: {  	_ = 	snop  }
0x4: {  	_ = 	snop  }
0x5: {  	_ = 	snop  }
0x6: {  	_ = 	snop  }
0x7: {  	_ = 	snop  }
__scs_overlays_trampoline_lowered:
0x8: {  	[smem:$0x3FAE] =	sst s0  }
0x9: {  	[smem:$0x3FAF] =	sst s1  }
0xa: {  	[smem:$0x3FB0] =	sst s2  }
0xb: {  	[smem:$0x3FB1] =	sst s3  }
0xc: {  	[smem:$0x3FB2] =	sst s4  }
0xd: {  	[smem:$0x3FB3] =	sst s5  }
0xe: {  	[smem:$0x3FB4] =	sst s6  }
0xf: {  	[smem:$0x3FB5] =	sst s7  }
0x10: {  	[smem:$0x3FB6] =	sst s8  }
0x11: {  	[smem:$0x3FB7] =	sst s9;
	s0 =	simm.s32 @!p0 $0x0  }
0x12: {  	s1 =	sld [smem:$0x3F9D];
	s0 =	simm.s32 @p0 $0x1  }
0x13: {  	[smem:$0x3FB8] =	sst s0;
	s0 =	simm.s32 @!p1 $0x0  }
0x14: {  	s2 =	sld [smem:$0x3F9C];
	s0 =	simm.s32 @p1 $0x1  }
0x15: {  	[smem:$0x3FB9] =	sst s0;
	s0 =	simm.s32 @!p2 $0x0  }
0x16: {  	s3 =	sld [smem:$0x3FDB];
	s0 =	simm.s32 @p2 $0x1  }
0x17: {  	s4 =	simm.s32 $0x1BF5;
	[smem:$0x3FBB] =	sst s0  }
0x18: {  	s0 =	sld [smem:$0x3F9E];
	_ =	swait.ge [sflag:s4], $0x0  }
0x19: {  	s7 =	sld [smem:$0x3F9F]  }
0x1a: {  	s8 =	sadd.s32 $0xFFFFE003, lr  }
0x1b: {  	s9 =	sadd.s32 $0xFFFFFEF7, lr;
	s5 =	simm.s32 $0xFFFFFFFF;
	p2 =	slt.u32 s8, $0xFFFFF086  }
0x1c: {  	p1 =	slt.u32 s9, $0xF7A;
	s5 =	simm.s32 @!p2 $0x0  }
0x1d: {  	s5 =	simm.s32 @p1 $0x1;
	p0 =	seq.s32 s7, s2  }
0x1e: {  	s7 =	smul.u32 @!p0 $0xF7A, s2;
	p2 =	seq.s32 @!p0 s5, $0x0  }
0x1f: {  	s9 =	smul.u32 $0xF7A, s1;
	s8 =	simm.s32 @!p0 $0x1BF5;
	p2 =	por !p2, p0  }
0x20: {  	[sflag:s8] =	ssyncset.s32 @!p0 $0xFFFFF086;
	s6 =	sadd.s32 @!p0 s3, s7;
	s7 =	simm.s32 @!p0 $0x108  }
0x21: {  	s3 =	sadd.s32 s3, s9;
	s6 =	sadd.s32 @!p0 $0x88, s6;
	s7 =	simm.s32 @p2 $0x1082  }
0x22: {  	[simem:s7], [sflag:s8] =	dma.local @!p0 [hbm:s6], $0xF7A  }
0x23: {  	s9 =	sor.u32 $0xD0000000, s2;
	s6 =	simm.s32 $0x108;
	_ =	swait.ge @!p0 [sflag:s8], $0x0  }
0x24: {  	s3 =	sadd.s32 $0x88, s3;
	s6 =	simm.s32 @!p1 $0x1082;
	[sflag:s4] =	ssyncset.s32 $0xFFFFF086  }
0x25: {  	[simem:s6], [sflag:s4] =	dma.local [hbm:s3], $0xF7A  }
0x26: {  	[smem:$0x3F9F] =	sst s1;
	(tag) =	ssettag s2;
	_ =	strace s9  }
0x27: {  	s1 =	sld [smem:$0x3FAF]  }
0x28: {  	s2 =	sld [smem:$0x3FB0]  }
0x29: {  	s4 =	sld [smem:$0x3FB2]  }
0x2a: {  	p0 =	seq.s32 s5, $0x0;
	s5 =	sld [smem:$0x3FB3]  }
0x2b: {  	s6 =	sld [smem:$0x3FB4]  }
0x2c: {  	s7 =	sld [smem:$0x3FB5]  }
0x2d: {  	s3 =	simm.s32 $0x108;
	s8 =	sld [smem:$0x3FB6]  }
0x2e: {  	s3 =	simm.s32 @!p0 $0x1082;
	s9 =	sld [smem:$0x3FB7]  }
0x2f: {  	lr =	sadd.s32 s0, s3;
	s0 =	sld [smem:$0x3FAE]  }
0x30: {  	s3 =	sld [smem:$0x3FB1]  }
0x31: {  	[smem:$0x3FBA] =	sst s10  }
0x32: {  	s10 =	sld [smem:$0x3FB8];
	_ =	sdelay $0x3  }
0x33: {  	p0 =	seq.s32 s10, $0x1;
	s10 =	sld [smem:$0x3FBA];
	_ =	sdelay $0x3  }
0x34: {  	[smem:$0x3FBA] =	sst s10  }
0x35: {  	s10 =	sld [smem:$0x3FB9];
	_ =	sdelay $0x3  }
0x36: {  	p1 =	seq.s32 s10, $0x1;
	s10 =	sld [smem:$0x3FBA];
	_ =	sdelay $0x3  }
0x37: {  	[smem:$0x3FBA] =	sst s10  }
0x38: {  	s10 =	sld [smem:$0x3FBB]  }
0x39: {  	_ = 	snop;
	(pc) =	sbr.ind lr, $3  }
0x3a: {  	_ = 	snop  }
0x3b: {  	_ = 	snop  }
0x3c: {  	p2 =	seq.s32 s10, $0x1;
	s10 =	sld [smem:$0x3FBA]  }
0x3d: {  	_ =	shalt  }
0x3e: {  	_ =	shalt  }
0x3f: {  	_ =	shalt  }
0x40: {  	_ =	shalt  }
0x41: {  	_ =	shalt  }
0x42: {  	_ =	shalt  }
0x43: {  	_ =	shalt  }
0x44: {  	_ =	shalt  }
0x45: {  	_ =	shalt  }
0x46: {  	_ =	shalt  }
0x47: {  	_ =	shalt  }
0x48: {  	_ =	shalt  }
0x49: {  	_ =	shalt  }
0x4a: {  	_ =	shalt  }
0x4b: {  	_ =	shalt  }
0x4c: {  	_ =	shalt  }
0x4d: {  	_ =	shalt  }
0x4e: {  	_ =	shalt  }
0x4f: {  	_ =	shalt  }
0x50: {  	_ =	shalt  }
0x51: {  	_ =	shalt  }
0x52: {  	_ =	shalt  }
0x53: {  	_ =	shalt  }
0x54: {  	_ =	shalt  }
0x55: {  	_ =	shalt  }
0x56: {  	_ =	shalt  }
0x57: {  	_ =	shalt  }
0x58: {  	_ =	shalt  }
0x59: {  	_ =	shalt  }
0x5a: {  	_ =	shalt  }
0x5b: {  	_ =	shalt  }
0x5c: {  	_ =	shalt  }
0x5d: {  	_ =	shalt  }
0x5e: {  	_ =	shalt  }
0x5f: {  	_ =	shalt  }
0x60: {  	_ =	shalt  }
0x61: {  	_ =	shalt  }
0x62: {  	_ =	shalt  }
0x63: {  	_ =	shalt  }
0x64: {  	_ =	shalt  }
0x65: {  	_ =	shalt  }
0x66: {  	_ =	shalt  }
0x67: {  	_ =	shalt  }
0x68: {  	_ =	shalt  }
0x69: {  	_ =	shalt  }
0x6a: {  	_ =	shalt  }
0x6b: {  	_ =	shalt  }
0x6c: {  	_ =	shalt  }
0x6d: {  	_ =	shalt  }
0x6e: {  	_ =	shalt  }
0x6f: {  	_ =	shalt  }
0x70: {  	_ =	shalt  }
0x71: {  	_ =	shalt  }
0x72: {  	_ =	shalt  }
0x73: {  	_ =	shalt  }
0x74: {  	_ =	shalt  }
0x75: {  	_ =	shalt  }
0x76: {  	_ =	shalt  }
0x77: {  	_ =	shalt  }
0x78: {  	_ =	shalt  }
0x79: {  	_ =	shalt  }
0x7a: {  	_ =	shalt  }
0x7b: {  	_ =	shalt  }
0x7c: {  	_ =	shalt  }
0x7d: {  	_ =	shalt  }
0x7e: {  	_ =	shalt  }
0x7f: {  	_ =	shalt  }
0x80: {  	_ =	shalt  }
0x81: {  	_ =	shalt  }
0x82: {  	_ =	shalt  }
0x83: {  	_ =	shalt  }
0x84: {  	_ =	shalt  }
0x85: {  	_ =	shalt  }
0x86: {  	_ =	shalt  }
0x87: {  	_ =	shalt  }
.Lfunc_end0:
.L_simem_size_0:
called_computation_lowered:
.L_overlay_start_0:
0x88: {  	s2 =	sld [smem:$0x3FD9]  }
0x89: {  	s3 =	sld [smem:$0x3FFE];
	_ =	sdelay $0x1  }
0x8a: {  	s1 =	srdreg.scid  }
0x8b: {  	s0 =	sand.u32 $0x1, s1  }
0x8c: {  	s17 =	sshll.u32 s0, $0xA;
	s2 =	sadd.s32 s3, s2  }
0x8d: {  	s2 =	sadd.s32 s2, s17  }
0x8e: {  	[smem:$0x3FC6] =	sst s2  }
0x8f: {  	_ = 	snop  }
0x90: {  	s2 =	sld [smem:$0x3FD0];
	(tm) =	ssettm $0x1  }
0x91: {  	s18 =	sld [smem:$0x3FFB];
	_ =	sdelay $0x3  }
0x92: {  	_ =	strace s18  }
0x93: {  	s3 =	sld [smem:$0x3FFC];
	_ =	sdelay $0x3  }
0x94: {  	_ =	strace s3  }
0x95: {  	s3 =	sld [smem:$0x3FFD];
	_ =	sdelay $0x3  }
0x96: {  	_ =	strace s3  }
0x97: {  	_ =	strace $0x8FFFFFFF  }
0x98: {  	s19 =	sld [smem:$0x3FDB];
	_ =	sdelay $0x1  }
0x99: {  	s4 =	simm.s32 $_scs_section_size  }
0x9a: {  	s5 =	simm.s32 $_size__tile_overlayer_lowered;
	s6 =	simm.s32 $_tile_overlayer_lowered  }
0x9b: {  	s22 =	simm.s32 $0x1BFF;
	s21 =	sshll.u32 s6, $0x1;
	s3 =	sadd.s32 s4, s19  }
0x9c: {  	s7 =	simm.s32 $0x0;
	s20 =	sshll.u32 s5, $0x1;
	s5 =	sadd.s32 s21, s3  }
0x9d: {  	[timem:s7], [sflag:s22] =	dma.local [hbm:s5], s20  }
0x9e: {  	_ =	swait.ge [sflag:s22], s20  }
0x9f: {  	s4 =	ssub.s32 $0x0, s20;
	[sflag:s22] =	ssyncset.done $0x0  }
0xa0: {  	[sflag:s22] =	ssyncadd.s32 s4;
	_ =	sdelay $0x1  }
0xa1: {  	s23 =	simm.s32 $0x1B8B  }
0xa2: {  	_ =	swait.ge [sflag:s23], $0x1  }
0xa3: {  	[sflag:s23] =	ssyncset.done $0x0  }
0xa4: {  	s25 =	simm.s32 $0x1B8E;
	s24 =	sld [smem:$0x3FFE];
	[sflag:s23] =	ssyncadd.s32 $0xFFFFFFFF  }
0xa5: {  	s26 =	simm.s32 $execute0_lowered;
	[smem:$0x3FD2] =	sst s25  }
0xa6: {  	s5 =	sshll.u32 s26, $0x1;
	_ =	strace $0x80000046;
	[dreg:$0x1] =	wrdreg $0xFFFFFFFF  }
0xa7: {  	s28 =	simm.s32 $_size_execute0_lowered;
	s3 =	sadd.s32 s3, s5;
	[dreg:$0x0] =	wrdreg $0x0  }
0xa8: {  	s5 =	sshll.u32 s28, $0x1;
	[dreg:$0x2] =	wrdreg s3  }
0xa9: {  	[dreg:$0x3] =	wrdreg s5  }
0xaa: {  	[dreg:$0x4] =	wrdreg $0xC0  }
0xab: {  	_ =	task [dreg:s7], $0x5FFFF  }
0xac: {  	[dreg:$0x1] =	wrdreg $0xFFFFFFFF  }
0xad: {  	[dreg:$0x0] =	wrdreg $0x60  }
0xae: {  	[dreg:$0x2] =	wrdreg s24  }
0xaf: {  	[dreg:$0x3] =	wrdreg s2  }
0xb0: {  	[dreg:$0x4] =	wrdreg $0x9  }
0xb1: {  	_ =	task.clear_ibuf [dreg:s7], $0x5FFFF;
	_ =	strace $0x90000046  }
0xb2: {  	s29 =	simm.s32 $0x9;
	_ =	strace $0x80000048  }
0xb3: {  	_ =	swait.ge [sflag:s29], $0x1  }
0xb4: {  	[sflag:s29] =	ssyncadd.s32 $0xFFFFFFFF  }
0xb5: {  	_ =	strace $0x90000048  }
0xb6: {  	_ =	sfence  }
0xb7: {  	s30 =	sld [smem:$0x0];
	_ =	sdelay $0x2  }
0xb8: {  	s31 =	sshll.u32 s1, $0xD;
	s1 =	sshrl.u32 s1, $0x2  }
0xb9: {  	s3 =	sand.u32 $0x4000, s31;
	s1 =	sadd.s32 s1, s30  }
0xba: {  	s0 =	sor.u32 s3, s0;
	s1 =	sshll.u32 s1, $0x11  }
0xbb: {  	s0 =	sor.u32 s1, s0  }
0xbc: {  	s0 =	sadd.s32 $0x8F2B, s0  }
0xbd: {  	[sflag:s0] =	ssyncadd.remote.s32 $0x1  }
0xbe: {  	_ =	sfence.sel $0xFFFF  }
0xbf: {  	[dreg:$0x0] =	wrdreg $0xFFFFFFFF;
	(pc) =	sbr.abs _section_cstart, $3  }
0xc0: {  	[dreg:$0x1] =	wrdreg $0xFFFFFFFF  }
0xc1: {  	_ =	task.clear_ibuf [dreg:s7], $0x2FFFF;
	_ =	strace $0x9FFFFFFF  }
0xc2: {  	(tm) =	ssettm $0x7FFFFFFF  }
0xc3: {  	_ =	shalt  }
tec
execute0_lowered:
.L_overlay_start_1:
0x0: {  	(tag) =	ssettag $0x1  }
0x1: {  	s5 =	rddreg [dreg:$0x0];
	s1 =	srdreg.scid  }
0x2: {  	s0 =	stileid.u32;
	s2 =	rddreg [dreg:$0x1]  }
0x3: {  	s3 =	simm.s32 $0x0;
	s10 =	simm.s32 $0x2;
	s11 =	simm.s32 $0x80  }
0x4: {  	s12 =	simm.s32 $0x100;
	s13 =	simm.s32 $0x2100;
	s14 =	simm.s32 $0x30  }
0x5: {  	s15 =	simm.s32 $0x4200;
	s16 =	simm.s32 $0x4280;
	s17 =	simm.s32 $0x1  }
0x6: {  	s18 =	simm.s32 $0x4300;
	s4 =	sand.u32 $0x1, s1;
	s6 =	sshll.u32 s0, $0x1  }
0x7: {  	s19 =	simm.s32 $0x4100;
	s20 =	simm.s32 $0x4180;
	s6 =	sor.u32 s4, s6  }
0x8: {  	s1 =	rddreg [dreg:$0x2];
	s7 =	ssub.s32 $0x2, s4;
	s6 =	smul.u32 $0x6, s6  }
0x9: {  	s21 =	simm.s32 $0x0;
	[smem:$0x7FF] =	sst s3;
	s31 =	sshrl.u32 s7, $0x1  }
0xa: {  	_ =	strace $0x80000047;
	s9 =	ssub.s32 s7, s31;
	s8 =	sadd.s32 s6, s5  }
0xb: {  	s4 =	sadd.s32 $0xC00, s5;
	s9 =	smax.u32 s9, $0x1;
	s5 =	sadd.s32 $0xA00, s8  }
0xc: {  	s6 =	sadd.s32 $0x800, s8;
	s7 =	sadd.s32 $0x1000, s8;
	s8 =	sadd.s32 $0x1200, s8  }
.LBB2_1:
0xd: {  	[tilespmem:s3], [sflag:$0x2] =	stream.linear.gather [hbm4b:s5+s3], $0x30, $0x38;
	[tilespmem:$0x4380] =	vst v63  }
0xe: {  	_ =	swait.ge [sflag:s10], $0x30  }
0xf: {  	[sflag:s10] =	ssyncset.done $0x0  }
0x10: {  	[sflag:s10] =	ssyncadd.s32 $0xFFFFFFD0  }
0x11: {  	[tilespmem:s11], [sflag:$0x2] =	stream.linear.gather [hbm4b:s6+s3], $0x30, $0x38;
	[tilespmem:$0x4380] =	vst v63  }
0x12: {  	_ =	swait.ge [sflag:s10], $0x30  }
0x13: {  	[sflag:s10] =	ssyncset.done $0x0  }
0x14: {  	[sflag:s10] =	ssyncadd.s32 $0xFFFFFFD0  }
0x15: {  	[tilespmem:s12], [sflag:$0x2] =	stream.linear.gather [hbm4b:s4+s3], $0x2000, $0x38;
	[tilespmem:$0x4380] =	vst v63  }
0x16: {  	_ =	swait.ge [sflag:s10], $0x2000  }
0x17: {  	[sflag:s10] =	ssyncset.done $0x0  }
0x18: {  	[sflag:s10] =	ssyncadd.s32 $0xFFFFE000  }
0x19: {  	[tilespmem:s13], [sflag:$0x2] =	stream.linear.gather [hbm4b:s2+s3], $0x2000, $0x38;
	[tilespmem:$0x4380] =	vst v63  }
0x1a: {  	_ =	swait.ge [sflag:s10], $0x2000  }
0x1b: {  	[sflag:s10] =	ssyncset.done $0x0  }
0x1c: {  	[sflag:s10] =	ssyncadd.s32 $0xFFFFE000  }
0x1d: {  	v3 =	vld [tilespmem:$0x0]  }
0x1e: {  	v1 =	vld [tilespmem:$0x10]  }
0x1f: {  	v0 =	vld [tilespmem:$0x20]  }
0x20: {  	v4 =	vld [tilespmem:$0x80]  }
0x21: {  	v10 =	vimm.f32 $+Inf;
	v8 =	vimm.s32 $0x0;
	s22 =	simm.s32 $0xFFFFFFFC;
	v9 =	vimm.s32 $0x0;
	v2 =	vld [tilespmem:$0x90]  }
0x22: {  	s23 =	simm.s32 $0x3F;
	s24 =	simm.s32 $0x120;
	s25 =	simm.s32 $0x2120;
	v11 =	vimm.s32 $0x0;
	v12 =	vimm.f32 $+Inf;
	v13 =	vimm.f32 $+Inf;
	v5 =	vld [tilespmem:$0xA0]  }
.LBB2_2:
0x23: {  	v6 =	vld [tilespmem:s24+$0xFFFFFFE0]  }
0x24: {  	v7 =	vld [tilespmem:s25+$0xFFFFFFE0];
	_ =	sdelay $0x4  }
0x25: {  	v14 =	vbroadcast v6, $0x0;
	v15 =	vbroadcast v7, $0x0;
	_ =	sdelay $0x1  }
0x26: {  	v44 =	vbroadcast v6, $0x1;
	v16 =	vsub.f32 v3, v14;
	v17 =	vsub.f32 v4, v15  }
0x27: {  	v45 =	vbroadcast v7, $0x1;
	v18 =	vsub.f32 v1, v14;
	v19 =	vsub.f32 v2, v15  }
0x28: {  	v51 =	vbroadcast v6, $0x2;
	v14 =	vsub.f32 v0, v14;
	v15 =	vsub.f32 v5, v15  }
0x29: {  	v52 =	vbroadcast v7, $0x2;
	v46 =	vsub.f32 v3, v44;
	v47 =	vsub.f32 v1, v44  }
0x2a: {  	v60 =	vbroadcast v6, $0x3;
	v48 =	vsub.f32 v2, v45;
	v50 =	vsub.f32 v5, v45  }
0x2b: {  	v61 =	vbroadcast v7, $0x3;
	v53 =	vsub.f32 v3, v51;
	v54 =	vsub.f32 v4, v52  }
0x2c: {  	v22 =	vbroadcast v6, $0x4;
	v56 =	vsub.f32 v1, v51;
	v57 =	vsub.f32 v2, v52  }
0x2d: {  	v23 =	vbroadcast v7, $0x4;
	v62 =	vsub.f32 v4, v61;
	v63 =	vsub.f32 v2, v61  }
0x2e: {  	v29 =	vbroadcast v6, $0x5;
	v21 =	vsub.f32 v5, v61;
	v24 =	vsub.f32 v3, v22  }
0x2f: {  	v30 =	vbroadcast v7, $0x5;
	v25 =	vsub.f32 v1, v22;
	v26 =	vsub.f32 v2, v23  }
0x30: {  	v39 =	vbroadcast v7, $0x6;
	v28 =	vsub.f32 v5, v23;
	v31 =	vsub.f32 v3, v29  }
0x31: {  	v38 =	vbroadcast v6, $0x6;
	v32 =	vsub.f32 v4, v30;
	v34 =	vsub.f32 v1, v29  }
0x32: {  	v35 =	vsub.f32 v2, v30;
	v40 =	vsub.f32 v4, v39;
	v61 =	vbroadcast v7, $0x9  }
0x33: {  	v16 =	vand.u32 $0x7FFFFFFF, v16;
	v17 =	vand.u32 $0x7FFFFFFF, v17;
	v41 =	vand.u32 $0x7FFFFFFF, v18  }
0x34: {  	v42 =	vand.u32 $0x7FFFFFFF, v19;
	v14 =	vand.u32 $0x7FFFFFFF, v14;
	v15 =	vand.u32 $0x7FFFFFFF, v15  }
0x35: {  	v49 =	vand.u32 $0x7FFFFFFF, v48;
	v55 =	vand.u32 $0x7FFFFFFF, v54;
	v58 =	vand.u32 $0x7FFFFFFF, v57  }
0x36: {  	v20 =	vand.u32 $0x7FFFFFFF, v63;
	v27 =	vand.u32 $0x7FFFFFFF, v26;
	v33 =	vand.u32 $0x7FFFFFFF, v32  }
0x37: {  	v36 =	vand.u32 $0x7FFFFFFF, v35;
	v63 =	vsub.f32 v2, v61;
	v16 =	vmax.f32 v16, v17  }
0x38: {  	v43 =	vmax.f32 v41, v42;
	v14 =	vmax.f32 v14, v15;
	v15 =	vsub.f32 v4, v45  }
0x39: {  	v17 =	vsub.f32 v0, v51;
	v41 =	vsub.f32 v2, v39;
	v45 =	vbroadcast v7, $0x7  }
0x3a: {  	v51 =	vbroadcast v6, $0x8;
	vm0 =	vlt.f32 v16, v13;
	v13 =	vmin.f32 v13, v16  }
0x3b: {  	vm7 =	vlt.f32 v43, v12;
	v12 =	vmin.f32 v12, v43;
	vm1 =	vlt.f32 v14, v10  }
0x3c: {  	v10 =	vmin.f32 v10, v14;
	v14 =	vand.u32 $0x7FFFFFFF, v46;
	v16 =	vand.u32 $0x7FFFFFFF, v62  }
0x3d: {  	s26 =	sadd.s32 $0xFFFFFFC1, s23;
	v43 =	vsub.f32 v5, v39;
	v62 =	vsub.f32 v4, v61;
	v39 =	vbroadcast v7, $0xC  }
0x3e: {  	v11 =	vsel vm0, s26, v11;
	v15 =	vand.u32 $0x7FFFFFFF, v15;
	v9 =	vsel vm7, s26, v9  }
0x3f: {  	v8 =	vsel vm1, s26, v8;
	v59 =	vand.u32 $0x7FFFFFFF, v17;
	v17 =	vsub.f32 v0, v29  }
0x40: {  	v42 =	vand.u32 $0x7FFFFFFF, v41;
	v48 =	vsub.f32 v2, v45;
	v29 =	vbroadcast v6, $0xB  }
0x41: {  	v14 =	vmax.f32 v14, v15;
	v15 =	vand.u32 $0x7FFFFFFF, v47;
	v41 =	vsub.f32 v2, v39  }
0x42: {  	vm8 =	vlt.f32 v14, v13;
	v13 =	vmin.f32 v13, v14;
	v14 =	vmax.f32 v15, v49  }
0x43: {  	v15 =	vsub.f32 v0, v44;
	v37 =	vand.u32 $0x7FFFFFFF, v17;
	v44 =	vbroadcast v6, $0x7  }
0x44: {  	s30 =	sadd.s32 $0xFFFFFFC2, s23;
	v49 =	vand.u32 $0x7FFFFFFF, v48;
	v17 =	vsub.f32 v0, v51;
	vm9 =	vlt.f32 v14, v12  }
0x45: {  	v12 =	vmin.f32 v12, v14;
	v11 =	vsel vm8, s30, v11;
	v14 =	vand.u32 $0x7FFFFFFF, v15  }
0x46: {  	v15 =	vand.u32 $0x7FFFFFFF, v50;
	v9 =	vsel vm9, s30, v9;
	v46 =	vsub.f32 v3, v44  }
0x47: {  	v47 =	vsub.f32 v1, v44;
	v50 =	vsub.f32 v5, v45;
	v14 =	vmax.f32 v14, v15  }
0x48: {  	v15 =	vand.u32 $0x7FFFFFFF, v53;
	v53 =	vsub.f32 v3, v51;
	vm10 =	vlt.f32 v14, v10  }
0x49: {  	v15 =	vmax.f32 v15, v55;
	v10 =	vmin.f32 v10, v14;
	v14 =	vand.u32 $0x7FFFFFFF, v56  }
0x4a: {  	v56 =	vsub.f32 v1, v51;
	v51 =	vbroadcast v6, $0xE;
	v8 =	vsel vm10, s30, v8  }
0x4b: {  	s31 =	sadd.s32 $0xFFFFFFC3, s23;
	vm11 =	vlt.f32 v15, v13;
	v13 =	vmin.f32 v13, v15;
	v15 =	vsub.f32 v5, v52  }
0x4c: {  	v14 =	vmax.f32 v14, v58;
	v52 =	vbroadcast v7, $0x8;
	v11 =	vsel vm11, s31, v11  }
0x4d: {  	vm12 =	vlt.f32 v14, v12;
	v12 =	vmin.f32 v12, v14;
	v15 =	vand.u32 $0x7FFFFFFF, v15  }
0x4e: {  	v9 =	vsel vm12, s31, v9;
	v54 =	vsub.f32 v4, v52;
	v57 =	vsub.f32 v2, v52  }
0x4f: {  	v14 =	vmax.f32 v59, v15;
	v15 =	vsub.f32 v3, v60;
	v59 =	vand.u32 $0x7FFFFFFF, v17  }
0x50: {  	v17 =	vsub.f32 v0, v29;
	vm13 =	vlt.f32 v14, v10;
	v10 =	vmin.f32 v10, v14  }
0x51: {  	v14 =	vsub.f32 v1, v60;
	v55 =	vand.u32 $0x7FFFFFFF, v54;
	v15 =	vand.u32 $0x7FFFFFFF, v15  }
0x52: {  	v58 =	vand.u32 $0x7FFFFFFF, v57;
	v8 =	vsel vm13, s31, v8;
	v15 =	vmax.f32 v15, v16  }
0x53: {  	v14 =	vand.u32 $0x7FFFFFFF, v14;
	v16 =	vand.u32 $0x7FFFFFFF, v21;
	v21 =	vsub.f32 v5, v61  }
0x54: {  	v61 =	vbroadcast v7, $0xF;
	vm14 =	vlt.f32 v15, v13;
	v13 =	vmin.f32 v13, v15  }
0x55: {  	s28 =	sadd.s32 $0xFFFFFFC4, s23;
	v14 =	vmax.f32 v14, v20;
	v15 =	vsub.f32 v0, v60;
	v60 =	vbroadcast v6, $0x9  }
0x56: {  	v20 =	vand.u32 $0x7FFFFFFF, v63;
	v11 =	vsel vm14, s28, v11;
	vm15 =	vlt.f32 v14, v12  }
0x57: {  	v12 =	vmin.f32 v12, v14;
	v63 =	vsub.f32 v2, v61;
	v15 =	vand.u32 $0x7FFFFFFF, v15  }
0x58: {  	v9 =	vsel vm15, s28, v9;
	v14 =	vmax.f32 v15, v16;
	v15 =	vsub.f32 v4, v23  }
0x59: {  	v16 =	vand.u32 $0x7FFFFFFF, v40;
	v23 =	vbroadcast v7, $0xA;
	vm4 =	vlt.f32 v14, v10  }
0x5a: {  	v10 =	vmin.f32 v10, v14;
	v14 =	vand.u32 $0x7FFFFFFF, v24;
	v15 =	vand.u32 $0x7FFFFFFF, v15  }
0x5b: {  	v40 =	vsub.f32 v4, v39;
	v8 =	vsel vm4, s28, v8;
	v14 =	vmax.f32 v14, v15  }
0x5c: {  	v26 =	vsub.f32 v2, v23;
	v15 =	vand.u32 $0x7FFFFFFF, v25;
	vm5 =	vlt.f32 v14, v13  }
0x5d: {  	v13 =	vmin.f32 v13, v14;
	v14 =	vmax.f32 v15, v27;
	v15 =	vsub.f32 v0, v22  }
0x5e: {  	s29 =	sadd.s32 $0xFFFFFFC5, s23;
	v22 =	vbroadcast v6, $0xA;
	v27 =	vand.u32 $0x7FFFFFFF, v26;
	vm6 =	vlt.f32 v14, v12  }
0x5f: {  	v12 =	vmin.f32 v12, v14;
	v11 =	vsel vm5, s29, v11;
	v14 =	vand.u32 $0x7FFFFFFF, v15  }
0x60: {  	v15 =	vand.u32 $0x7FFFFFFF, v28;
	v9 =	vsel vm6, s29, v9;
	v24 =	vsub.f32 v3, v22  }
0x61: {  	v25 =	vsub.f32 v1, v22;
	v28 =	vsub.f32 v5, v23;
	v14 =	vmax.f32 v14, v15  }
0x62: {  	v15 =	vand.u32 $0x7FFFFFFF, v31;
	v31 =	vsub.f32 v3, v29;
	vm7 =	vlt.f32 v14, v10  }
0x63: {  	v15 =	vmax.f32 v15, v33;
	v10 =	vmin.f32 v10, v14;
	v14 =	vand.u32 $0x7FFFFFFF, v34  }
0x64: {  	v34 =	vsub.f32 v1, v29;
	v8 =	vsel vm7, s29, v8;
	vm8 =	vlt.f32 v15, v13  }
0x65: {  	s30 =	sadd.s32 $0xFFFFFFC6, s23;
	v13 =	vmin.f32 v13, v15;
	v14 =	vmax.f32 v14, v36;
	v15 =	vsub.f32 v5, v30  }
0x66: {  	v30 =	vbroadcast v7, $0xB;
	v11 =	vsel vm8, s30, v11;
	vm9 =	vlt.f32 v14, v12  }
0x67: {  	v12 =	vmin.f32 v12, v14;
	v15 =	vand.u32 $0x7FFFFFFF, v15;
	v9 =	vsel vm9, s30, v9  }
0x68: {  	v32 =	vsub.f32 v4, v30;
	v35 =	vsub.f32 v2, v30;
	v14 =	vmax.f32 v37, v15  }
0x69: {  	v15 =	vsub.f32 v3, v38;
	v37 =	vand.u32 $0x7FFFFFFF, v17;
	v17 =	vsub.f32 v0, v51  }
0x6a: {  	vm10 =	vlt.f32 v14, v10;
	v10 =	vmin.f32 v10, v14;
	v14 =	vsub.f32 v1, v38  }
0x6b: {  	v33 =	vand.u32 $0x7FFFFFFF, v32;
	v36 =	vand.u32 $0x7FFFFFFF, v35;
	v15 =	vand.u32 $0x7FFFFFFF, v15  }
0x6c: {  	v8 =	vsel vm10, s30, v8;
	v15 =	vmax.f32 v15, v16;
	v14 =	vand.u32 $0x7FFFFFFF, v14  }
0x6d: {  	v16 =	vand.u32 $0x7FFFFFFF, v43;
	v43 =	vsub.f32 v5, v39;
	vm11 =	vlt.f32 v15, v13  }
0x6e: {  	s31 =	sadd.s32 $0xFFFFFFC7, s23;
	v13 =	vmin.f32 v13, v15;
	v14 =	vmax.f32 v14, v42;
	v15 =	vsub.f32 v0, v38  }
0x6f: {  	v38 =	vbroadcast v6, $0xC;
	v42 =	vand.u32 $0x7FFFFFFF, v41;
	v11 =	vsel vm11, s31, v11  }
0x70: {  	vm12 =	vlt.f32 v14, v12;
	v12 =	vmin.f32 v12, v14;
	v15 =	vand.u32 $0x7FFFFFFF, v15  }
0x71: {  	v9 =	vsel vm12, s31, v9;
	v14 =	vmax.f32 v15, v16;
	v15 =	vsub.f32 v4, v45  }
0x72: {  	v16 =	vand.u32 $0x7FFFFFFF, v62;
	v45 =	vbroadcast v7, $0xD;
	vm13 =	vlt.f32 v14, v10  }
0x73: {  	v10 =	vmin.f32 v10, v14;
	v14 =	vand.u32 $0x7FFFFFFF, v46;
	v15 =	vand.u32 $0x7FFFFFFF, v15  }
0x74: {  	v8 =	vsel vm13, s31, v8;
	v48 =	vsub.f32 v2, v45;
	v14 =	vmax.f32 v14, v15  }
0x75: {  	v15 =	vand.u32 $0x7FFFFFFF, v47;
	vm14 =	vlt.f32 v14, v13;
	v13 =	vmin.f32 v13, v14  }
0x76: {  	v14 =	vmax.f32 v15, v49;
	v15 =	vsub.f32 v0, v44;
	v44 =	vbroadcast v6, $0xD  }
0x77: {  	s28 =	sadd.s32 $0xFFFFFFC8, s23;
	v49 =	vand.u32 $0x7FFFFFFF, v48;
	vm15 =	vlt.f32 v14, v12;
	v12 =	vmin.f32 v12, v14  }
0x78: {  	v11 =	vsel vm14, s28, v11;
	v14 =	vand.u32 $0x7FFFFFFF, v15;
	v15 =	vand.u32 $0x7FFFFFFF, v50  }
0x79: {  	v9 =	vsel vm15, s28, v9;
	v46 =	vsub.f32 v3, v44;
	v47 =	vsub.f32 v1, v44  }
0x7a: {  	v50 =	vsub.f32 v5, v45;
	v14 =	vmax.f32 v14, v15;
	v15 =	vand.u32 $0x7FFFFFFF, v53  }
0x7b: {  	v53 =	vsub.f32 v3, v51;
	vm4 =	vlt.f32 v14, v10;
	v15 =	vmax.f32 v15, v55  }
0x7c: {  	v10 =	vmin.f32 v10, v14;
	v14 =	vand.u32 $0x7FFFFFFF, v56;
	v56 =	vsub.f32 v1, v51  }
0x7d: {  	v8 =	vsel vm4, s28, v8;
	vm5 =	vlt.f32 v15, v13;
	v13 =	vmin.f32 v13, v15  }
0x7e: {  	s29 =	sadd.s32 $0xFFFFFFC9, s23;
	v14 =	vmax.f32 v14, v58;
	v15 =	vsub.f32 v5, v52;
	v52 =	vbroadcast v7, $0xE  }
0x7f: {  	v11 =	vsel vm5, s29, v11;
	vm6 =	vlt.f32 v14, v12;
	v12 =	vmin.f32 v12, v14  }
0x80: {  	v15 =	vand.u32 $0x7FFFFFFF, v15;
	v9 =	vsel vm6, s29, v9;
	v54 =	vsub.f32 v4, v52  }
0x81: {  	v57 =	vsub.f32 v2, v52;
	v14 =	vmax.f32 v59, v15;
	v15 =	vsub.f32 v3, v60  }
0x82: {  	v59 =	vand.u32 $0x7FFFFFFF, v17;
	vm7 =	vlt.f32 v14, v10;
	v10 =	vmin.f32 v10, v14  }
0x83: {  	v14 =	vsub.f32 v1, v60;
	v55 =	vand.u32 $0x7FFFFFFF, v54;
	v15 =	vand.u32 $0x7FFFFFFF, v15  }
0x84: {  	v58 =	vand.u32 $0x7FFFFFFF, v57;
	v8 =	vsel vm7, s29, v8;
	v15 =	vmax.f32 v15, v16  }
0x85: {  	v14 =	vand.u32 $0x7FFFFFFF, v14;
	v16 =	vand.u32 $0x7FFFFFFF, v21;
	v21 =	vsub.f32 v5, v61  }
0x86: {  	vm8 =	vlt.f32 v15, v13;
	v13 =	vmin.f32 v13, v15;
	v14 =	vmax.f32 v14, v20  }
0x87: {  	s30 =	sadd.s32 $0xFFFFFFCA, s23;
	v15 =	vsub.f32 v0, v60;
	v60 =	vbroadcast v6, $0xF;
	v6 =	vld [tilespmem:s24+$0xFFFFFFF0];
	v20 =	vand.u32 $0x7FFFFFFF, v63  }
0x88: {  	v11 =	vsel vm8, s30, v11;
	vm9 =	vlt.f32 v14, v12;
	v12 =	vmin.f32 v12, v14  }
0x89: {  	v15 =	vand.u32 $0x7FFFFFFF, v15;
	v9 =	vsel vm9, s30, v9;
	v62 =	vsub.f32 v1, v60  }
0x8a: {  	v14 =	vmax.f32 v15, v16;
	v15 =	vsub.f32 v4, v23;
	v16 =	vand.u32 $0x7FFFFFFF, v40  }
0x8b: {  	vm10 =	vlt.f32 v14, v10;
	v10 =	vmin.f32 v10, v14;
	v14 =	vand.u32 $0x7FFFFFFF, v24  }
0x8c: {  	v15 =	vand.u32 $0x7FFFFFFF, v15;
	v8 =	vsel vm10, s30, v8;
	v29 =	vbroadcast v6, $0x1  }
0x8d: {  	v51 =	vbroadcast v6, $0x4;
	v14 =	vmax.f32 v14, v15;
	v15 =	vand.u32 $0x7FFFFFFF, v25  }
0x8e: {  	vm11 =	vlt.f32 v14, v13;
	v13 =	vmin.f32 v13, v14;
	v14 =	vmax.f32 v15, v27  }
0x8f: {  	s31 =	sadd.s32 $0xFFFFFFCB, s23;
	v15 =	vsub.f32 v0, v22;
	v22 =	vbroadcast v6, $0x0;
	v17 =	vsub.f32 v0, v29  }
0x90: {  	vm12 =	vlt.f32 v14, v12;
	v12 =	vmin.f32 v12, v14;
	v11 =	vsel vm11, s31, v11  }
0x91: {  	v14 =	vand.u32 $0x7FFFFFFF, v15;
	v15 =	vand.u32 $0x7FFFFFFF, v28;
	v9 =	vsel vm12, s31, v9  }
0x92: {  	v24 =	vsub.f32 v3, v22;
	v25 =	vsub.f32 v1, v22;
	v14 =	vmax.f32 v14, v15  }
0x93: {  	v15 =	vand.u32 $0x7FFFFFFF, v31;
	v31 =	vsub.f32 v3, v29;
	vm13 =	vlt.f32 v14, v10  }
0x94: {  	v15 =	vmax.f32 v15, v33;
	v10 =	vmin.f32 v10, v14;
	v14 =	vand.u32 $0x7FFFFFFF, v34  }
0x95: {  	vm14 =	vlt.f32 v15, v13;
	v13 =	vmin.f32 v13, v15;
	v15 =	vsub.f32 v5, v30  }
0x96: {  	v34 =	vsub.f32 v1, v29;
	v29 =	vbroadcast v6, $0x7;
	v14 =	vmax.f32 v14, v36  }
0x97: {  	v8 =	vsel vm13, s31, v8;
	vm15 =	vlt.f32 v14, v12;
	v15 =	vand.u32 $0x7FFFFFFF, v15  }
0x98: {  	v12 =	vmin.f32 v12, v14;
	v14 =	vmax.f32 v37, v15;
	v15 =	vsub.f32 v3, v38  }
0x99: {  	s28 =	sadd.s32 $0xFFFFFFCC, s23;
	vm4 =	vlt.f32 v14, v10;
	v10 =	vmin.f32 v10, v14;
	v14 =	vsub.f32 v1, v38  }
0x9a: {  	v11 =	vsel vm14, s28, v11;
	v9 =	vsel vm15, s28, v9;
	v15 =	vand.u32 $0x7FFFFFFF, v15  }
0x9b: {  	v37 =	vand.u32 $0x7FFFFFFF, v17;
	v15 =	vmax.f32 v15, v16;
	v14 =	vand.u32 $0x7FFFFFFF, v14  }
0x9c: {  	vm5 =	vlt.f32 v15, v13;
	v13 =	vmin.f32 v13, v15;
	v15 =	vsub.f32 v0, v38  }
0x9d: {  	v17 =	vsub.f32 v0, v51;
	v8 =	vsel vm4, s28, v8;
	v14 =	vmax.f32 v14, v42  }
0x9e: {  	v16 =	vand.u32 $0x7FFFFFFF, v43;
	vm6 =	vlt.f32 v14, v12;
	v15 =	vand.u32 $0x7FFFFFFF, v15  }
0x9f: {  	s29 =	sadd.s32 $0xFFFFFFCD, s23;
	v12 =	vmin.f32 v12, v14;
	v14 =	vmax.f32 v15, v16;
	v15 =	vsub.f32 v4, v45  }
0xa0: {  	v38 =	vbroadcast v6, $0x2;
	v11 =	vsel vm5, s29, v11;
	vm7 =	vlt.f32 v14, v10  }
0xa1: {  	v10 =	vmin.f32 v10, v14;
	v14 =	vand.u32 $0x7FFFFFFF, v46;
	v15 =	vand.u32 $0x7FFFFFFF, v15  }
0xa2: {  	v9 =	vsel vm6, s29, v9;
	v16 =	vand.u32 $0x7FFFFFFF, v21;
	v14 =	vmax.f32 v14, v15  }
0xa3: {  	v8 =	vsel vm7, s29, v8;
	v15 =	vand.u32 $0x7FFFFFFF, v47;
	vm8 =	vlt.f32 v14, v13  }
0xa4: {  	v13 =	vmin.f32 v13, v14;
	v14 =	vmax.f32 v15, v49;
	v15 =	vsub.f32 v0, v44  }
0xa5: {  	s30 =	sadd.s32 $0xFFFFFFCE, s23;
	v44 =	vbroadcast v6, $0x3;
	vm9 =	vlt.f32 v14, v12;
	v12 =	vmin.f32 v12, v14  }
0xa6: {  	v11 =	vsel vm8, s30, v11;
	v14 =	vand.u32 $0x7FFFFFFF, v15;
	v15 =	vand.u32 $0x7FFFFFFF, v50  }
0xa7: {  	v9 =	vsel vm9, s30, v9;
	v46 =	vsub.f32 v3, v44;
	v47 =	vsub.f32 v1, v44  }
0xa8: {  	v14 =	vmax.f32 v14, v15;
	v15 =	vand.u32 $0x7FFFFFFF, v53;
	v53 =	vsub.f32 v3, v51  }
0xa9: {  	vm10 =	vlt.f32 v14, v10;
	v15 =	vmax.f32 v15, v55;
	v10 =	vmin.f32 v10, v14  }
0xaa: {  	v14 =	vand.u32 $0x7FFFFFFF, v56;
	v56 =	vsub.f32 v1, v51;
	vm11 =	vlt.f32 v15, v13  }
0xab: {  	v13 =	vmin.f32 v13, v15;
	v14 =	vmax.f32 v14, v58;
	v15 =	vsub.f32 v5, v52  }
0xac: {  	v51 =	vbroadcast v6, $0xA;
	v8 =	vsel vm10, s30, v8;
	vm12 =	vlt.f32 v14, v12  }
0xad: {  	s31 =	sadd.s32 $0xFFFFFFCF, s23;
	v12 =	vmin.f32 v12, v14;
	v14 =	vsub.f32 v3, v60;
	v15 =	vand.u32 $0x7FFFFFFF, v15  }
0xae: {  	v11 =	vsel vm11, s31, v11;
	v7 =	vmax.f32 v59, v15;
	v15 =	vsub.f32 v4, v61  }
0xaf: {  	v9 =	vsel vm12, s31, v9;
	v14 =	vand.u32 $0x7FFFFFFF, v14;
	v59 =	vand.u32 $0x7FFFFFFF, v17  }
0xb0: {  	vm13 =	vlt.f32 v7, v10;
	v10 =	vmin.f32 v10, v7;
	v7 =	vld [tilespmem:s25+$0xFFFFFFF0];
	v15 =	vand.u32 $0x7FFFFFFF, v15  }
0xb1: {  	v17 =	vsub.f32 v0, v29;
	v8 =	vsel vm13, s31, v8;
	v14 =	vmax.f32 v14, v15  }
0xb2: {  	v15 =	vand.u32 $0x7FFFFFFF, v62;
	vm14 =	vlt.f32 v14, v13;
	v13 =	vmin.f32 v13, v14  }
0xb3: {  	s28 =	sadd.s32 $0xFFFFFFD0, s23;
	v14 =	vmax.f32 v15, v20;
	v15 =	vsub.f32 v0, v60;
	v60 =	vbroadcast v6, $0x5  }
0xb4: {  	v11 =	vsel vm14, s28, v11;
	vm15 =	vlt.f32 v14, v12;
	v12 =	vmin.f32 v12, v14  }
0xb5: {  	v23 =	vbroadcast v7, $0x0;
	v15 =	vand.u32 $0x7FFFFFFF, v15;
	v30 =	vbroadcast v7, $0x1  }
0xb6: {  	v9 =	vsel vm15, s28, v9;
	v39 =	vbroadcast v7, $0x2;
	v45 =	vbroadcast v7, $0x3  }
0xb7: {  	v14 =	vmax.f32 v15, v16;
	v15 =	vsub.f32 v4, v23;
	v26 =	vsub.f32 v2, v23  }
0xb8: {  	v52 =	vbroadcast v7, $0x4;
	v28 =	vsub.f32 v5, v23;
	v32 =	vsub.f32 v4, v30  }
0xb9: {  	v61 =	vbroadcast v7, $0x5;
	v35 =	vsub.f32 v2, v30;
	v40 =	vsub.f32 v4, v39  }
0xba: {  	vm4 =	vlt.f32 v14, v10;
	v41 =	vsub.f32 v2, v39;
	v43 =	vsub.f32 v5, v39  }
0xbb: {  	v10 =	vmin.f32 v10, v14;
	v48 =	vsub.f32 v2, v45;
	v50 =	vsub.f32 v5, v45  }
0xbc: {  	v14 =	vand.u32 $0x7FFFFFFF, v24;
	v54 =	vsub.f32 v4, v52;
	v57 =	vsub.f32 v2, v52  }
0xbd: {  	v62 =	vsub.f32 v4, v61;
	v63 =	vsub.f32 v2, v61;
	v23 =	vbroadcast v7, $0x6  }
0xbe: {  	v21 =	vsub.f32 v5, v61;
	v39 =	vbroadcast v7, $0x8;
	v61 =	vbroadcast v7, $0xB  }
0xbf: {  	v8 =	vsel vm4, s28, v8;
	v15 =	vand.u32 $0x7FFFFFFF, v15;
	v27 =	vand.u32 $0x7FFFFFFF, v26  }
0xc0: {  	v33 =	vand.u32 $0x7FFFFFFF, v32;
	v36 =	vand.u32 $0x7FFFFFFF, v35;
	v16 =	vand.u32 $0x7FFFFFFF, v40  }
0xc1: {  	v42 =	vand.u32 $0x7FFFFFFF, v41;
	v49 =	vand.u32 $0x7FFFFFFF, v48;
	v55 =	vand.u32 $0x7FFFFFFF, v54  }
0xc2: {  	v58 =	vand.u32 $0x7FFFFFFF, v57;
	v20 =	vand.u32 $0x7FFFFFFF, v63;
	v26 =	vsub.f32 v2, v23  }
0xc3: {  	v40 =	vsub.f32 v4, v39;
	v41 =	vsub.f32 v2, v39;
	v14 =	vmax.f32 v14, v15  }
0xc4: {  	v63 =	vsub.f32 v2, v61;
	v15 =	vand.u32 $0x7FFFFFFF, v25;
	vm5 =	vlt.f32 v14, v13  }
0xc5: {  	v13 =	vmin.f32 v13, v14;
	v14 =	vmax.f32 v15, v27;
	v15 =	vsub.f32 v0, v22  }
0xc6: {  	s29 =	sadd.s32 $0xFFFFFFD1, s23;
	v22 =	vbroadcast v6, $0x6;
	v27 =	vand.u32 $0x7FFFFFFF, v26;
	vm6 =	vlt.f32 v14, v12  }
0xc7: {  	v12 =	vmin.f32 v12, v14;
	v11 =	vsel vm5, s29, v11;
	v14 =	vand.u32 $0x7FFFFFFF, v15  }
0xc8: {  	v15 =	vand.u32 $0x7FFFFFFF, v28;
	v9 =	vsel vm6, s29, v9;
	v24 =	vsub.f32 v3, v22  }
0xc9: {  	v25 =	vsub.f32 v1, v22;
	v28 =	vsub.f32 v5, v23;
	v14 =	vmax.f32 v14, v15  }
0xca: {  	v15 =	vand.u32 $0x7FFFFFFF, v31;
	v31 =	vsub.f32 v3, v29;
	vm7 =	vlt.f32 v14, v10  }
0xcb: {  	v15 =	vmax.f32 v15, v33;
	v10 =	vmin.f32 v10, v14;
	v14 =	vand.u32 $0x7FFFFFFF, v34  }
0xcc: {  	v34 =	vsub.f32 v1, v29;
	v8 =	vsel vm7, s29, v8;
	vm8 =	vlt.f32 v15, v13  }
0xcd: {  	s30 =	sadd.s32 $0xFFFFFFD2, s23;
	v13 =	vmin.f32 v13, v15;
	v14 =	vmax.f32 v14, v36;
	v15 =	vsub.f32 v5, v30  }
0xce: {  	v30 =	vbroadcast v7, $0x7;
	v11 =	vsel vm8, s30, v11;
	vm9 =	vlt.f32 v14, v12  }
0xcf: {  	v12 =	vmin.f32 v12, v14;
	v15 =	vand.u32 $0x7FFFFFFF, v15;
	v9 =	vsel vm9, s30, v9  }
0xd0: {  	v32 =	vsub.f32 v4, v30;
	v35 =	vsub.f32 v2, v30;
	v14 =	vmax.f32 v37, v15  }
0xd1: {  	v15 =	vsub.f32 v3, v38;
	v37 =	vand.u32 $0x7FFFFFFF, v17;
	v17 =	vsub.f32 v0, v51  }
0xd2: {  	vm10 =	vlt.f32 v14, v10;
	v10 =	vmin.f32 v10, v14;
	v14 =	vsub.f32 v1, v38  }
0xd3: {  	v33 =	vand.u32 $0x7FFFFFFF, v32;
	v36 =	vand.u32 $0x7FFFFFFF, v35;
	v15 =	vand.u32 $0x7FFFFFFF, v15  }
0xd4: {  	v8 =	vsel vm10, s30, v8;
	v15 =	vmax.f32 v15, v16;
	v14 =	vand.u32 $0x7FFFFFFF, v14  }
0xd5: {  	v16 =	vand.u32 $0x7FFFFFFF, v43;
	v43 =	vsub.f32 v5, v39;
	v39 =	vbroadcast v6, $0xE  }
0xd6: {  	vm11 =	vlt.f32 v15, v13;
	v13 =	vmin.f32 v13, v15;
	v15 =	vsub.f32 v0, v38  }
0xd7: {  	s31 =	sadd.s32 $0xFFFFFFD3, s23;
	v14 =	vmax.f32 v14, v42;
	v38 =	vbroadcast v6, $0x8;
	v42 =	vand.u32 $0x7FFFFFFF, v41  }
0xd8: {  	v11 =	vsel vm11, s31, v11;
	vm12 =	vlt.f32 v14, v12;
	v15 =	vand.u32 $0x7FFFFFFF, v15  }
0xd9: {  	v12 =	vmin.f32 v12, v14;
	v9 =	vsel vm12, s31, v9;
	v14 =	vmax.f32 v15, v16  }
0xda: {  	v15 =	vsub.f32 v4, v45;
	v16 =	vand.u32 $0x7FFFFFFF, v62;
	v45 =	vbroadcast v7, $0x9  }
0xdb: {  	v62 =	vsub.f32 v4, v61;
	vm13 =	vlt.f32 v14, v10;
	v10 =	vmin.f32 v10, v14  }
0xdc: {  	v14 =	vand.u32 $0x7FFFFFFF, v46;
	v15 =	vand.u32 $0x7FFFFFFF, v15;
	v8 =	vsel vm13, s31, v8  }
0xdd: {  	v48 =	vsub.f32 v2, v45;
	v14 =	vmax.f32 v14, v15;
	v15 =	vand.u32 $0x7FFFFFFF, v47  }
0xde: {  	vm14 =	vlt.f32 v14, v13;
	v13 =	vmin.f32 v13, v14;
	v14 =	vmax.f32 v15, v49  }
0xdf: {  	s28 =	sadd.s32 $0xFFFFFFD4, s23;
	v15 =	vsub.f32 v0, v44;
	v44 =	vbroadcast v6, $0x9;
	v49 =	vand.u32 $0x7FFFFFFF, v48  }
0xe0: {  	vm15 =	vlt.f32 v14, v12;
	v12 =	vmin.f32 v12, v14;
	v11 =	vsel vm14, s28, v11  }
0xe1: {  	v14 =	vand.u32 $0x7FFFFFFF, v15;
	v15 =	vand.u32 $0x7FFFFFFF, v50;
	v46 =	vsub.f32 v3, v44  }
0xe2: {  	v9 =	vsel vm15, s28, v9;
	v47 =	vsub.f32 v1, v44;
	v50 =	vsub.f32 v5, v45  }
0xe3: {  	v14 =	vmax.f32 v14, v15;
	v15 =	vand.u32 $0x7FFFFFFF, v53;
	v53 =	vsub.f32 v3, v51  }
0xe4: {  	vm4 =	vlt.f32 v14, v10;
	v15 =	vmax.f32 v15, v55;
	v10 =	vmin.f32 v10, v14  }
0xe5: {  	v14 =	vand.u32 $0x7FFFFFFF, v56;
	v56 =	vsub.f32 v1, v51;
	v8 =	vsel vm4, s28, v8  }
0xe6: {  	s29 =	sadd.s32 $0xFFFFFFD5, s23;
	vm5 =	vlt.f32 v15, v13;
	v13 =	vmin.f32 v13, v15;
	v15 =	vsub.f32 v5, v52  }
0xe7: {  	v14 =	vmax.f32 v14, v58;
	v52 =	vbroadcast v7, $0xA;
	v11 =	vsel vm5, s29, v11  }
0xe8: {  	vm6 =	vlt.f32 v14, v12;
	v12 =	vmin.f32 v12, v14;
	v15 =	vand.u32 $0x7FFFFFFF, v15  }
0xe9: {  	v9 =	vsel vm6, s29, v9;
	v54 =	vsub.f32 v4, v52;
	v57 =	vsub.f32 v2, v52  }
0xea: {  	v14 =	vmax.f32 v59, v15;
	v15 =	vsub.f32 v3, v60;
	v59 =	vand.u32 $0x7FFFFFFF, v17  }
0xeb: {  	vm7 =	vlt.f32 v14, v10;
	v10 =	vmin.f32 v10, v14;
	v14 =	vsub.f32 v1, v60  }
0xec: {  	v55 =	vand.u32 $0x7FFFFFFF, v54;
	v58 =	vand.u32 $0x7FFFFFFF, v57;
	v15 =	vand.u32 $0x7FFFFFFF, v15  }
0xed: {  	v8 =	vsel vm7, s29, v8;
	v15 =	vmax.f32 v15, v16;
	v14 =	vand.u32 $0x7FFFFFFF, v14  }
0xee: {  	v16 =	vand.u32 $0x7FFFFFFF, v21;
	v21 =	vand.u32 $0x7FFFFFFF, v63;
	vm8 =	vlt.f32 v15, v13  }
0xef: {  	s30 =	sadd.s32 $0xFFFFFFD6, s23;
	v13 =	vmin.f32 v13, v15;
	v14 =	vmax.f32 v14, v20;
	v15 =	vsub.f32 v0, v60  }
0xf0: {  	v60 =	vbroadcast v6, $0xB;
	v11 =	vsel vm8, s30, v11;
	vm9 =	vlt.f32 v14, v12  }
0xf1: {  	v12 =	vmin.f32 v12, v14;
	v15 =	vand.u32 $0x7FFFFFFF, v15;
	v9 =	vsel vm9, s30, v9  }
0xf2: {  	v14 =	vmax.f32 v15, v16;
	v15 =	vsub.f32 v4, v23;
	v16 =	vand.u32 $0x7FFFFFFF, v40  }
0xf3: {  	v23 =	vbroadcast v6, $0xC;
	v40 =	vbroadcast v7, $0xE;
	vm10 =	vlt.f32 v14, v10  }
0xf4: {  	v10 =	vmin.f32 v10, v14;
	v14 =	vand.u32 $0x7FFFFFFF, v24;
	v15 =	vand.u32 $0x7FFFFFFF, v15  }
0xf5: {  	v24 =	vbroadcast v7, $0xC;
	v8 =	vsel vm10, s30, v8;
	v14 =	vmax.f32 v14, v15  }
0xf6: {  	v26 =	vsub.f32 v1, v23;
	v15 =	vand.u32 $0x7FFFFFFF, v25;
	vm11 =	vlt.f32 v14, v13  }
0xf7: {  	v13 =	vmin.f32 v13, v14;
	v14 =	vmax.f32 v15, v27;
	v15 =	vsub.f32 v0, v22  }
0xf8: {  	v41 =	vsub.f32 v4, v40;
	v25 =	vsub.f32 v3, v23;
	vm12 =	vlt.f32 v14, v12  }
0xf9: {  	v12 =	vmin.f32 v12, v14;
	v14 =	vand.u32 $0x7FFFFFFF, v15;
	v15 =	vand.u32 $0x7FFFFFFF, v28  }
0xfa: {  	v29 =	vsub.f32 v5, v24;
	v22 =	vsub.f32 v5, v61;
	v14 =	vmax.f32 v14, v15  }
0xfb: {  	v27 =	vsub.f32 v2, v24;
	v15 =	vand.u32 $0x7FFFFFFF, v31;
	vm13 =	vlt.f32 v14, v10  }
0xfc: {  	v15 =	vmax.f32 v15, v33;
	v10 =	vmin.f32 v10, v14;
	v14 =	vand.u32 $0x7FFFFFFF, v34  }
0xfd: {  	s31 =	sadd.s32 $0xFFFFFFD7, s23;
	vm14 =	vlt.f32 v15, v13;
	v13 =	vmin.f32 v13, v15;
	v15 =	vsub.f32 v5, v30  }
0xfe: {  	v11 =	vsel vm11, s31, v11;
	v9 =	vsel vm12, s31, v9;
	v14 =	vmax.f32 v14, v36  }
0xff: {  	v28 =	vand.u32 $0x7FFFFFFF, v27;
	vm15 =	vlt.f32 v14, v12;
	v15 =	vand.u32 $0x7FFFFFFF, v15  }
0x100: {  	v12 =	vmin.f32 v12, v14;
	v14 =	vmax.f32 v37, v15;
	v15 =	vsub.f32 v3, v38  }
0x101: {  	vm4 =	vlt.f32 v14, v10;
	v10 =	vmin.f32 v10, v14;
	v14 =	vsub.f32 v1, v38  }
0x102: {  	v31 =	vbroadcast v7, $0xD;
	v8 =	vsel vm13, s31, v8;
	v15 =	vand.u32 $0x7FFFFFFF, v15  }
0x103: {  	v30 =	vbroadcast v6, $0xD;
	v15 =	vmax.f32 v15, v16;
	v14 =	vand.u32 $0x7FFFFFFF, v14  }
0x104: {  	vm5 =	vlt.f32 v15, v13;
	v13 =	vmin.f32 v13, v15;
	v15 =	vsub.f32 v0, v38  }
0x105: {  	v33 =	vsub.f32 v4, v31;
	v36 =	vsub.f32 v2, v31;
	v14 =	vmax.f32 v14, v42  }
0x106: {  	v16 =	vand.u32 $0x7FFFFFFF, v43;
	vm6 =	vlt.f32 v14, v12;
	v15 =	vand.u32 $0x7FFFFFFF, v15  }
0x107: {  	s28 =	sadd.s32 $0xFFFFFFD8, s23;
	v12 =	vmin.f32 v12, v14;
	v14 =	vmax.f32 v15, v16;
	v15 =	vsub.f32 v4, v45  }
0x108: {  	v11 =	vsel vm14, s28, v11;
	v9 =	vsel vm15, s28, v9;
	vm7 =	vlt.f32 v14, v10  }
0x109: {  	v10 =	vmin.f32 v10, v14;
	v14 =	vand.u32 $0x7FFFFFFF, v46;
	v15 =	vand.u32 $0x7FFFFFFF, v15  }
0x10a: {  	v32 =	vsub.f32 v3, v30;
	v34 =	vand.u32 $0x7FFFFFFF, v33;
	v14 =	vmax.f32 v14, v15  }
0x10b: {  	v35 =	vsub.f32 v1, v30;
	v15 =	vand.u32 $0x7FFFFFFF, v47;
	vm8 =	vlt.f32 v14, v13  }
0x10c: {  	v13 =	vmin.f32 v13, v14;
	v14 =	vmax.f32 v15, v49;
	v15 =	vsub.f32 v0, v44  }
0x10d: {  	v17 =	vsub.f32 v0, v30;
	v37 =	vand.u32 $0x7FFFFFFF, v36;
	vm9 =	vlt.f32 v14, v12  }
0x10e: {  	v12 =	vmin.f32 v12, v14;
	v14 =	vand.u32 $0x7FFFFFFF, v15;
	v15 =	vand.u32 $0x7FFFFFFF, v50  }
0x10f: {  	v8 =	vsel vm4, s28, v8;
	v38 =	vand.u32 $0x7FFFFFFF, v17;
	v14 =	vmax.f32 v14, v15  }
0x110: {  	v42 =	vsub.f32 v2, v40;
	v15 =	vand.u32 $0x7FFFFFFF, v53;
	vm10 =	vlt.f32 v14, v10  }
0x111: {  	v15 =	vmax.f32 v15, v55;
	v10 =	vmin.f32 v10, v14;
	v14 =	vand.u32 $0x7FFFFFFF, v56  }
0x112: {  	s29 =	sadd.s32 $0xFFFFFFD9, s23;
	vm11 =	vlt.f32 v15, v13;
	v13 =	vmin.f32 v13, v15;
	v15 =	vsub.f32 v5, v52  }
0x113: {  	v11 =	vsel vm5, s29, v11;
	v9 =	vsel vm6, s29, v9;
	v14 =	vmax.f32 v14, v58  }
0x114: {  	v43 =	vand.u32 $0x7FFFFFFF, v42;
	vm12 =	vlt.f32 v14, v12;
	v15 =	vand.u32 $0x7FFFFFFF, v15  }
0x115: {  	v12 =	vmin.f32 v12, v14;
	v14 =	vmax.f32 v59, v15;
	v15 =	vsub.f32 v3, v60  }
0x116: {  	vm13 =	vlt.f32 v14, v10;
	v10 =	vmin.f32 v10, v14;
	v14 =	vsub.f32 v1, v60  }
0x117: {  	v16 =	vand.u32 $0x7FFFFFFF, v62;
	v45 =	vbroadcast v6, $0xF;
	v15 =	vand.u32 $0x7FFFFFFF, v15  }
0x118: {  	v46 =	vbroadcast v7, $0xF;
	v15 =	vmax.f32 v15, v16;
	v14 =	vand.u32 $0x7FFFFFFF, v14  }
0x119: {  	vm14 =	vlt.f32 v15, v13;
	v13 =	vmin.f32 v13, v15;
	v15 =	vsub.f32 v0, v60  }
0x11a: {  	v8 =	vsel vm7, s29, v8;
	v47 =	vsub.f32 v1, v45;
	v14 =	vmax.f32 v14, v21  }
0x11b: {  	v16 =	vand.u32 $0x7FFFFFFF, v22;
	vm15 =	vlt.f32 v14, v12;
	v15 =	vand.u32 $0x7FFFFFFF, v15  }
0x11c: {  	v12 =	vmin.f32 v12, v14;
	v14 =	vmax.f32 v15, v16;
	v15 =	vsub.f32 v4, v24  }
0x11d: {  	v48 =	vsub.f32 v2, v46;
	v44 =	vsub.f32 v5, v40;
	vm4 =	vlt.f32 v14, v10  }
0x11e: {  	s30 =	sadd.s32 $0xFFFFFFDA, s23;
	v10 =	vmin.f32 v10, v14;
	v14 =	vand.u32 $0x7FFFFFFF, v25;
	v15 =	vand.u32 $0x7FFFFFFF, v15  }
0x11f: {  	v11 =	vsel vm8, s30, v11;
	v49 =	vand.u32 $0x7FFFFFFF, v48;
	v14 =	vmax.f32 v14, v15  }
0x120: {  	v9 =	vsel vm9, s30, v9;
	v15 =	vand.u32 $0x7FFFFFFF, v26;
	vm5 =	vlt.f32 v14, v13  }
0x121: {  	v13 =	vmin.f32 v13, v14;
	v14 =	vmax.f32 v15, v28;
	v15 =	vsub.f32 v0, v23  }
0x122: {  	v7 =	vand.u32 $0x7FFFFFFF, v44;
	v50 =	vsub.f32 v5, v46;
	vm6 =	vlt.f32 v14, v12  }
0x123: {  	s31 =	sadd.s32 $0xFFFFFFDB, s23;
	v12 =	vmin.f32 v12, v14;
	v14 =	vand.u32 $0x7FFFFFFF, v15;
	v15 =	vand.u32 $0x7FFFFFFF, v29  }
0x124: {  	v8 =	vsel vm10, s30, v8;
	v11 =	vsel vm11, s31, v11;
	v14 =	vmax.f32 v14, v15  }
0x125: {  	v9 =	vsel vm12, s31, v9;
	v15 =	vand.u32 $0x7FFFFFFF, v32;
	vm7 =	vlt.f32 v14, v10  }
0x126: {  	v15 =	vmax.f32 v15, v34;
	v10 =	vmin.f32 v10, v14;
	v14 =	vand.u32 $0x7FFFFFFF, v35  }
0x127: {  	s28 =	sadd.s32 $0xFFFFFFDC, s23;
	vm8 =	vlt.f32 v15, v13;
	v13 =	vmin.f32 v13, v15;
	v15 =	vsub.f32 v5, v31  }
0x128: {  	v8 =	vsel vm13, s31, v8;
	v11 =	vsel vm14, s28, v11;
	v14 =	vmax.f32 v14, v37  }
0x129: {  	v9 =	vsel vm15, s28, v9;
	vm9 =	vlt.f32 v14, v12;
	v15 =	vand.u32 $0x7FFFFFFF, v15  }
0x12a: {  	v12 =	vmin.f32 v12, v14;
	v14 =	vmax.f32 v38, v15;
	v15 =	vsub.f32 v3, v39  }
0x12b: {  	v16 =	vand.u32 $0x7FFFFFFF, v41;
	v8 =	vsel vm4, s28, v8;
	vm10 =	vlt.f32 v14, v10  }
0x12c: {  	s29 =	sadd.s32 $0xFFFFFFDD, s23;
	v10 =	vmin.f32 v10, v14;
	v14 =	vsub.f32 v1, v39;
	v15 =	vand.u32 $0x7FFFFFFF, v15  }
0x12d: {  	v11 =	vsel vm5, s29, v11;
	v9 =	vsel vm6, s29, v9;
	v15 =	vmax.f32 v15, v16  }
0x12e: {  	v8 =	vsel vm7, s29, v8;
	v14 =	vand.u32 $0x7FFFFFFF, v14;
	vm11 =	vlt.f32 v15, v13  }
0x12f: {  	s30 =	sadd.s32 $0xFFFFFFDE, s23;
	v13 =	vmin.f32 v13, v15;
	v14 =	vmax.f32 v14, v43;
	v15 =	vsub.f32 v0, v39  }
0x130: {  	v11 =	vsel vm8, s30, v11;
	vm12 =	vlt.f32 v14, v12;
	v12 =	vmin.f32 v12, v14  }
0x131: {  	s31 =	sadd.s32 $0xFFFFFFDF, s23;
	v14 =	vsub.f32 v4, v46;
	v6 =	vand.u32 $0x7FFFFFFF, v15;
	v15 =	vsub.f32 v3, v45  }
0x132: {  	v9 =	vsel vm9, s30, v9;
	v8 =	vsel vm10, s30, v8;
	v11 =	vsel vm11, s31, v11  }
0x133: {  	v7 =	vmax.f32 v6, v7;
	v6 =	vld [tilespmem:s24+$0x0];
	v14 =	vand.u32 $0x7FFFFFFF, v14;
	v15 =	vand.u32 $0x7FFFFFFF, v15  }
0x134: {  	v9 =	vsel vm12, s31, v9;
	vm13 =	vlt.f32 v7, v10;
	v14 =	vmax.f32 v15, v14  }
0x135: {  	v10 =	vmin.f32 v10, v7;
	v15 =	vand.u32 $0x7FFFFFFF, v47;
	vm14 =	vlt.f32 v14, v13  }
0x136: {  	v13 =	vmin.f32 v13, v14;
	v14 =	vmax.f32 v15, v49;
	v15 =	vsub.f32 v0, v45  }
0x137: {  	s28 =	sadd.s32 $0xFFFFFFE0, s23;
	v7 =	vld [tilespmem:s25+$0x0];
	v8 =	vsel vm13, s31, v8;
	vm15 =	vlt.f32 v14, v12;
	v12 =	vmin.f32 v12, v14  }
0x138: {  	v11 =	vsel vm14, s28, v11;
	v51 =	vbroadcast v6, $0x0;
	v14 =	vand.u32 $0x7FFFFFFF, v15  }
0x139: {  	v15 =	vand.u32 $0x7FFFFFFF, v50;
	v60 =	vbroadcast v6, $0x1;
	v23 =	vbroadcast v6, $0x2  }
0x13a: {  	v9 =	vsel vm15, s28, v9;
	v30 =	vbroadcast v6, $0x3;
	v39 =	vbroadcast v6, $0x4  }
0x13b: {  	v45 =	vbroadcast v6, $0x5;
	v53 =	vsub.f32 v3, v51;
	v56 =	vsub.f32 v1, v51  }
0x13c: {  	v52 =	vbroadcast v7, $0x0;
	v17 =	vsub.f32 v0, v51;
	v25 =	vsub.f32 v3, v23  }
0x13d: {  	v14 =	vmax.f32 v14, v15;
	v26 =	vsub.f32 v1, v23;
	v32 =	vsub.f32 v3, v30  }
0x13e: {  	v61 =	vbroadcast v7, $0x1;
	v35 =	vsub.f32 v1, v30;
	v47 =	vsub.f32 v3, v45  }
0x13f: {  	v24 =	vbroadcast v7, $0x2;
	v48 =	vsub.f32 v1, v45;
	v54 =	vsub.f32 v4, v52  }
0x140: {  	v31 =	vbroadcast v7, $0x3;
	v57 =	vsub.f32 v2, v52;
	v62 =	vsub.f32 v4, v61  }
0x141: {  	v40 =	vbroadcast v7, $0x4;
	v63 =	vsub.f32 v2, v61;
	v22 =	vsub.f32 v5, v61  }
0x142: {  	v46 =	vbroadcast v7, $0x5;
	v27 =	vsub.f32 v2, v24;
	v29 =	vsub.f32 v5, v24  }
0x143: {  	vm4 =	vlt.f32 v14, v10;
	v33 =	vsub.f32 v4, v31;
	v36 =	vsub.f32 v2, v31  }
0x144: {  	v10 =	vmin.f32 v10, v14;
	v41 =	vsub.f32 v4, v40;
	v42 =	vsub.f32 v2, v40  }
0x145: {  	v8 =	vsel vm4, s28, v8;
	v44 =	vsub.f32 v5, v40;
	v49 =	vsub.f32 v2, v46  }
0x146: {  	v51 =	vsub.f32 v5, v46;
	v61 =	vbroadcast v6, $0x7;
	v40 =	vbroadcast v6, $0xA  }
0x147: {  	v15 =	vand.u32 $0x7FFFFFFF, v53;
	v14 =	vand.u32 $0x7FFFFFFF, v56;
	v59 =	vand.u32 $0x7FFFFFFF, v17  }
0x148: {  	v17 =	vsub.f32 v0, v30;
	v53 =	vbroadcast v7, $0x6;
	v55 =	vand.u32 $0x7FFFFFFF, v54  }
0x149: {  	v58 =	vand.u32 $0x7FFFFFFF, v57;
	v16 =	vand.u32 $0x7FFFFFFF, v62;
	v21 =	vand.u32 $0x7FFFFFFF, v63  }
0x14a: {  	v28 =	vand.u32 $0x7FFFFFFF, v27;
	v34 =	vand.u32 $0x7FFFFFFF, v33;
	v37 =	vand.u32 $0x7FFFFFFF, v36  }
0x14b: {  	v43 =	vand.u32 $0x7FFFFFFF, v42;
	v50 =	vand.u32 $0x7FFFFFFF, v49;
	v62 =	vbroadcast v7, $0x7  }
0x14c: {  	v15 =	vmax.f32 v15, v55;
	v14 =	vmax.f32 v14, v58;
	v38 =	vand.u32 $0x7FFFFFFF, v17  }
0x14d: {  	v55 =	vsub.f32 v4, v53;
	v58 =	vsub.f32 v2, v53;
	vm5 =	vlt.f32 v15, v13  }
0x14e: {  	v13 =	vmin.f32 v13, v15;
	v15 =	vsub.f32 v5, v52;
	vm6 =	vlt.f32 v14, v12  }
0x14f: {  	s29 =	sadd.s32 $0xFFFFFFE1, s23;
	v12 =	vmin.f32 v12, v14;
	v52 =	vbroadcast v6, $0x6;
	v63 =	vsub.f32 v4, v62  }
0x150: {  	v11 =	vsel vm5, s29, v11;
	v9 =	vsel vm6, s29, v9;
	v56 =	vand.u32 $0x7FFFFFFF, v55  }
0x151: {  	v15 =	vand.u32 $0x7FFFFFFF, v15;
	v54 =	vsub.f32 v3, v52;
	v57 =	vsub.f32 v1, v52  }
0x152: {  	v17 =	vsub.f32 v0, v52;
	v14 =	vmax.f32 v59, v15;
	v15 =	vsub.f32 v3, v60  }
0x153: {  	vm7 =	vlt.f32 v14, v10;
	v10 =	vmin.f32 v10, v14;
	v14 =	vsub.f32 v1, v60  }
0x154: {  	v59 =	vand.u32 $0x7FFFFFFF, v58;
	v8 =	vsel vm7, s29, v8;
	v15 =	vand.u32 $0x7FFFFFFF, v15  }
0x155: {  	v15 =	vmax.f32 v15, v16;
	v14 =	vand.u32 $0x7FFFFFFF, v14;
	v16 =	vand.u32 $0x7FFFFFFF, v22  }
0x156: {  	vm8 =	vlt.f32 v15, v13;
	v13 =	vmin.f32 v13, v15;
	v14 =	vmax.f32 v14, v21  }
0x157: {  	s30 =	sadd.s32 $0xFFFFFFE2, s23;
	v15 =	vsub.f32 v0, v60;
	v60 =	vand.u32 $0x7FFFFFFF, v17;
	v21 =	vsub.f32 v2, v62  }
0x158: {  	v11 =	vsel vm8, s30, v11;
	vm9 =	vlt.f32 v14, v12;
	v12 =	vmin.f32 v12, v14  }
0x159: {  	v15 =	vand.u32 $0x7FFFFFFF, v15;
	v9 =	vsel vm9, s30, v9;
	v22 =	vand.u32 $0x7FFFFFFF, v21  }
0x15a: {  	v14 =	vmax.f32 v15, v16;
	v15 =	vsub.f32 v4, v24;
	v16 =	vand.u32 $0x7FFFFFFF, v41  }
0x15b: {  	v24 =	vbroadcast v6, $0x8;
	v41 =	vbroadcast v7, $0xA;
	vm10 =	vlt.f32 v14, v10  }
0x15c: {  	v10 =	vmin.f32 v10, v14;
	v14 =	vand.u32 $0x7FFFFFFF, v25;
	v25 =	vbroadcast v7, $0x8  }
0x15d: {  	v15 =	vand.u32 $0x7FFFFFFF, v15;
	v8 =	vsel vm10, s30, v8;
	v27 =	vsub.f32 v1, v24  }
0x15e: {  	v42 =	vsub.f32 v4, v41;
	v14 =	vmax.f32 v14, v15;
	v15 =	vand.u32 $0x7FFFFFFF, v26  }
0x15f: {  	v26 =	vsub.f32 v3, v24;
	v30 =	vsub.f32 v5, v25;
	vm11 =	vlt.f32 v14, v13  }
0x160: {  	v13 =	vmin.f32 v13, v14;
	v14 =	vmax.f32 v15, v28;
	v15 =	vsub.f32 v0, v23  }
0x161: {  	s31 =	sadd.s32 $0xFFFFFFE3, s23;
	v23 =	vsub.f32 v5, v62;
	v28 =	vsub.f32 v2, v25;
	v62 =	vbroadcast v6, $0xD  }
0x162: {  	vm12 =	vlt.f32 v14, v12;
	v12 =	vmin.f32 v12, v14;
	v11 =	vsel vm11, s31, v11  }
0x163: {  	v14 =	vand.u32 $0x7FFFFFFF, v15;
	v15 =	vand.u32 $0x7FFFFFFF, v29;
	v9 =	vsel vm12, s31, v9  }
0x164: {  	v29 =	vand.u32 $0x7FFFFFFF, v28;
	v14 =	vmax.f32 v14, v15;
	v15 =	vand.u32 $0x7FFFFFFF, v32  }
0x165: {  	v32 =	vbroadcast v7, $0x9;
	vm13 =	vlt.f32 v14, v10;
	v15 =	vmax.f32 v15, v34  }
0x166: {  	v10 =	vmin.f32 v10, v14;
	v14 =	vand.u32 $0x7FFFFFFF, v35;
	v8 =	vsel vm13, s31, v8  }
0x167: {  	vm14 =	vlt.f32 v15, v13;
	v13 =	vmin.f32 v13, v15;
	v14 =	vmax.f32 v14, v37  }
0x168: {  	s28 =	sadd.s32 $0xFFFFFFE4, s23;
	v15 =	vsub.f32 v5, v31;
	v31 =	vbroadcast v6, $0x9;
	v34 =	vsub.f32 v4, v32  }
0x169: {  	v37 =	vsub.f32 v2, v32;
	v11 =	vsel vm14, s28, v11;
	vm15 =	vlt.f32 v14, v12  }
0x16a: {  	v12 =	vmin.f32 v12, v14;
	v15 =	vand.u32 $0x7FFFFFFF, v15;
	v9 =	vsel vm15, s28, v9  }
0x16b: {  	v33 =	vsub.f32 v3, v31;
	v35 =	vand.u32 $0x7FFFFFFF, v34;
	v36 =	vsub.f32 v1, v31  }
0x16c: {  	v17 =	vsub.f32 v0, v31;
	v14 =	vmax.f32 v38, v15;
	v15 =	vsub.f32 v3, v39  }
0x16d: {  	vm4 =	vlt.f32 v14, v10;
	v10 =	vmin.f32 v10, v14;
	v14 =	vsub.f32 v1, v39  }
0x16e: {  	v38 =	vand.u32 $0x7FFFFFFF, v37;
	v8 =	vsel vm4, s28, v8;
	v15 =	vand.u32 $0x7FFFFFFF, v15  }
0x16f: {  	v15 =	vmax.f32 v15, v16;
	v14 =	vand.u32 $0x7FFFFFFF, v14;
	v16 =	vand.u32 $0x7FFFFFFF, v44  }
0x170: {  	vm5 =	vlt.f32 v15, v13;
	v13 =	vmin.f32 v13, v15;
	v14 =	vmax.f32 v14, v43  }
0x171: {  	s29 =	sadd.s32 $0xFFFFFFE5, s23;
	v15 =	vsub.f32 v0, v39;
	v39 =	vand.u32 $0x7FFFFFFF, v17;
	v43 =	vsub.f32 v2, v41  }
0x172: {  	v11 =	vsel vm5, s29, v11;
	vm6 =	vlt.f32 v14, v12;
	v12 =	vmin.f32 v12, v14  }
0x173: {  	v15 =	vand.u32 $0x7FFFFFFF, v15;
	v9 =	vsel vm6, s29, v9;
	v44 =	vand.u32 $0x7FFFFFFF, v43  }
0x174: {  	v14 =	vmax.f32 v15, v16;
	v15 =	vsub.f32 v4, v46;
	v16 =	vand.u32 $0x7FFFFFFF, v63  }
0x175: {  	v46 =	vbroadcast v6, $0xB;
	v63 =	vbroadcast v7, $0xD;
	vm7 =	vlt.f32 v14, v10  }
0x176: {  	v10 =	vmin.f32 v10, v14;
	v14 =	vand.u32 $0x7FFFFFFF, v47;
	v47 =	vbroadcast v7, $0xB  }
0x177: {  	v15 =	vand.u32 $0x7FFFFFFF, v15;
	v8 =	vsel vm7, s29, v8;
	v49 =	vsub.f32 v1, v46  }
0x178: {  	v21 =	vsub.f32 v4, v63;
	v14 =	vmax.f32 v14, v15;
	v15 =	vand.u32 $0x7FFFFFFF, v48  }
0x179: {  	v48 =	vsub.f32 v3, v46;
	v52 =	vsub.f32 v5, v47;
	vm8 =	vlt.f32 v14, v13  }
0x17a: {  	v13 =	vmin.f32 v13, v14;
	v14 =	vmax.f32 v15, v50;
	v15 =	vsub.f32 v0, v45  }
0x17b: {  	s30 =	sadd.s32 $0xFFFFFFE6, s23;
	v45 =	vsub.f32 v5, v41;
	v50 =	vsub.f32 v2, v47;
	vm9 =	vlt.f32 v14, v12  }
0x17c: {  	v12 =	vmin.f32 v12, v14;
	v11 =	vsel vm8, s30, v11;
	v14 =	vand.u32 $0x7FFFFFFF, v15  }
0x17d: {  	v15 =	vand.u32 $0x7FFFFFFF, v51;
	v9 =	vsel vm9, s30, v9;
	v51 =	vand.u32 $0x7FFFFFFF, v50  }
0x17e: {  	v14 =	vmax.f32 v14, v15;
	v15 =	vand.u32 $0x7FFFFFFF, v54;
	v54 =	vbroadcast v7, $0xC  }
0x17f: {  	vm10 =	vlt.f32 v14, v10;
	v15 =	vmax.f32 v15, v56;
	v10 =	vmin.f32 v10, v14  }
0x180: {  	v14 =	vand.u32 $0x7FFFFFFF, v57;
	v8 =	vsel vm10, s30, v8;
	vm11 =	vlt.f32 v15, v13  }
0x181: {  	v13 =	vmin.f32 v13, v15;
	v14 =	vmax.f32 v14, v59;
	v15 =	vsub.f32 v5, v53  }
0x182: {  	s31 =	sadd.s32 $0xFFFFFFE7, s23;
	v53 =	vbroadcast v6, $0xC;
	v56 =	vsub.f32 v4, v54;
	v59 =	vsub.f32 v2, v54  }
0x183: {  	v11 =	vsel vm11, s31, v11;
	vm12 =	vlt.f32 v14, v12;
	v15 =	vand.u32 $0x7FFFFFFF, v15  }
0x184: {  	v12 =	vmin.f32 v12, v14;
	v14 =	vmax.f32 v60, v15;
	v15 =	vsub.f32 v3, v61  }
0x185: {  	vm13 =	vlt.f32 v14, v10;
	v10 =	vmin.f32 v10, v14;
	v14 =	vsub.f32 v1, v61  }
0x186: {  	v9 =	vsel vm12, s31, v9;
	v55 =	vsub.f32 v3, v53;
	v15 =	vand.u32 $0x7FFFFFFF, v15  }
0x187: {  	v57 =	vand.u32 $0x7FFFFFFF, v56;
	v15 =	vmax.f32 v15, v16;
	v14 =	vand.u32 $0x7FFFFFFF, v14  }
0x188: {  	vm14 =	vlt.f32 v15, v13;
	v13 =	vmin.f32 v13, v15;
	v15 =	vsub.f32 v0, v61  }
0x189: {  	v58 =	vsub.f32 v1, v53;
	v17 =	vsub.f32 v0, v53;
	v14 =	vmax.f32 v14, v22  }
0x18a: {  	v16 =	vand.u32 $0x7FFFFFFF, v23;
	vm15 =	vlt.f32 v14, v12;
	v15 =	vand.u32 $0x7FFFFFFF, v15  }
0x18b: {  	v12 =	vmin.f32 v12, v14;
	v14 =	vmax.f32 v15, v16;
	v15 =	vsub.f32 v4, v25  }
0x18c: {  	v60 =	vand.u32 $0x7FFFFFFF, v59;
	v8 =	vsel vm13, s31, v8;
	vm4 =	vlt.f32 v14, v10  }
0x18d: {  	v10 =	vmin.f32 v10, v14;
	v14 =	vand.u32 $0x7FFFFFFF, v26;
	v15 =	vand.u32 $0x7FFFFFFF, v15  }
0x18e: {  	s28 =	sadd.s32 $0xFFFFFFE8, s23;
	v61 =	vand.u32 $0x7FFFFFFF, v17;
	v22 =	vsub.f32 v2, v63;
	v14 =	vmax.f32 v14, v15  }
0x18f: {  	v11 =	vsel vm14, s28, v11;
	v15 =	vand.u32 $0x7FFFFFFF, v27;
	vm5 =	vlt.f32 v14, v13  }
0x190: {  	v13 =	vmin.f32 v13, v14;
	v14 =	vmax.f32 v15, v29;
	v15 =	vsub.f32 v0, v24  }
0x191: {  	v9 =	vsel vm15, s28, v9;
	v23 =	vand.u32 $0x7FFFFFFF, v22;
	vm6 =	vlt.f32 v14, v12  }
0x192: {  	v12 =	vmin.f32 v12, v14;
	v14 =	vand.u32 $0x7FFFFFFF, v15;
	v15 =	vand.u32 $0x7FFFFFFF, v30  }
0x193: {  	v16 =	vand.u32 $0x7FFFFFFF, v42;
	v25 =	vbroadcast v6, $0xE;
	v14 =	vmax.f32 v14, v15  }
0x194: {  	v26 =	vbroadcast v7, $0xE;
	v15 =	vand.u32 $0x7FFFFFFF, v33;
	vm7 =	vlt.f32 v14, v10  }
0x195: {  	v15 =	vmax.f32 v15, v35;
	v10 =	vmin.f32 v10, v14;
	v14 =	vand.u32 $0x7FFFFFFF, v36  }
0x196: {  	vm8 =	vlt.f32 v15, v13;
	v13 =	vmin.f32 v13, v15;
	v15 =	vsub.f32 v5, v32  }
0x197: {  	v8 =	vsel vm4, s28, v8;
	v28 =	vsub.f32 v1, v25;
	v14 =	vmax.f32 v14, v38  }
0x198: {  	v27 =	vsub.f32 v3, v25;
	vm9 =	vlt.f32 v14, v12;
	v15 =	vand.u32 $0x7FFFFFFF, v15  }
0x199: {  	v12 =	vmin.f32 v12, v14;
	v14 =	vmax.f32 v39, v15;
	v15 =	vsub.f32 v3, v40  }
0x19a: {  	vm10 =	vlt.f32 v14, v10;
	v10 =	vmin.f32 v10, v14;
	v14 =	vsub.f32 v1, v40  }
0x19b: {  	v31 =	vsub.f32 v5, v26;
	v24 =	vsub.f32 v5, v63;
	v15 =	vand.u32 $0x7FFFFFFF, v15  }
0x19c: {  	v29 =	vsub.f32 v2, v26;
	v15 =	vmax.f32 v15, v16;
	v14 =	vand.u32 $0x7FFFFFFF, v14  }
0x19d: {  	s29 =	sadd.s32 $0xFFFFFFE9, s23;
	vm11 =	vlt.f32 v15, v13;
	v13 =	vmin.f32 v13, v15;
	v15 =	vsub.f32 v0, v40  }
0x19e: {  	v11 =	vsel vm5, s29, v11;
	v9 =	vsel vm6, s29, v9;
	v14 =	vmax.f32 v14, v44  }
0x19f: {  	v16 =	vand.u32 $0x7FFFFFFF, v45;
	vm12 =	vlt.f32 v14, v12;
	v15 =	vand.u32 $0x7FFFFFFF, v15  }
0x1a0: {  	v12 =	vmin.f32 v12, v14;
	v14 =	vmax.f32 v15, v16;
	v15 =	vsub.f32 v4, v47  }
0x1a1: {  	v30 =	vand.u32 $0x7FFFFFFF, v29;
	v33 =	vbroadcast v7, $0xF;
	vm13 =	vlt.f32 v14, v10  }
0x1a2: {  	v10 =	vmin.f32 v10, v14;
	v14 =	vand.u32 $0x7FFFFFFF, v48;
	v15 =	vand.u32 $0x7FFFFFFF, v15  }
0x1a3: {  	v7 =	vand.u32 $0x7FFFFFFF, v31;
	v8 =	vsel vm7, s29, v8;
	v14 =	vmax.f32 v14, v15  }
0x1a4: {  	v32 =	vbroadcast v6, $0xF;
	v15 =	vand.u32 $0x7FFFFFFF, v49;
	vm14 =	vlt.f32 v14, v13  }
0x1a5: {  	v13 =	vmin.f32 v13, v14;
	v14 =	vmax.f32 v15, v51;
	v15 =	vsub.f32 v0, v46  }
0x1a6: {  	v34 =	vsub.f32 v4, v33;
	v36 =	vsub.f32 v2, v33;
	vm15 =	vlt.f32 v14, v12  }
0x1a7: {  	s30 =	sadd.s32 $0xFFFFFFEA, s23;
	v12 =	vmin.f32 v12, v14;
	v14 =	vand.u32 $0x7FFFFFFF, v15;
	v15 =	vand.u32 $0x7FFFFFFF, v52  }
0x1a8: {  	v11 =	vsel vm8, s30, v11;
	v9 =	vsel vm9, s30, v9;
	v14 =	vmax.f32 v14, v15  }
0x1a9: {  	v17 =	vsub.f32 v0, v32;
	v15 =	vand.u32 $0x7FFFFFFF, v55;
	vm4 =	vlt.f32 v14, v10  }
0x1aa: {  	v15 =	vmax.f32 v15, v57;
	v10 =	vmin.f32 v10, v14;
	v14 =	vand.u32 $0x7FFFFFFF, v58  }
0x1ab: {  	vm5 =	vlt.f32 v15, v13;
	v13 =	vmin.f32 v13, v15;
	v15 =	vsub.f32 v5, v54  }
0x1ac: {  	v35 =	vsub.f32 v1, v32;
	v37 =	vand.u32 $0x7FFFFFFF, v36;
	v14 =	vmax.f32 v14, v60  }
0x1ad: {  	v38 =	vand.u32 $0x7FFFFFFF, v17;
	vm6 =	vlt.f32 v14, v12;
	v15 =	vand.u32 $0x7FFFFFFF, v15  }
0x1ae: {  	v12 =	vmin.f32 v12, v14;
	v14 =	vmax.f32 v61, v15;
	v15 =	vsub.f32 v3, v62  }
0x1af: {  	vm7 =	vlt.f32 v14, v10;
	v10 =	vmin.f32 v10, v14;
	v14 =	vsub.f32 v1, v62  }
0x1b0: {  	s31 =	sadd.s32 $0xFFFFFFEB, s23;
	v8 =	vsel vm10, s30, v8;
	v16 =	vand.u32 $0x7FFFFFFF, v21;
	v15 =	vand.u32 $0x7FFFFFFF, v15  }
0x1b1: {  	v11 =	vsel vm11, s31, v11;
	v15 =	vmax.f32 v15, v16;
	v14 =	vand.u32 $0x7FFFFFFF, v14  }
0x1b2: {  	vm8 =	vlt.f32 v15, v13;
	v13 =	vmin.f32 v13, v15;
	v15 =	vsub.f32 v0, v62  }
0x1b3: {  	v9 =	vsel vm12, s31, v9;
	v8 =	vsel vm13, s31, v8;
	v14 =	vmax.f32 v14, v23  }
0x1b4: {  	v16 =	vand.u32 $0x7FFFFFFF, v24;
	vm9 =	vlt.f32 v14, v12;
	v15 =	vand.u32 $0x7FFFFFFF, v15  }
0x1b5: {  	s28 =	sadd.s32 $0xFFFFFFEC, s23;
	v12 =	vmin.f32 v12, v14;
	v14 =	vmax.f32 v15, v16;
	v15 =	vsub.f32 v4, v26  }
0x1b6: {  	v11 =	vsel vm14, s28, v11;
	v9 =	vsel vm15, s28, v9;
	vm10 =	vlt.f32 v14, v10  }
0x1b7: {  	s29 =	sadd.s32 $0xFFFFFFED, s23;
	v10 =	vmin.f32 v10, v14;
	v14 =	vand.u32 $0x7FFFFFFF, v27;
	v15 =	vand.u32 $0x7FFFFFFF, v15  }
0x1b8: {  	v8 =	vsel vm4, s28, v8;
	v11 =	vsel vm5, s29, v11;
	v14 =	vmax.f32 v14, v15  }
0x1b9: {  	v9 =	vsel vm6, s29, v9;
	v15 =	vand.u32 $0x7FFFFFFF, v28;
	vm11 =	vlt.f32 v14, v13  }
0x1ba: {  	s30 =	sadd.s32 $0xFFFFFFEE, s23;
	v13 =	vmin.f32 v13, v14;
	v14 =	vmax.f32 v15, v30;
	v15 =	vsub.f32 v0, v25  }
0x1bb: {  	v8 =	vsel vm7, s29, v8;
	v11 =	vsel vm8, s30, v11;
	v9 =	vsel vm9, s30, v9  }
0x1bc: {  	v8 =	vsel vm10, s30, v8;
	v6 =	vand.u32 $0x7FFFFFFF, v15;
	v15 =	vsub.f32 v3, v32  }
0x1bd: {  	s31 =	sadd.s32 $0xFFFFFFEF, s23;
	vm12 =	vlt.f32 v14, v12;
	v12 =	vmin.f32 v12, v14;
	v14 =	vmax.f32 v6, v7  }
0x1be: {  	v11 =	vsel vm11, s31, v11;
	vm13 =	vlt.f32 v14, v10;
	v7 =	vand.u32 $0x7FFFFFFF, v15  }
0x1bf: {  	v6 =	vld [tilespmem:s24+$0x10];
	v15 =	vand.u32 $0x7FFFFFFF, v34;
	v10 =	vmin.f32 v10, v14;
	v14 =	vand.u32 $0x7FFFFFFF, v35  }
0x1c0: {  	v9 =	vsel vm12, s31, v9;
	v15 =	vmax.f32 v7, v15;
	v14 =	vmax.f32 v14, v37  }
0x1c1: {  	vm14 =	vlt.f32 v15, v13;
	v13 =	vmin.f32 v13, v15;
	v15 =	vsub.f32 v5, v33  }
0x1c2: {  	s28 =	sadd.s32 $0xFFFFFFF0, s23;
	v8 =	vsel vm13, s31, v8;
	vm15 =	vlt.f32 v14, v12;
	v12 =	vmin.f32 v12, v14  }
0x1c3: {  	v11 =	vsel vm14, s28, v11;
	v9 =	vsel vm15, s28, v9;
	v15 =	vand.u32 $0x7FFFFFFF, v15  }
0x1c4: {  	v7 =	vld [tilespmem:s25+$0x10];
	v39 =	vbroadcast v6, $0x0;
	v45 =	vbroadcast v6, $0x1;
	v14 =	vmax.f32 v38, v15  }
0x1c5: {  	v52 =	vbroadcast v6, $0x2;
	v61 =	vbroadcast v6, $0x3;
	vm4 =	vlt.f32 v14, v10  }
0x1c6: {  	v15 =	vsub.f32 v3, v39;
	v10 =	vmin.f32 v10, v14;
	v14 =	vsub.f32 v1, v39  }
0x1c7: {  	v24 =	vbroadcast v6, $0x4;
	v47 =	vsub.f32 v3, v45;
	v48 =	vsub.f32 v1, v45  }
0x1c8: {  	v31 =	vbroadcast v6, $0x5;
	v54 =	vsub.f32 v3, v52;
	v57 =	vsub.f32 v1, v52  }
0x1c9: {  	v40 =	vbroadcast v7, $0x0;
	v17 =	vsub.f32 v0, v52;
	v26 =	vsub.f32 v3, v24  }
0x1ca: {  	v46 =	vbroadcast v7, $0x1;
	v27 =	vsub.f32 v1, v24;
	v33 =	vsub.f32 v3, v31  }
0x1cb: {  	v53 =	vbroadcast v7, $0x2;
	v36 =	vsub.f32 v1, v31;
	v41 =	vsub.f32 v4, v40  }
0x1cc: {  	v62 =	vbroadcast v7, $0x3;
	v42 =	vsub.f32 v2, v40;
	v44 =	vsub.f32 v5, v40  }
0x1cd: {  	v25 =	vbroadcast v7, $0x4;
	v49 =	vsub.f32 v2, v46;
	v51 =	vsub.f32 v5, v46  }
0x1ce: {  	v32 =	vbroadcast v7, $0x5;
	v55 =	vsub.f32 v4, v53;
	v58 =	vsub.f32 v2, v53  }
0x1cf: {  	v8 =	vsel vm4, s28, v8;
	v63 =	vsub.f32 v4, v62;
	v21 =	vsub.f32 v2, v62  }
0x1d0: {  	v15 =	vand.u32 $0x7FFFFFFF, v15;
	v23 =	vsub.f32 v5, v62;
	v28 =	vsub.f32 v2, v25  }
0x1d1: {  	v14 =	vand.u32 $0x7FFFFFFF, v14;
	v30 =	vsub.f32 v5, v25;
	v34 =	vsub.f32 v4, v32  }
0x1d2: {  	v60 =	vand.u32 $0x7FFFFFFF, v17;
	v37 =	vsub.f32 v2, v32;
	v17 =	vsub.f32 v0, v31  }
0x1d3: {  	v40 =	vbroadcast v6, $0x6;
	v62 =	vbroadcast v6, $0x9;
	v16 =	vand.u32 $0x7FFFFFFF, v41  }
0x1d4: {  	v43 =	vand.u32 $0x7FFFFFFF, v42;
	v50 =	vand.u32 $0x7FFFFFFF, v49;
	v56 =	vand.u32 $0x7FFFFFFF, v55  }
0x1d5: {  	v59 =	vand.u32 $0x7FFFFFFF, v58;
	v22 =	vand.u32 $0x7FFFFFFF, v21;
	v29 =	vand.u32 $0x7FFFFFFF, v28  }
0x1d6: {  	v35 =	vand.u32 $0x7FFFFFFF, v34;
	v38 =	vand.u32 $0x7FFFFFFF, v37;
	v41 =	vbroadcast v7, $0x6  }
0x1d7: {  	v15 =	vmax.f32 v15, v16;
	v14 =	vmax.f32 v14, v43;
	v16 =	vand.u32 $0x7FFFFFFF, v44  }
0x1d8: {  	vm5 =	vlt.f32 v15, v13;
	v13 =	vmin.f32 v13, v15;
	v15 =	vsub.f32 v0, v39  }
0x1d9: {  	s29 =	sadd.s32 $0xFFFFFFF1, s23;
	vm6 =	vlt.f32 v14, v12;
	v12 =	vmin.f32 v12, v14;
	v43 =	vsub.f32 v2, v41  }
0x1da: {  	v39 =	vand.u32 $0x7FFFFFFF, v17;
	v42 =	vsub.f32 v4, v41;
	v11 =	vsel vm5, s29, v11  }
0x1db: {  	v9 =	vsel vm6, s29, v9;
	v15 =	vand.u32 $0x7FFFFFFF, v15;
	v44 =	vand.u32 $0x7FFFFFFF, v43  }
0x1dc: {  	v14 =	vmax.f32 v15, v16;
	v15 =	vsub.f32 v4, v46;
	v16 =	vand.u32 $0x7FFFFFFF, v63  }
0x1dd: {  	v46 =	vbroadcast v6, $0x7;
	v63 =	vbroadcast v7, $0x9;
	vm7 =	vlt.f32 v14, v10  }
0x1de: {  	v10 =	vmin.f32 v10, v14;
	v14 =	vand.u32 $0x7FFFFFFF, v47;
	v47 =	vbroadcast v7, $0x7  }
0x1df: {  	v15 =	vand.u32 $0x7FFFFFFF, v15;
	v8 =	vsel vm7, s29, v8;
	v49 =	vsub.f32 v1, v46  }
0x1e0: {  	v21 =	vsub.f32 v4, v63;
	v14 =	vmax.f32 v14, v15;
	v15 =	vand.u32 $0x7FFFFFFF, v48  }
0x1e1: {  	v48 =	vsub.f32 v3, v46;
	v52 =	vsub.f32 v5, v47;
	vm8 =	vlt.f32 v14, v13  }
0x1e2: {  	v13 =	vmin.f32 v13, v14;
	v14 =	vmax.f32 v15, v50;
	v15 =	vsub.f32 v0, v45  }
0x1e3: {  	s30 =	sadd.s32 $0xFFFFFFF2, s23;
	v45 =	vsub.f32 v5, v41;
	v50 =	vsub.f32 v2, v47;
	vm9 =	vlt.f32 v14, v12  }
0x1e4: {  	v12 =	vmin.f32 v12, v14;
	v11 =	vsel vm8, s30, v11;
	v14 =	vand.u32 $0x7FFFFFFF, v15  }
0x1e5: {  	v15 =	vand.u32 $0x7FFFFFFF, v51;
	v9 =	vsel vm9, s30, v9;
	v51 =	vand.u32 $0x7FFFFFFF, v50  }
0x1e6: {  	v14 =	vmax.f32 v14, v15;
	v15 =	vand.u32 $0x7FFFFFFF, v54;
	v54 =	vbroadcast v7, $0x8  }
0x1e7: {  	vm10 =	vlt.f32 v14, v10;
	v15 =	vmax.f32 v15, v56;
	v10 =	vmin.f32 v10, v14  }
0x1e8: {  	v14 =	vand.u32 $0x7FFFFFFF, v57;
	v8 =	vsel vm10, s30, v8;
	vm11 =	vlt.f32 v15, v13  }
0x1e9: {  	v13 =	vmin.f32 v13, v15;
	v14 =	vmax.f32 v14, v59;
	v15 =	vsub.f32 v5, v53  }
0x1ea: {  	s31 =	sadd.s32 $0xFFFFFFF3, s23;
	v53 =	vbroadcast v6, $0x8;
	v56 =	vsub.f32 v4, v54;
	v59 =	vsub.f32 v2, v54  }
0x1eb: {  	v11 =	vsel vm11, s31, v11;
	vm12 =	vlt.f32 v14, v12;
	v12 =	vmin.f32 v12, v14  }
0x1ec: {  	v15 =	vand.u32 $0x7FFFFFFF, v15;
	v9 =	vsel vm12, s31, v9;
	v55 =	vsub.f32 v3, v53  }
0x1ed: {  	v57 =	vand.u32 $0x7FFFFFFF, v56;
	v14 =	vmax.f32 v60, v15;
	v15 =	vsub.f32 v3, v61  }
0x1ee: {  	v58 =	vsub.f32 v1, v53;
	v17 =	vsub.f32 v0, v53;
	vm13 =	vlt.f32 v14, v10  }
0x1ef: {  	v10 =	vmin.f32 v10, v14;
	v14 =	vsub.f32 v1, v61;
	v15 =	vand.u32 $0x7FFFFFFF, v15  }
0x1f0: {  	v60 =	vand.u32 $0x7FFFFFFF, v59;
	v8 =	vsel vm13, s31, v8;
	v15 =	vmax.f32 v15, v16  }
0x1f1: {  	v14 =	vand.u32 $0x7FFFFFFF, v14;
	v16 =	vand.u32 $0x7FFFFFFF, v23;
	vm14 =	vlt.f32 v15, v13  }
0x1f2: {  	s28 =	sadd.s32 $0xFFFFFFF4, s23;
	v13 =	vmin.f32 v13, v15;
	v14 =	vmax.f32 v14, v22;
	v15 =	vsub.f32 v0, v61  }
0x1f3: {  	v61 =	vand.u32 $0x7FFFFFFF, v17;
	v22 =	vsub.f32 v2, v63;
	v11 =	vsel vm14, s28, v11  }
0x1f4: {  	vm15 =	vlt.f32 v14, v12;
	v12 =	vmin.f32 v12, v14;
	v15 =	vand.u32 $0x7FFFFFFF, v15  }
0x1f5: {  	v9 =	vsel vm15, s28, v9;
	v23 =	vand.u32 $0x7FFFFFFF, v22;
	v14 =	vmax.f32 v15, v16  }
0x1f6: {  	v15 =	vsub.f32 v4, v25;
	v16 =	vand.u32 $0x7FFFFFFF, v42;
	v25 =	vbroadcast v6, $0xA  }
0x1f7: {  	vm4 =	vlt.f32 v14, v10;
	v10 =	vmin.f32 v10, v14;
	v14 =	vand.u32 $0x7FFFFFFF, v26  }
0x1f8: {  	v26 =	vbroadcast v7, $0xA;
	v15 =	vand.u32 $0x7FFFFFFF, v15;
	v8 =	vsel vm4, s28, v8  }
0x1f9: {  	v28 =	vsub.f32 v1, v25;
	v14 =	vmax.f32 v14, v15;
	v15 =	vand.u32 $0x7FFFFFFF, v27  }
0x1fa: {  	v27 =	vsub.f32 v3, v25;
	v31 =	vsub.f32 v5, v26;
	vm5 =	vlt.f32 v14, v13  }
0x1fb: {  	v13 =	vmin.f32 v13, v14;
	v14 =	vmax.f32 v15, v29;
	v15 =	vsub.f32 v0, v24  }
0x1fc: {  	s29 =	sadd.s32 $0xFFFFFFF5, s23;
	v24 =	vsub.f32 v5, v63;
	v29 =	vsub.f32 v2, v26;
	vm6 =	vlt.f32 v14, v12  }
0x1fd: {  	v12 =	vmin.f32 v12, v14;
	v11 =	vsel vm5, s29, v11;
	v14 =	vand.u32 $0x7FFFFFFF, v15  }
0x1fe: {  	v15 =	vand.u32 $0x7FFFFFFF, v30;
	v9 =	vsel vm6, s29, v9;
	v30 =	vand.u32 $0x7FFFFFFF, v29  }
0x1ff: {  	v14 =	vmax.f32 v14, v15;
	v15 =	vand.u32 $0x7FFFFFFF, v33;
	v33 =	vbroadcast v7, $0xB  }
0x200: {  	vm7 =	vlt.f32 v14, v10;
	v15 =	vmax.f32 v15, v35;
	v10 =	vmin.f32 v10, v14  }
0x201: {  	v14 =	vand.u32 $0x7FFFFFFF, v36;
	v8 =	vsel vm7, s29, v8;
	vm8 =	vlt.f32 v15, v13  }
0x202: {  	v13 =	vmin.f32 v13, v15;
	v14 =	vmax.f32 v14, v38;
	v15 =	vsub.f32 v5, v32  }
0x203: {  	s30 =	sadd.s32 $0xFFFFFFF6, s23;
	v32 =	vbroadcast v6, $0xB;
	v35 =	vsub.f32 v4, v33;
	v37 =	vsub.f32 v2, v33  }
0x204: {  	v11 =	vsel vm8, s30, v11;
	vm9 =	vlt.f32 v14, v12;
	v12 =	vmin.f32 v12, v14  }
0x205: {  	v15 =	vand.u32 $0x7FFFFFFF, v15;
	v9 =	vsel vm9, s30, v9;
	v34 =	vsub.f32 v3, v32  }
0x206: {  	v36 =	vand.u32 $0x7FFFFFFF, v35;
	v14 =	vmax.f32 v39, v15;
	v15 =	vsub.f32 v3, v40  }
0x207: {  	vm10 =	vlt.f32 v14, v10;
	v10 =	vmin.f32 v10, v14;
	v14 =	vsub.f32 v1, v40  }
0x208: {  	v38 =	vsub.f32 v0, v32;
	v39 =	vsub.f32 v5, v33;
	v15 =	vand.u32 $0x7FFFFFFF, v15  }
0x209: {  	v8 =	vsel vm10, s30, v8;
	v15 =	vmax.f32 v15, v16;
	v14 =	vand.u32 $0x7FFFFFFF, v14  }
0x20a: {  	vm11 =	vlt.f32 v15, v13;
	v13 =	vmin.f32 v13, v15;
	v15 =	vsub.f32 v0, v40  }
0x20b: {  	v17 =	vand.u32 $0x7FFFFFFF, v39;
	v16 =	vand.u32 $0x7FFFFFFF, v45;
	v14 =	vmax.f32 v14, v44  }
0x20c: {  	v40 =	vbroadcast v7, $0xC;
	vm12 =	vlt.f32 v14, v12;
	v15 =	vand.u32 $0x7FFFFFFF, v15  }
0x20d: {  	s31 =	sadd.s32 $0xFFFFFFF7, s23;
	v12 =	vmin.f32 v12, v14;
	v14 =	vmax.f32 v15, v16;
	v15 =	vsub.f32 v4, v47  }
0x20e: {  	v11 =	vsel vm11, s31, v11;
	v9 =	vsel vm12, s31, v9;
	vm13 =	vlt.f32 v14, v10  }
0x20f: {  	v10 =	vmin.f32 v10, v14;
	v14 =	vand.u32 $0x7FFFFFFF, v48;
	v15 =	vand.u32 $0x7FFFFFFF, v15  }
0x210: {  	v42 =	vsub.f32 v4, v40;
	v45 =	vsub.f32 v2, v40;
	v14 =	vmax.f32 v14, v15  }
0x211: {  	v16 =	vand.u32 $0x7FFFFFFF, v21;
	v15 =	vand.u32 $0x7FFFFFFF, v49;
	vm14 =	vlt.f32 v14, v13  }
0x212: {  	v13 =	vmin.f32 v13, v14;
	v14 =	vmax.f32 v15, v51;
	v15 =	vsub.f32 v0, v46  }
0x213: {  	v47 =	vsub.f32 v5, v40;
	v43 =	vand.u32 $0x7FFFFFFF, v42;
	vm15 =	vlt.f32 v14, v12  }
0x214: {  	v12 =	vmin.f32 v12, v14;
	v14 =	vand.u32 $0x7FFFFFFF, v15;
	v15 =	vand.u32 $0x7FFFFFFF, v52  }
0x215: {  	v48 =	vbroadcast v6, $0xD;
	v8 =	vsel vm13, s31, v8;
	v14 =	vmax.f32 v14, v15  }
0x216: {  	v49 =	vbroadcast v7, $0xD;
	v15 =	vand.u32 $0x7FFFFFFF, v55;
	vm4 =	vlt.f32 v14, v10  }
0x217: {  	v15 =	vmax.f32 v15, v57;
	v10 =	vmin.f32 v10, v14;
	v14 =	vand.u32 $0x7FFFFFFF, v58  }
0x218: {  	vm5 =	vlt.f32 v15, v13;
	v13 =	vmin.f32 v13, v15;
	v15 =	vsub.f32 v5, v54  }
0x219: {  	s28 =	sadd.s32 $0xFFFFFFF8, s23;
	v46 =	vand.u32 $0x7FFFFFFF, v45;
	v51 =	vsub.f32 v1, v48;
	v14 =	vmax.f32 v14, v60  }
0x21a: {  	v11 =	vsel vm14, s28, v11;
	vm6 =	vlt.f32 v14, v12;
	v15 =	vand.u32 $0x7FFFFFFF, v15  }
0x21b: {  	v12 =	vmin.f32 v12, v14;
	v14 =	vmax.f32 v61, v15;
	v15 =	vsub.f32 v3, v62  }
0x21c: {  	vm7 =	vlt.f32 v14, v10;
	v10 =	vmin.f32 v10, v14;
	v14 =	vsub.f32 v1, v62  }
0x21d: {  	v50 =	vsub.f32 v4, v49;
	v53 =	vsub.f32 v5, v49;
	v15 =	vand.u32 $0x7FFFFFFF, v15  }
0x21e: {  	v9 =	vsel vm15, s28, v9;
	v15 =	vmax.f32 v15, v16;
	v14 =	vand.u32 $0x7FFFFFFF, v14  }
0x21f: {  	vm8 =	vlt.f32 v15, v13;
	v13 =	vmin.f32 v13, v15;
	v15 =	vsub.f32 v0, v62  }
0x220: {  	v52 =	vsub.f32 v0, v48;
	v8 =	vsel vm4, s28, v8;
	v14 =	vmax.f32 v14, v23  }
0x221: {  	v16 =	vand.u32 $0x7FFFFFFF, v24;
	vm9 =	vlt.f32 v14, v12;
	v15 =	vand.u32 $0x7FFFFFFF, v15  }
0x222: {  	v12 =	vmin.f32 v12, v14;
	v14 =	vmax.f32 v15, v16;
	v15 =	vsub.f32 v4, v26  }
0x223: {  	v54 =	vbroadcast v7, $0xE;
	v7 =	vbroadcast v7, $0xF;
	vm10 =	vlt.f32 v14, v10  }
0x224: {  	s29 =	sadd.s32 $0xFFFFFFF9, s23;
	v10 =	vmin.f32 v10, v14;
	v14 =	vand.u32 $0x7FFFFFFF, v27;
	v15 =	vand.u32 $0x7FFFFFFF, v15  }
0x225: {  	v11 =	vsel vm5, s29, v11;
	v9 =	vsel vm6, s29, v9;
	v14 =	vmax.f32 v14, v15  }
0x226: {  	v56 =	vsub.f32 v4, v54;
	v15 =	vand.u32 $0x7FFFFFFF, v28;
	vm11 =	vlt.f32 v14, v13  }
0x227: {  	v13 =	vmin.f32 v13, v14;
	v14 =	vmax.f32 v15, v30;
	v15 =	vsub.f32 v0, v25  }
0x228: {  	v59 =	vsub.f32 v2, v54;
	v63 =	vsub.f32 v2, v7;
	vm12 =	vlt.f32 v14, v12  }
0x229: {  	v12 =	vmin.f32 v12, v14;
	v14 =	vand.u32 $0x7FFFFFFF, v15;
	v15 =	vand.u32 $0x7FFFFFFF, v31  }
0x22a: {  	v61 =	vsub.f32 v5, v54;
	v57 =	vand.u32 $0x7FFFFFFF, v56;
	v14 =	vmax.f32 v14, v15  }
0x22b: {  	v60 =	vand.u32 $0x7FFFFFFF, v59;
	v15 =	vand.u32 $0x7FFFFFFF, v34;
	vm13 =	vlt.f32 v14, v10  }
0x22c: {  	v10 =	vmin.f32 v10, v14;
	v14 =	vmax.f32 v15, v36;
	v15 =	vsub.f32 v1, v32  }
0x22d: {  	v8 =	vsel vm7, s29, v8;
	v62 =	vsub.f32 v4, v7;
	vm14 =	vlt.f32 v14, v13  }
0x22e: {  	v13 =	vmin.f32 v13, v14;
	v14 =	vand.u32 $0x7FFFFFFF, v15;
	v15 =	vand.u32 $0x7FFFFFFF, v37  }
0x22f: {  	s30 =	sadd.s32 $0xFFFFFFFA, s23;
	v7 =	vsub.f32 v5, v7;
	v14 =	vmax.f32 v14, v15;
	v15 =	vbroadcast v6, $0xC  }
0x230: {  	v11 =	vsel vm8, s30, v11;
	v9 =	vsel vm9, s30, v9;
	v16 =	vand.u32 $0x7FFFFFFF, v38  }
0x231: {  	v7 =	vand.u32 $0x7FFFFFFF, v7;
	v16 =	vmax.f32 v16, v17;
	v41 =	vsub.f32 v3, v15  }
0x232: {  	v17 =	vand.u32 $0x7FFFFFFF, v53;
	v8 =	vsel vm10, s30, v8;
	vm15 =	vlt.f32 v14, v12  }
0x233: {  	s31 =	sadd.s32 $0xFFFFFFFB, s23;
	v12 =	vmin.f32 v12, v14;
	v44 =	vsub.f32 v1, v15;
	v14 =	vand.u32 $0x7FFFFFFF, v41  }
0x234: {  	v11 =	vsel vm11, s31, v11;
	v9 =	vsel vm12, s31, v9;
	v14 =	vmax.f32 v14, v43  }
0x235: {  	vm5 =	vlt.f32 v14, v13;
	v13 =	vmin.f32 v13, v14;
	v14 =	vand.u32 $0x7FFFFFFF, v44  }
0x236: {  	v8 =	vsel vm13, s31, v8;
	v15 =	vsub.f32 v0, v15;
	v14 =	vmax.f32 v14, v46  }
0x237: {  	vm4 =	vlt.f32 v16, v10;
	v10 =	vmin.f32 v10, v16;
	vm6 =	vlt.f32 v14, v12  }
0x238: {  	v12 =	vmin.f32 v12, v14;
	v14 =	vand.u32 $0x7FFFFFFF, v15;
	v15 =	vand.u32 $0x7FFFFFFF, v47  }
0x239: {  	s28 =	sadd.s32 $0xFFFFFFFC, s23;
	v16 =	vand.u32 $0x7FFFFFFF, v52;
	v14 =	vmax.f32 v14, v15;
	v15 =	vsub.f32 v3, v48  }
0x23a: {  	v11 =	vsel vm14, s28, v11;
	v8 =	vsel vm4, s28, v8;
	vm7 =	vlt.f32 v14, v10  }
0x23b: {  	v10 =	vmin.f32 v10, v14;
	v14 =	vand.u32 $0x7FFFFFFF, v15;
	v15 =	vand.u32 $0x7FFFFFFF, v50  }
0x23c: {  	v16 =	vmax.f32 v16, v17;
	v14 =	vmax.f32 v14, v15;
	v15 =	vsub.f32 v2, v49  }
0x23d: {  	v17 =	vand.u32 $0x7FFFFFFF, v63;
	v9 =	vsel vm15, s28, v9;
	vm8 =	vlt.f32 v14, v13  }
0x23e: {  	s29 =	sadd.s32 $0xFFFFFFFD, s23;
	v13 =	vmin.f32 v13, v14;
	v14 =	vand.u32 $0x7FFFFFFF, v51;
	v15 =	vand.u32 $0x7FFFFFFF, v15  }
0x23f: {  	v11 =	vsel vm5, s29, v11;
	v14 =	vmax.f32 v14, v15;
	v15 =	vbroadcast v6, $0xE  }
0x240: {  	v9 =	vsel vm6, s29, v9;
	v8 =	vsel vm7, s29, v8;
	vm10 =	vlt.f32 v16, v10  }
0x241: {  	s30 =	sadd.s32 $0xFFFFFFFE, s23;
	v10 =	vmin.f32 v10, v16;
	v16 =	vand.u32 $0x7FFFFFFF, v61;
	v55 =	vsub.f32 v3, v15  }
0x242: {  	v8 =	vsel vm10, s30, v8;
	v11 =	vsel vm8, s30, v11;
	vm9 =	vlt.f32 v14, v12  }
0x243: {  	v12 =	vmin.f32 v12, v14;
	v58 =	vsub.f32 v1, v15;
	v14 =	vand.u32 $0x7FFFFFFF, v55  }
0x244: {  	v6 =	vbroadcast v6, $0xF;
	v15 =	vsub.f32 v0, v15;
	v14 =	vmax.f32 v14, v57  }
0x245: {  	vm2 =	vlt.f32 v14, v13;
	v13 =	vmin.f32 v13, v14;
	v14 =	vand.u32 $0x7FFFFFFF, v58  }
0x246: {  	v9 =	vsel vm9, s30, v9;
	v15 =	vand.u32 $0x7FFFFFFF, v15;
	v14 =	vmax.f32 v14, v60  }
0x247: {  	s31 =	sadd.s32 $0xFFFFFFFF, s23;
	vm11 =	vlt.f32 v14, v12;
	v12 =	vmin.f32 v12, v14;
	v14 =	vmax.f32 v15, v16  }
0x248: {  	v11 =	vsel vm2, s31, v11;
	v15 =	vsub.f32 v3, v6;
	vm12 =	vlt.f32 v14, v10  }
0x249: {  	s22 =	sadd.s32 $0x4, s22;
	v10 =	vmin.f32 v10, v14;
	v14 =	vsub.f32 v1, v6;
	v6 =	vsub.f32 v0, v6  }
0x24a: {  	p0 =	slt.u32 s22, $0x1FC;
	v16 =	vand.u32 $0x7FFFFFFF, v62;
	v9 =	vsel vm11, s31, v9;
	v8 =	vsel vm12, s31, v8  }
.Ltmp0:
0x24b: {  	v15 =	vand.u32 $0x7FFFFFFF, v15;
	v14 =	vand.u32 $0x7FFFFFFF, v14;
	v6 =	vand.u32 $0x7FFFFFFF, v6;
	(pc) =	sbr.rel @p0 .LBB2_2-.Ltmp0, $4  }
0x24c: {  	v15 =	vmax.f32 v15, v16;
	v14 =	vmax.f32 v14, v17;
	v6 =	vmax.f32 v6, v7  }
0x24d: {  	vm13 =	vlt.f32 v15, v13;
	v13 =	vmin.f32 v13, v15;
	vm14 =	vlt.f32 v14, v12  }
0x24e: {  	vm15 =	vlt.f32 v6, v10;
	v11 =	vsel vm13, s23, v11;
	v12 =	vmin.f32 v12, v14  }
0x24f: {  	s24 =	sadd.s32 $0x40, s24;
	s25 =	sadd.s32 $0x40, s25;
	v10 =	vmin.f32 v10, v6;
	v9 =	vsel vm14, s23, v9;
	v8 =	vsel vm15, s23, v8;
	s23 =	sadd.s32 $0x40, s23  }
0x250: {  	[tilespmem:$0x4200] =	vst v11  }
0x251: {  	[tilespmem:$0x4210] =	vst v9  }
0x252: {  	[tilespmem:$0x4220] =	vst v8  }
0x253: {  	[tilespmem:s16], [sflag:$0x1] =	stream.indirect.gather [hbm4b:s4+s14], $0x1, s15, s14, $0xb8;
	[tilespmem:$0x4380] =	vst v63  }
0x254: {  	_ =	swait.ge [sflag:s17], $0x30  }
0x255: {  	[sflag:s17] =	ssyncset.done $0x0  }
0x256: {  	[sflag:s17] =	ssyncadd.s32 $0xFFFFFFD0  }
0x257: {  	[tilespmem:s18], [sflag:$0x1] =	stream.indirect.gather [hbm4b:s2+s14], $0x1, s15, s14, $0xb8;
	[tilespmem:$0x4380] =	vst v63  }
0x258: {  	_ =	swait.ge [sflag:s17], $0x30  }
0x259: {  	[sflag:s17] =	ssyncset.done $0x0  }
0x25a: {  	[sflag:s17] =	ssyncadd.s32 $0xFFFFFFD0  }
0x25b: {  	v6 =	vld [tilespmem:$0x4280]  }
0x25c: {  	v7 =	vld [tilespmem:$0x4300]  }
0x25d: {  	v60 =	vld [tilespmem:$0x4290]  }
0x25e: {  	v61 =	vld [tilespmem:$0x4310]  }
0x25f: {  	v10 =	vld [tilespmem:$0x42A0]  }
0x260: {  	v62 =	vld [tilespmem:$0x4320];
	v3 =	vsub.f32 v3, v6  }
0x261: {  	v4 =	vsub.f32 v4, v7  }
0x262: {  	v1 =	vsub.f32 v1, v60;
	[tilespmem:$0x4100] =	vst v3  }
0x263: {  	v2 =	vsub.f32 v2, v61;
	[tilespmem:$0x4180] =	vst v4  }
0x264: {  	v0 =	vsub.f32 v0, v10;
	[tilespmem:$0x4110] =	vst v1  }
0x265: {  	v63 =	vsub.f32 v5, v62;
	[tilespmem:$0x4190] =	vst v2  }
0x266: {  	[tilespmem:$0x4120] =	vst v0  }
0x267: {  	[tilespmem:$0x41A0] =	vst v63  }
0x268: {  	[hbm4b:s7+s3] =	stream.linear.scatter [tilespmem:s19], [sflag:$0x2], $0x30, $0x38;
	[tilespmem:$0x4380] =	vst v63  }
0x269: {  	s21 =	sadd.s32 $0x1, s21;
	_ =	swait.ge [sflag:s10], $0x30  }
0x26a: {  	p0 =	sne.s32 s21, s9;
	[sflag:s10] =	ssyncset.done $0x0  }
.Ltmp1:
0x26b: {  	[sflag:s10] =	ssyncadd.s32 $0xFFFFFFD0;
	(pc) =	sbr.rel @p0 .LBB2_1-.Ltmp1, $4  }
0x26c: {  	[hbm4b:s8+s3] =	stream.linear.scatter [tilespmem:s20], [sflag:$0x2], $0x30, $0x38;
	[tilespmem:$0x4380] =	vst v63  }
0x26d: {  	_ =	swait.ge [sflag:s10], $0x30  }
0x26e: {  	[sflag:s10] =	ssyncset.done $0x0  }
0x26f: {  	[sflag:s10] =	ssyncadd.s32 $0xFFFFFFD0  }
0x270: {  	_ =	sfence.sel $0x180000  }
0x271: {  	[bflag:$0x0] =	sbarrier.arrive $0xFFFF  }
0x272: {  	p0 =	sne.s32 s0, $0x0;
	_ =	strace $0x90000047  }
0x273: {  	s0 =	sadd.s32 @!p0 $0x100000, s1;
	[bflag:$0x2] =	sbarrier.arrive $0xFFFF  }
0x274: {  	[sflag:s0] =	ssyncadd.tile.s32 @!p0 $0x1;
	_ =	shalt  }
.Lfunc_end2:
_tile_overlayer_lowered:
.L_overlay_start_2:
0x275: {  	(tag) =	ssettag $0x2  }
0x276: {  	s0 =	rddreg [dreg:$0x0];
	s2 =	stileid.u32  }
0x277: {  	s1 =	rddreg [dreg:$0x1];
	p0 =	sne.s32 s2, $0x0  }
0x278: {  	s3 =	rddreg [dreg:$0x2];
	[bflag:$0x3] =	sbarrier.arrive $0xFFFF;
	s2 =	simm.s32 @!p0 $0x1C02  }
0x279: {  	[timem:s3], [sflag:s2] =	dma.local @!p0 [hbm:s0], s1  }
0x27a: {  	s0 =	simm.s32 @!p0 $0x2  }
0x27b: {  	_ =	swait.ge @!p0 [sflag:s0], s1  }
0x27c: {  	s1 =	ssub.s32 @!p0 $0x0, s1;
	[sflag:s0] =	ssyncset.done @!p0 $0x0  }
0x27d: {  	[sflag:s0] =	ssyncadd.s32 @!p0 s1  }
0x27e: {  	[bflag:$0x3] =	sbarrier.arrive $0xFFFF  }
0x27f: {  	_ =	shalt  }

</sc_bundles>
